<compile_context>
chip_gen: v7x
topology: tpu7x:2x2x1
jax: 0.10.2.dev20260603
libtpu: 0.0.44.dev20260713+nightly
codegen_flags: <defaults>
</compile_context>

<pallas_src>
import functools

import jax
import jax.numpy as jnp
from jax import lax
from jax.experimental import pallas as pl
from jax.experimental.pallas import tpu as pltpu
from jax.experimental.pallas import tpu_sc as plsc

LATENT = 128
EPS = 1e-5

_NC = 2
_NS = 16
_NW = _NC * _NS



def _proj_body(x_ref, wi_ref, wj_ref, a_ref, b_ref):
    x = x_ref[...]
    a_ref[...] = jnp.dot(x, wi_ref[...], preferred_element_type=jnp.float32)
    b_ref[...] = jnp.dot(x, wj_ref[...], preferred_element_type=jnp.float32)


def _project(x, w_dst, w_src):
    n = x.shape[0]
    blk = 2000
    grid = n // blk
    return pl.pallas_call(
        _proj_body,
        grid=(grid,),
        in_specs=[
            pl.BlockSpec((blk, LATENT), lambda i: (i, 0)),
            pl.BlockSpec((LATENT, LATENT), lambda i: (0, 0)),
            pl.BlockSpec((LATENT, LATENT), lambda i: (0, 0)),
        ],
        out_specs=[
            pl.BlockSpec((blk, LATENT), lambda i: (i, 0)),
            pl.BlockSpec((blk, LATENT), lambda i: (i, 0)),
        ],
        out_shape=[
            jax.ShapeDtypeStruct((n, LATENT), jnp.float32),
            jax.ShapeDtypeStruct((n, LATENT), jnp.float32),
        ],
    )(x, w_dst, w_src)


def _edge_body(g_ref, ea_ref, w0_ref, b0_ref, w1_ref, b1_ref,
               w2_ref, b2_ref, gam_ref, bet_ref, out_ref):
    ea = ea_ref[...]
    h = jnp.dot(ea, w0_ref[...], preferred_element_type=jnp.float32)
    h = h + g_ref[...] + b0_ref[...]
    h = jnp.maximum(h, 0.0)
    h = jnp.dot(h, w1_ref[...], preferred_element_type=jnp.float32) + b1_ref[...]
    h = jnp.maximum(h, 0.0)
    h = jnp.dot(h, w2_ref[...], preferred_element_type=jnp.float32) + b2_ref[...]
    mu = jnp.mean(h, axis=-1, keepdims=True)
    var = jnp.mean((h - mu) ** 2, axis=-1, keepdims=True)
    h = (h - mu) * lax.rsqrt(var + EPS) * gam_ref[...] + bet_ref[...]
    out_ref[...] = h + ea


def _edge_mlp(g, ea, p, ea_off_blocks=0):
    e = g.shape[0]
    blk = 8000
    grid = e // blk
    row = lambda v: v.reshape(1, LATENT)
    wspec = pl.BlockSpec((LATENT, LATENT), lambda i: (0, 0))
    vspec = pl.BlockSpec((1, LATENT), lambda i: (0, 0))
    espec = pl.BlockSpec((blk, LATENT), lambda i: (i, 0))
    easpec = pl.BlockSpec((blk, LATENT), lambda i: (i + ea_off_blocks, 0))
    return pl.pallas_call(
        _edge_body,
        grid=(grid,),
        in_specs=[espec, easpec,
                  wspec, vspec, wspec, vspec, wspec, vspec, vspec, vspec],
        out_specs=espec,
        out_shape=jax.ShapeDtypeStruct((e, LATENT), jnp.float32),
    )(g, ea, p['W0'][2 * LATENT:], row(p['b0']), p['W1'], row(p['b1']),
      p['W2'], row(p['b2']), row(p['gamma']), row(p['beta']))


def _node_body(x_ref, p0_ref, p1_ref, v0a_ref, v0b_ref,
               c0_ref, v1_ref, c1_ref, v2_ref, c2_ref, gam_ref, bet_ref,
               wi_ref, wj_ref, out_ref, a_ref, b_ref, *, with_next):
    x = x_ref[...]
    agg = p0_ref[...] + p1_ref[...]
    h = jnp.dot(x, v0a_ref[...], preferred_element_type=jnp.float32)
    h = h + jnp.dot(agg, v0b_ref[...], preferred_element_type=jnp.float32)
    h = h + c0_ref[...]
    h = jnp.maximum(h, 0.0)
    h = jnp.dot(h, v1_ref[...], preferred_element_type=jnp.float32) + c1_ref[...]
    h = jnp.maximum(h, 0.0)
    h = jnp.dot(h, v2_ref[...], preferred_element_type=jnp.float32) + c2_ref[...]
    mu = jnp.mean(h, axis=-1, keepdims=True)
    var = jnp.mean((h - mu) ** 2, axis=-1, keepdims=True)
    h = (h - mu) * lax.rsqrt(var + EPS) * gam_ref[...] + bet_ref[...]
    xn = h + x
    out_ref[...] = xn
    if with_next:
        a_ref[...] = jnp.dot(xn, wi_ref[...], preferred_element_type=jnp.float32)
        b_ref[...] = jnp.dot(xn, wj_ref[...], preferred_element_type=jnp.float32)


def _node_mlp(x, parts, p, wnext):
    n = x.shape[0]
    blk = 2000
    grid = n // blk
    with_next = wnext is not None
    row = lambda v: v.reshape(1, LATENT)
    wspec = pl.BlockSpec((LATENT, LATENT), lambda i: (0, 0))
    vspec = pl.BlockSpec((1, LATENT), lambda i: (0, 0))
    nspec = pl.BlockSpec((blk, LATENT), lambda i: (i, 0))
    if with_next:
        wi = wnext[:LATENT]
        wj = wnext[LATENT:2 * LATENT]
    else:
        wi = wj = jnp.zeros((LATENT, LATENT), jnp.float32)
    nls = jax.ShapeDtypeStruct((n, LATENT), jnp.float32)
    outs = pl.pallas_call(
        functools.partial(_node_body, with_next=with_next),
        grid=(grid,),
        in_specs=[nspec, nspec, nspec,
                  wspec, wspec, vspec, wspec, vspec, wspec, vspec,
                  vspec, vspec, wspec, wspec],
        out_specs=[nspec, nspec, nspec],
        out_shape=[nls, nls, nls],
    )(x, parts[0], parts[1],
      p['W0'][:LATENT], p['W0'][LATENT:], row(p['b0']),
      p['W1'], row(p['b1']), p['W2'], row(p['b2']),
      row(p['gamma']), row(p['beta']), wi, wj)
    return outs



def _gather_fused(a, b, src, dst):
    e = src.shape[0]
    assert e % _NW == 0
    e_per_w = e // _NW
    c = next(cc for cc in range(128, 0, -8) if e_per_w % cc == 0)
    nch = e_per_w // c
    npairs = (nch + 1) // 2

    mesh = plsc.VectorSubcoreMesh(core_axis_name="c", subcore_axis_name="s")

    def _add_rows(ra, rb):
        @pl.loop(0, c)
        def _row(r):
            for l in range(LATENT // 16):
                sl = pl.ds(l * 16, 16)
                ra[r, sl] = ra[r, sl] + rb[r, sl]

    @functools.partial(
        pl.kernel,
        out_type=jax.ShapeDtypeStruct((e, LATENT), jnp.float32),
        mesh=mesh,
        scratch_types=[
            pltpu.VMEM((c,), jnp.int32), pltpu.VMEM((c,), jnp.int32),
            pltpu.VMEM((c,), jnp.int32), pltpu.VMEM((c,), jnp.int32),
            pltpu.VMEM((c, LATENT), jnp.float32),
            pltpu.VMEM((c, LATENT), jnp.float32),
            pltpu.VMEM((c, LATENT), jnp.float32),
            pltpu.VMEM((c, LATENT), jnp.float32),
            pltpu.SemaphoreType.DMA, pltpu.SemaphoreType.DMA,
            pltpu.SemaphoreType.DMA, pltpu.SemaphoreType.DMA,
            pltpu.SemaphoreType.DMA, pltpu.SemaphoreType.DMA,
        ],
    )
    def gk(a_hbm, b_hbm, src_hbm, dst_hbm, g_hbm,
           idx_d0, idx_s0, idx_d1, idx_s1, ra0, rb0, ra1, rb1,
           sa0, sb0, sa1, sb1, sw0, sw1):
        wid = lax.axis_index("s") * _NC + lax.axis_index("c")
        base = wid * e_per_w
        slots = ((idx_d0, idx_s0, ra0, rb0, sa0, sb0, sw0),
                 (idx_d1, idx_s1, ra1, rb1, sa1, sb1, sw1))

        def load_and_issue(k, slot):
            idx_d, idx_s, ra, rb, sa, sb, _ = slot
            off = base + k * c
            pltpu.sync_copy(dst_hbm.at[pl.ds(off, c)], idx_d)
            pltpu.sync_copy(src_hbm.at[pl.ds(off, c)], idx_s)
            pltpu.async_copy(a_hbm.at[idx_d], ra, sa)
            pltpu.async_copy(b_hbm.at[idx_s], rb, sb)

        def wait_gathers(slot):
            idx_d, idx_s, ra, rb, sa, sb, _ = slot
            pltpu.make_async_copy(a_hbm.at[idx_d], ra, sa).wait()
            pltpu.make_async_copy(b_hbm.at[idx_s], rb, sb).wait()

        def wait_writeout(k, slot):
            _, _, ra, _, _, _, sw = slot
            off = base + k * c
            pltpu.make_async_copy(ra, g_hbm.at[pl.ds(off, c)], sw).wait()

        load_and_issue(0, slots[0])
        load_and_issue(1, slots[1])

        @pl.loop(0, npairs)
        def _pair(jp):
            j0 = 2 * jp
            for si in range(2):
                j = j0 + si
                slot = slots[si]
                idx_d, idx_s, ra, rb, sa, sb, sw = slot

                @pl.when(j < nch)
                def _():
                    wait_gathers(slot)
                    _add_rows(ra, rb)
                    off = base + j * c
                    pltpu.async_copy(ra, g_hbm.at[pl.ds(off, c)], sw)

                    @pl.when(j + 2 < nch)
                    def _():
                        wait_writeout(j, slot)
                        load_and_issue(j + 2, slot)

                    @pl.when(j + 2 >= nch)
                    def _():
                        wait_writeout(j, slot)

    return gk(a, b, src, dst)


def _scatter_sum(ue, dst, n):
    e = ue.shape[0]
    assert e % _NW == 0
    e_per_w = e // _NW
    c = next(cc for cc in range(128, 0, -8) if e_per_w % cc == 0)
    nch = e_per_w // c
    stripe = -(-n // (_NS * 8)) * 8
    n_pad = stripe * _NS

    mesh = plsc.VectorSubcoreMesh(core_axis_name="c", subcore_axis_name="s")

    @functools.partial(
        pl.kernel,
        out_type=jax.ShapeDtypeStruct((_NC, n_pad, LATENT), jnp.float32),
        mesh=mesh,
        scratch_types=[
            pltpu.VMEM((c,), jnp.int32), pltpu.VMEM((c,), jnp.int32),
            pltpu.VMEM((c, LATENT), jnp.float32),
            pltpu.VMEM((c, LATENT), jnp.float32),
            pltpu.VMEM_SHARED((n_pad, LATENT), jnp.float32),
            pltpu.SemaphoreType.DMA, pltpu.SemaphoreType.DMA,
            pltpu.SemaphoreType.DMA, pltpu.SemaphoreType.DMA,
        ],
    )
    def sk(ue_hbm, dst_hbm, z_hbm, out_hbm, idx0, idx1, r0, r1, acc,
           si0, sr0, si1, sr1):
        cid = lax.axis_index("c")
        sid = lax.axis_index("s")
        wid = sid * _NC + cid
        base = wid * e_per_w
        s0 = sid * stripe
        zcp = pltpu.async_copy(z_hbm, acc.at[pl.ds(s0, stripe)], si0)
        slots = ((idx0, r0, si0, sr0), (idx1, r1, si1, sr1))
        npairs = (nch + 1) // 2

        def issue(k, slot):
            idx, rows, si, sr = slot
            off = base + k * c
            pltpu.async_copy(dst_hbm.at[pl.ds(off, c)], idx, si)
            pltpu.async_copy(ue_hbm.at[pl.ds(off, c)], rows, sr)

        def wait_loads(k, slot):
            idx, rows, si, sr = slot
            off = base + k * c
            pltpu.make_async_copy(dst_hbm.at[pl.ds(off, c)], idx, si).wait()
            pltpu.make_async_copy(ue_hbm.at[pl.ds(off, c)], rows, sr).wait()

        zcp.wait()
        plsc.subcore_barrier()
        issue(0, slots[0])
        issue(1, slots[1])

        @pl.loop(0, npairs)
        def _pair(jp):
            j0 = 2 * jp
            for si_ in range(2):
                j = j0 + si_
                slot = slots[si_]

                @pl.when(j < nch)
                def _():
                    wait_loads(j, slot)
                    pltpu.sync_copy(slot[1], acc.at[slot[0]], add=True)

                    @pl.when(j + 2 < nch)
                    def _():
                        issue(j + 2, slot)

        plsc.subcore_barrier()
        pltpu.sync_copy(acc.at[pl.ds(s0, stripe)],
                        out_hbm.at[cid, pl.ds(s0, stripe)])

    parts = sk(ue, dst, jnp.zeros((stripe, LATENT), jnp.float32))
    return parts[0], parts[1]



def kernel(x, edge_index, edge_attr, params):
    n = x.shape[0]
    src = edge_index[0].astype(jnp.int32)
    dst = edge_index[1].astype(jnp.int32)
    steps = len(params)
    a, b = _project(x, params[0]['edge']['W0'][:LATENT],
                    params[0]['edge']['W0'][LATENT:2 * LATENT])
    for s in range(steps):
        p = params[s]
        g = _gather_fused(a, b, src, dst)
        edge_attr = _edge_mlp(g, edge_attr, p['edge'])
        parts = _scatter_sum(edge_attr, dst, n)
        wnext = params[s + 1]['edge']['W0'] if s + 1 < steps else None
        x, a, b = _node_mlp(x, parts, p['node'], wnext)
    return (x, edge_attr)

# --- scband reference (transcript-rebuilt; emitter-appended) ---
"""Pipeline reference for scband-mgnprocessor-37117107372676 (READ-ONLY COPY).

The authoritative reference and input builder live on the scoring server;
editing this copy changes nothing except your own understanding.
"""

import jax, jax.numpy as jnp
import numpy as np

LATENT = 128
NUM_MLP_LAYERS = 2
STEPS = 2
N_NODES = 10000
N_EDGES = 320000


def _make_mlp_params(key, widths):
    ps = {}
    ks = jax.random.split(key, len(widths) - 1)
    for i in range(len(widths) - 1):
        ps[f'W{i}'] = jax.random.normal(ks[i], (widths[i], widths[i + 1]), dtype=jnp.float32) / jnp.sqrt(widths[i])
        ps[f'b{i}'] = jnp.zeros((widths[i + 1],), dtype=jnp.float32)
    ps['gamma'] = jnp.ones((widths[-1],), dtype=jnp.float32)
    ps['beta'] = jnp.zeros((widths[-1],), dtype=jnp.float32)
    return ps


def setup_inputs(seed: int = 0) -> dict:
    key = jax.random.key(seed)
    kx, ke, ki, kp = jax.random.split(key, 4)
    x = jax.random.normal(kx, (N_NODES, LATENT), dtype=jnp.float32)
    edge_attr = jax.random.normal(ke, (N_EDGES, LATENT), dtype=jnp.float32)
    edge_index = jax.random.randint(ki, (2, N_EDGES), 0, N_NODES, dtype=jnp.int64)
    edge_widths = [3 * LATENT] + (NUM_MLP_LAYERS + 1) * [LATENT]
    node_widths = [2 * LATENT] + (NUM_MLP_LAYERS + 1) * [LATENT]
    params = []
    for s in range(STEPS):
        k1, k2 = jax.random.split(jax.random.fold_in(kp, s))
        params.append({'edge': _make_mlp_params(k1, edge_widths), 'node': _make_mlp_params(k2, node_widths)})
    return {'x': x, 'edge_index': edge_index, 'edge_attr': edge_attr, 'params': params}


def _mlp(p, h, n_lin):
    for i in range(n_lin):
        h = h @ p[f'W{i}'] + p[f'b{i}']
        if i < n_lin - 1:
            h = jax.nn.relu(h)
    mu = jnp.mean(h, axis=-1, keepdims=True)
    var = jnp.var(h, axis=-1, keepdims=True)
    h = (h - mu) / jnp.sqrt(var + 1e-5) * p['gamma'] + p['beta']
    return h


def _layer(p, x, edge_attr, edge_index):
    src = edge_index[0]
    dst = edge_index[1]
    x_j = jnp.take(x, src, axis=0)
    x_i = jnp.take(x, dst, axis=0)
    msg_in = jnp.concatenate([x_i, x_j, edge_attr], axis=1)
    updated_edges = _mlp(p['edge'], msg_in, NUM_MLP_LAYERS + 1) + edge_attr
    aggregated = jax.ops.segment_sum(updated_edges, dst, num_segments=x.shape[0])
    node_in = jnp.concatenate([x, aggregated], axis=1)
    updated_nodes = _mlp(p['node'], node_in, NUM_MLP_LAYERS + 1) + x
    return updated_nodes, updated_edges


def reference(x, edge_index, edge_attr, params):
    for p in params:
        x, edge_attr = _layer(p, x, edge_attr, edge_index)
    return (x, edge_attr)

if __name__ == "__main__":
    import jax
    _d = setup_inputs()
    print(jax.jit(kernel)(*tuple(_d.values())))

</pallas_src>

<mosaic_0001>
#map = affine_map<(d0, d1) -> (0, 0)>
#map1 = affine_map<(d0, d1) -> (0)>
module attributes {stable_mosaic.version = 14 : i64} {
  func.func @gk(%arg0: i32, %arg1: i32, %arg2: memref<10000x128xf32, #tpu.memory_space<hbm>>, %arg3: memref<10000x128xf32, #tpu.memory_space<hbm>>, %arg4: memref<320000xi32, #tpu.memory_space<hbm>>, %arg5: memref<320000xi32, #tpu.memory_space<hbm>>, %arg6: memref<320000x128xf32, #tpu.memory_space<hbm>>, %arg7: memref<80xi32, #tpu.memory_space<vmem>>, %arg8: memref<80xi32, #tpu.memory_space<vmem>>, %arg9: memref<80xi32, #tpu.memory_space<vmem>>, %arg10: memref<80xi32, #tpu.memory_space<vmem>>, %arg11: memref<80x128xf32, #tpu.memory_space<vmem>>, %arg12: memref<80x128xf32, #tpu.memory_space<vmem>>, %arg13: memref<80x128xf32, #tpu.memory_space<vmem>>, %arg14: memref<80x128xf32, #tpu.memory_space<vmem>>, %arg15: memref<!tpu.dma_semaphore, #tpu.memory_space<semaphore_mem>>, %arg16: memref<!tpu.dma_semaphore, #tpu.memory_space<semaphore_mem>>, %arg17: memref<!tpu.dma_semaphore, #tpu.memory_space<semaphore_mem>>, %arg18: memref<!tpu.dma_semaphore, #tpu.memory_space<semaphore_mem>>, %arg19: memref<!tpu.dma_semaphore, #tpu.memory_space<semaphore_mem>>, %arg20: memref<!tpu.dma_semaphore, #tpu.memory_space<semaphore_mem>>) attributes {dimension_semantics = [#tpu.dimension_semantics<core_parallel>, #tpu.dimension_semantics<subcore_parallel>], iteration_bounds = array<i64: 2, 16>, scalar_prefetch = 0 : i64, scratch_operands = 14 : i64, tpu.core_type = #tpu.core_type<sc_vector_subcore>, window_params = [{transform_indices = #map}, {transform_indices = #map}, {transform_indices = #map1}, {transform_indices = #map1}, {transform_indices = #map}]} {
    %mul3A = arith.constant 2 : i32
    %mul3A_0 = arith.muli %arg1, %mul3A : i32
    %add3A = arith.addi %mul3A_0, %arg0 : i32
    %mul3A_1 = arith.constant 10000 : i32
    %mul3A_2 = arith.muli %add3A, %mul3A_1 : i32
    %add3A_3 = arith.constant 0 : i32
    %add3A_4 = arith.addi %mul3A_2, %add3A_3 : i32
    "tpu.region"() ({
      %run_scoped3A = tpu.sem_alloc : memref<!tpu.dma_semaphore, #tpu.memory_space<semaphore_mem>>
      %dma_start3A_22 = tpu.memref_slice %arg5[%add3A_4] : memref<320000xi32, #tpu.memory_space<hbm>> -> memref<80xi32, #tpu.memory_space<hbm>>
      %dma_start3A_23 = tpu.memref_slice %arg5[%add3A_4] : memref<320000xi32, #tpu.memory_space<hbm>> -> memref<80xi32, #tpu.memory_space<hbm>>
      tpu.enqueue_dma source(%dma_start3A_23 : memref<80xi32, #tpu.memory_space<hbm>>) target(%arg7 : memref<80xi32, #tpu.memory_space<vmem>>) target_semaphore(%run_scoped3A : memref<!tpu.dma_semaphore, #tpu.memory_space<semaphore_mem>>)
      %dma_wait3A = tpu.memref_slice %arg5[%add3A_4] : memref<320000xi32, #tpu.memory_space<hbm>> -> memref<80xi32, #tpu.memory_space<hbm>>
      %dma_wait3A_24 = tpu.memref_slice %arg5[%add3A_4] : memref<320000xi32, #tpu.memory_space<hbm>> -> memref<80xi32, #tpu.memory_space<hbm>>
      tpu.wait_dma2 semaphore(%run_scoped3A : memref<!tpu.dma_semaphore, #tpu.memory_space<semaphore_mem>>) src(%dma_wait3A_24 : memref<80xi32, #tpu.memory_space<hbm>>) dst(%arg7 : memref<80xi32, #tpu.memory_space<vmem>>)
      tpu.yield
    }) : () -> ()
    "tpu.region"() ({
      %run_scoped3A = tpu.sem_alloc : memref<!tpu.dma_semaphore, #tpu.memory_space<semaphore_mem>>
      %dma_start3A_22 = tpu.memref_slice %arg4[%add3A_4] : memref<320000xi32, #tpu.memory_space<hbm>> -> memref<80xi32, #tpu.memory_space<hbm>>
      %dma_start3A_23 = tpu.memref_slice %arg4[%add3A_4] : memref<320000xi32, #tpu.memory_space<hbm>> -> memref<80xi32, #tpu.memory_space<hbm>>
      tpu.enqueue_dma source(%dma_start3A_23 : memref<80xi32, #tpu.memory_space<hbm>>) target(%arg8 : memref<80xi32, #tpu.memory_space<vmem>>) target_semaphore(%run_scoped3A : memref<!tpu.dma_semaphore, #tpu.memory_space<semaphore_mem>>)
      %dma_wait3A = tpu.memref_slice %arg4[%add3A_4] : memref<320000xi32, #tpu.memory_space<hbm>> -> memref<80xi32, #tpu.memory_space<hbm>>
      %dma_wait3A_24 = tpu.memref_slice %arg4[%add3A_4] : memref<320000xi32, #tpu.memory_space<hbm>> -> memref<80xi32, #tpu.memory_space<hbm>>
      tpu.wait_dma2 semaphore(%run_scoped3A : memref<!tpu.dma_semaphore, #tpu.memory_space<semaphore_mem>>) src(%dma_wait3A_24 : memref<80xi32, #tpu.memory_space<hbm>>) dst(%arg8 : memref<80xi32, #tpu.memory_space<vmem>>)
      tpu.yield
    }) : () -> ()
    %dma_start3A = arith.constant 0 : i32
    %dma_start3A_5 = arith.constant 0 : i32
    %dma_start3A_6 = tpu.memref_slice %arg2[%dma_start3A, %dma_start3A_5] : memref<10000x128xf32, #tpu.memory_space<hbm>> -> memref<10000x128xf32, #tpu.memory_space<hbm>>
    tpu.enqueue_indirect_dma source(%dma_start3A_6 : memref<10000x128xf32, #tpu.memory_space<hbm>>) target(%arg11 : memref<80x128xf32, #tpu.memory_space<vmem>>) offsets(%arg7 : memref<80xi32, #tpu.memory_space<vmem>>) semaphore(%arg15 : memref<!tpu.dma_semaphore, #tpu.memory_space<semaphore_mem>>)
    %dma_start3A_7 = arith.constant 0 : i32
    %dma_start3A_8 = arith.constant 0 : i32
    %dma_start3A_9 = tpu.memref_slice %arg3[%dma_start3A_7, %dma_start3A_8] : memref<10000x128xf32, #tpu.memory_space<hbm>> -> memref<10000x128xf32, #tpu.memory_space<hbm>>
    tpu.enqueue_indirect_dma source(%dma_start3A_9 : memref<10000x128xf32, #tpu.memory_space<hbm>>) target(%arg12 : memref<80x128xf32, #tpu.memory_space<vmem>>) offsets(%arg8 : memref<80xi32, #tpu.memory_space<vmem>>) semaphore(%arg16 : memref<!tpu.dma_semaphore, #tpu.memory_space<semaphore_mem>>)
    %add3A_10 = arith.constant 80 : i32
    %add3A_11 = arith.addi %mul3A_2, %add3A_10 : i32
    "tpu.region"() ({
      %run_scoped3A = tpu.sem_alloc : memref<!tpu.dma_semaphore, #tpu.memory_space<semaphore_mem>>
      %dma_start3A_22 = tpu.memref_slice %arg5[%add3A_11] : memref<320000xi32, #tpu.memory_space<hbm>> -> memref<80xi32, #tpu.memory_space<hbm>>
      %dma_start3A_23 = tpu.memref_slice %arg5[%add3A_11] : memref<320000xi32, #tpu.memory_space<hbm>> -> memref<80xi32, #tpu.memory_space<hbm>>
      tpu.enqueue_dma source(%dma_start3A_23 : memref<80xi32, #tpu.memory_space<hbm>>) target(%arg9 : memref<80xi32, #tpu.memory_space<vmem>>) target_semaphore(%run_scoped3A : memref<!tpu.dma_semaphore, #tpu.memory_space<semaphore_mem>>)
      %dma_wait3A = tpu.memref_slice %arg5[%add3A_11] : memref<320000xi32, #tpu.memory_space<hbm>> -> memref<80xi32, #tpu.memory_space<hbm>>
      %dma_wait3A_24 = tpu.memref_slice %arg5[%add3A_11] : memref<320000xi32, #tpu.memory_space<hbm>> -> memref<80xi32, #tpu.memory_space<hbm>>
      tpu.wait_dma2 semaphore(%run_scoped3A : memref<!tpu.dma_semaphore, #tpu.memory_space<semaphore_mem>>) src(%dma_wait3A_24 : memref<80xi32, #tpu.memory_space<hbm>>) dst(%arg9 : memref<80xi32, #tpu.memory_space<vmem>>)
      tpu.yield
    }) : () -> ()
    "tpu.region"() ({
      %run_scoped3A = tpu.sem_alloc : memref<!tpu.dma_semaphore, #tpu.memory_space<semaphore_mem>>
      %dma_start3A_22 = tpu.memref_slice %arg4[%add3A_11] : memref<320000xi32, #tpu.memory_space<hbm>> -> memref<80xi32, #tpu.memory_space<hbm>>
      %dma_start3A_23 = tpu.memref_slice %arg4[%add3A_11] : memref<320000xi32, #tpu.memory_space<hbm>> -> memref<80xi32, #tpu.memory_space<hbm>>
      tpu.enqueue_dma source(%dma_start3A_23 : memref<80xi32, #tpu.memory_space<hbm>>) target(%arg10 : memref<80xi32, #tpu.memory_space<vmem>>) target_semaphore(%run_scoped3A : memref<!tpu.dma_semaphore, #tpu.memory_space<semaphore_mem>>)
      %dma_wait3A = tpu.memref_slice %arg4[%add3A_11] : memref<320000xi32, #tpu.memory_space<hbm>> -> memref<80xi32, #tpu.memory_space<hbm>>
      %dma_wait3A_24 = tpu.memref_slice %arg4[%add3A_11] : memref<320000xi32, #tpu.memory_space<hbm>> -> memref<80xi32, #tpu.memory_space<hbm>>
      tpu.wait_dma2 semaphore(%run_scoped3A : memref<!tpu.dma_semaphore, #tpu.memory_space<semaphore_mem>>) src(%dma_wait3A_24 : memref<80xi32, #tpu.memory_space<hbm>>) dst(%arg10 : memref<80xi32, #tpu.memory_space<vmem>>)
      tpu.yield
    }) : () -> ()
    %dma_start3A_12 = arith.constant 0 : i32
    %dma_start3A_13 = arith.constant 0 : i32
    %dma_start3A_14 = tpu.memref_slice %arg2[%dma_start3A_12, %dma_start3A_13] : memref<10000x128xf32, #tpu.memory_space<hbm>> -> memref<10000x128xf32, #tpu.memory_space<hbm>>
    tpu.enqueue_indirect_dma source(%dma_start3A_14 : memref<10000x128xf32, #tpu.memory_space<hbm>>) target(%arg13 : memref<80x128xf32, #tpu.memory_space<vmem>>) offsets(%arg9 : memref<80xi32, #tpu.memory_space<vmem>>) semaphore(%arg17 : memref<!tpu.dma_semaphore, #tpu.memory_space<semaphore_mem>>)
    %dma_start3A_15 = arith.constant 0 : i32
    %dma_start3A_16 = arith.constant 0 : i32
    %dma_start3A_17 = tpu.memref_slice %arg3[%dma_start3A_15, %dma_start3A_16] : memref<10000x128xf32, #tpu.memory_space<hbm>> -> memref<10000x128xf32, #tpu.memory_space<hbm>>
    tpu.enqueue_indirect_dma source(%dma_start3A_17 : memref<10000x128xf32, #tpu.memory_space<hbm>>) target(%arg14 : memref<80x128xf32, #tpu.memory_space<vmem>>) offsets(%arg10 : memref<80xi32, #tpu.memory_space<vmem>>) semaphore(%arg18 : memref<!tpu.dma_semaphore, #tpu.memory_space<semaphore_mem>>)
    %scan3A = arith.constant 0 : i32
    %scan3A_18 = arith.constant 63 : i32
    %scan3A_19 = arith.addi %scan3A, %scan3A_18 : i32
    %scan3A_20 = arith.constant 1 : i32
    scf.for %scan3A_22 = %scan3A to %scan3A_19 step %scan3A_20  : i32 {
      %mul3A_23 = arith.constant 1 : i32
      %mul3A_24 = arith.muli %scan3A_22, %mul3A_23 : i32
      %add3A_25 = arith.constant 0 : i32
      %add3A_26 = arith.addi %add3A_25, %mul3A_24 : i32
      %mul3A_27 = arith.constant 2 : i32
      %mul3A_28 = arith.muli %mul3A_27, %add3A_26 : i32
      %add3A_29 = arith.constant 0 : i32
      %add3A_30 = arith.addi %mul3A_28, %add3A_29 : i32
      %lt3A = arith.constant 125 : i32
      %lt3A_31 = arith.cmpi slt, %add3A_30, %lt3A : i32
      %convert_element_type3A = arith.extui %lt3A_31 : i1 to i32
      %cond3A = arith.constant 0 : i32
      %cond3A_32 = arith.cmpi ne, %convert_element_type3A, %cond3A : i32
      scf.if %cond3A_32 {
        %dma_wait3A = arith.constant 0 : i32
        %dma_wait3A_40 = arith.constant 0 : i32
        %dma_wait3A_41 = tpu.memref_slice %arg2[%dma_wait3A, %dma_wait3A_40] : memref<10000x128xf32, #tpu.memory_space<hbm>> -> memref<10000x128xf32, #tpu.memory_space<hbm>>
        tpu.wait_indirect_dma semaphore(%arg15 : memref<!tpu.dma_semaphore, #tpu.memory_space<semaphore_mem>>) src(%dma_wait3A_41 : memref<10000x128xf32, #tpu.memory_space<hbm>>) dst(%arg11 : memref<80x128xf32, #tpu.memory_space<vmem>>)
        %dma_wait3A_42 = arith.constant 0 : i32
        %dma_wait3A_43 = arith.constant 0 : i32
        %dma_wait3A_44 = tpu.memref_slice %arg3[%dma_wait3A_42, %dma_wait3A_43] : memref<10000x128xf32, #tpu.memory_space<hbm>> -> memref<10000x128xf32, #tpu.memory_space<hbm>>
        tpu.wait_indirect_dma semaphore(%arg16 : memref<!tpu.dma_semaphore, #tpu.memory_space<semaphore_mem>>) src(%dma_wait3A_44 : memref<10000x128xf32, #tpu.memory_space<hbm>>) dst(%arg12 : memref<80x128xf32, #tpu.memory_space<vmem>>)
        %scan3A_45 = arith.constant 0 : i32
        %scan3A_46 = arith.constant 80 : i32
        %scan3A_47 = arith.addi %scan3A_45, %scan3A_46 : i32
        %scan3A_48 = arith.constant 1 : i32
        scf.for %scan3A_70 = %scan3A_45 to %scan3A_47 step %scan3A_48  : i32 {
          %mul3A_71 = arith.constant 1 : i32
          %mul3A_72 = arith.muli %scan3A_70, %mul3A_71 : i32
          %add3A_73 = arith.constant 0 : i32
          %add3A_74 = arith.addi %add3A_73, %mul3A_72 : i32
          %get3A = arith.index_cast %add3A_74 : i32 to index
          %get3A_75 = arith.constant 0 : index
          %get3A_76 = tpu.vector_load %arg11[%get3A, %get3A_75] {strides = array<i32>} : memref<80x128xf32, #tpu.memory_space<vmem>>, vector<1x16xf32>,
          %get3A_77 = vector.shape_cast %get3A_76 : vector<1x16xf32> to vector<16xf32>
          %get3A_78 = arith.index_cast %add3A_74 : i32 to index
          %get3A_79 = arith.constant 0 : index
          %get3A_80 = tpu.vector_load %arg12[%get3A_78, %get3A_79] {strides = array<i32>} : memref<80x128xf32, #tpu.memory_space<vmem>>, vector<1x16xf32>,
          %get3A_81 = vector.shape_cast %get3A_80 : vector<1x16xf32> to vector<16xf32>
          %add3A_82 = arith.addf %get3A_77, %get3A_81 : vector<16xf32>
          %swap3A = arith.index_cast %add3A_74 : i32 to index
          %swap3A_83 = arith.constant 0 : index
          %swap3A_84 = tpu.vector_load %arg11[%swap3A, %swap3A_83] {strides = array<i32>} : memref<80x128xf32, #tpu.memory_space<vmem>>, vector<1x16xf32>,
          %swap3A_85 = vector.shape_cast %swap3A_84 : vector<1x16xf32> to vector<16xf32>
          %swap3A_86 = vector.shape_cast %add3A_82 : vector<16xf32> to vector<1x16xf32>
          tpu.vector_store %arg11[%swap3A, %swap3A_83], %swap3A_86 {strides = array<i32>} : memref<80x128xf32, #tpu.memory_space<vmem>>, vector<1x16xf32>,
          %get3A_87 = arith.index_cast %add3A_74 : i32 to index
          %get3A_88 = arith.constant 16 : index
          %get3A_89 = tpu.vector_load %arg11[%get3A_87, %get3A_88] {strides = array<i32>} : memref<80x128xf32, #tpu.memory_space<vmem>>, vector<1x16xf32>,
          %get3A_90 = vector.shape_cast %get3A_89 : vector<1x16xf32> to vector<16xf32>
          %get3A_91 = arith.index_cast %add3A_74 : i32 to index
          %get3A_92 = arith.constant 16 : index
          %get3A_93 = tpu.vector_load %arg12[%get3A_91, %get3A_92] {strides = array<i32>} : memref<80x128xf32, #tpu.memory_space<vmem>>, vector<1x16xf32>,
          %get3A_94 = vector.shape_cast %get3A_93 : vector<1x16xf32> to vector<16xf32>
          %add3A_95 = arith.addf %get3A_90, %get3A_94 : vector<16xf32>
          %swap3A_96 = arith.index_cast %add3A_74 : i32 to index
          %swap3A_97 = arith.constant 16 : index
          %swap3A_98 = tpu.vector_load %arg11[%swap3A_96, %swap3A_97] {strides = array<i32>} : memref<80x128xf32, #tpu.memory_space<vmem>>, vector<1x16xf32>,
          %swap3A_99 = vector.shape_cast %swap3A_98 : vector<1x16xf32> to vector<16xf32>
          %swap3A_100 = vector.shape_cast %add3A_95 : vector<16xf32> to vector<1x16xf32>
          tpu.vector_store %arg11[%swap3A_96, %swap3A_97], %swap3A_100 {strides = array<i32>} : memref<80x128xf32, #tpu.memory_space<vmem>>, vector<1x16xf32>,
          %get3A_101 = arith.index_cast %add3A_74 : i32 to index
          %get3A_102 = arith.constant 32 : index
          %get3A_103 = tpu.vector_load %arg11[%get3A_101, %get3A_102] {strides = array<i32>} : memref<80x128xf32, #tpu.memory_space<vmem>>, vector<1x16xf32>,
          %get3A_104 = vector.shape_cast %get3A_103 : vector<1x16xf32> to vector<16xf32>
          %get3A_105 = arith.index_cast %add3A_74 : i32 to index
          %get3A_106 = arith.constant 32 : index
          %get3A_107 = tpu.vector_load %arg12[%get3A_105, %get3A_106] {strides = array<i32>} : memref<80x128xf32, #tpu.memory_space<vmem>>, vector<1x16xf32>,
          %get3A_108 = vector.shape_cast %get3A_107 : vector<1x16xf32> to vector<16xf32>
          %add3A_109 = arith.addf %get3A_104, %get3A_108 : vector<16xf32>
          %swap3A_110 = arith.index_cast %add3A_74 : i32 to index
          %swap3A_111 = arith.constant 32 : index
          %swap3A_112 = tpu.vector_load %arg11[%swap3A_110, %swap3A_111] {strides = array<i32>} : memref<80x128xf32, #tpu.memory_space<vmem>>, vector<1x16xf32>,
          %swap3A_113 = vector.shape_cast %swap3A_112 : vector<1x16xf32> to vector<16xf32>
          %swap3A_114 = vector.shape_cast %add3A_109 : vector<16xf32> to vector<1x16xf32>
          tpu.vector_store %arg11[%swap3A_110, %swap3A_111], %swap3A_114 {strides = array<i32>} : memref<80x128xf32, #tpu.memory_space<vmem>>, vector<1x16xf32>,
          %get3A_115 = arith.index_cast %add3A_74 : i32 to index
          %get3A_116 = arith.constant 48 : index
          %get3A_117 = tpu.vector_load %arg11[%get3A_115, %get3A_116] {strides = array<i32>} : memref<80x128xf32, #tpu.memory_space<vmem>>, vector<1x16xf32>,
          %get3A_118 = vector.shape_cast %get3A_117 : vector<1x16xf32> to vector<16xf32>
          %get3A_119 = arith.index_cast %add3A_74 : i32 to index
          %get3A_120 = arith.constant 48 : index
          %get3A_121 = tpu.vector_load %arg12[%get3A_119, %get3A_120] {strides = array<i32>} : memref<80x128xf32, #tpu.memory_space<vmem>>, vector<1x16xf32>,
          %get3A_122 = vector.shape_cast %get3A_121 : vector<1x16xf32> to vector<16xf32>
          %add3A_123 = arith.addf %get3A_118, %get3A_122 : vector<16xf32>
          %swap3A_124 = arith.index_cast %add3A_74 : i32 to index
          %swap3A_125 = arith.constant 48 : index
          %swap3A_126 = tpu.vector_load %arg11[%swap3A_124, %swap3A_125] {strides = array<i32>} : memref<80x128xf32, #tpu.memory_space<vmem>>, vector<1x16xf32>,
          %swap3A_127 = vector.shape_cast %swap3A_126 : vector<1x16xf32> to vector<16xf32>
          %swap3A_128 = vector.shape_cast %add3A_123 : vector<16xf32> to vector<1x16xf32>
          tpu.vector_store %arg11[%swap3A_124, %swap3A_125], %swap3A_128 {strides = array<i32>} : memref<80x128xf32, #tpu.memory_space<vmem>>, vector<1x16xf32>,
          %get3A_129 = arith.index_cast %add3A_74 : i32 to index
          %get3A_130 = arith.constant 64 : index
          %get3A_131 = tpu.vector_load %arg11[%get3A_129, %get3A_130] {strides = array<i32>} : memref<80x128xf32, #tpu.memory_space<vmem>>, vector<1x16xf32>,
          %get3A_132 = vector.shape_cast %get3A_131 : vector<1x16xf32> to vector<16xf32>
          %get3A_133 = arith.index_cast %add3A_74 : i32 to index
          %get3A_134 = arith.constant 64 : index
          %get3A_135 = tpu.vector_load %arg12[%get3A_133, %get3A_134] {strides = array<i32>} : memref<80x128xf32, #tpu.memory_space<vmem>>, vector<1x16xf32>,
          %get3A_136 = vector.shape_cast %get3A_135 : vector<1x16xf32> to vector<16xf32>
          %add3A_137 = arith.addf %get3A_132, %get3A_136 : vector<16xf32>
          %swap3A_138 = arith.index_cast %add3A_74 : i32 to index
          %swap3A_139 = arith.constant 64 : index
          %swap3A_140 = tpu.vector_load %arg11[%swap3A_138, %swap3A_139] {strides = array<i32>} : memref<80x128xf32, #tpu.memory_space<vmem>>, vector<1x16xf32>,
          %swap3A_141 = vector.shape_cast %swap3A_140 : vector<1x16xf32> to vector<16xf32>
          %swap3A_142 = vector.shape_cast %add3A_137 : vector<16xf32> to vector<1x16xf32>
          tpu.vector_store %arg11[%swap3A_138, %swap3A_139], %swap3A_142 {strides = array<i32>} : memref<80x128xf32, #tpu.memory_space<vmem>>, vector<1x16xf32>,
          %get3A_143 = arith.index_cast %add3A_74 : i32 to index
          %get3A_144 = arith.constant 80 : index
          %get3A_145 = tpu.vector_load %arg11[%get3A_143, %get3A_144] {strides = array<i32>} : memref<80x128xf32, #tpu.memory_space<vmem>>, vector<1x16xf32>,
          %get3A_146 = vector.shape_cast %get3A_145 : vector<1x16xf32> to vector<16xf32>
          %get3A_147 = arith.index_cast %add3A_74 : i32 to index
          %get3A_148 = arith.constant 80 : index
          %get3A_149 = tpu.vector_load %arg12[%get3A_147, %get3A_148] {strides = array<i32>} : memref<80x128xf32, #tpu.memory_space<vmem>>, vector<1x16xf32>,
          %get3A_150 = vector.shape_cast %get3A_149 : vector<1x16xf32> to vector<16xf32>
          %add3A_151 = arith.addf %get3A_146, %get3A_150 : vector<16xf32>
          %swap3A_152 = arith.index_cast %add3A_74 : i32 to index
          %swap3A_153 = arith.constant 80 : index
          %swap3A_154 = tpu.vector_load %arg11[%swap3A_152, %swap3A_153] {strides = array<i32>} : memref<80x128xf32, #tpu.memory_space<vmem>>, vector<1x16xf32>,
          %swap3A_155 = vector.shape_cast %swap3A_154 : vector<1x16xf32> to vector<16xf32>
          %swap3A_156 = vector.shape_cast %add3A_151 : vector<16xf32> to vector<1x16xf32>
          tpu.vector_store %arg11[%swap3A_152, %swap3A_153], %swap3A_156 {strides = array<i32>} : memref<80x128xf32, #tpu.memory_space<vmem>>, vector<1x16xf32>,
          %get3A_157 = arith.index_cast %add3A_74 : i32 to index
          %get3A_158 = arith.constant 96 : index
          %get3A_159 = tpu.vector_load %arg11[%get3A_157, %get3A_158] {strides = array<i32>} : memref<80x128xf32, #tpu.memory_space<vmem>>, vector<1x16xf32>,
          %get3A_160 = vector.shape_cast %get3A_159 : vector<1x16xf32> to vector<16xf32>
          %get3A_161 = arith.index_cast %add3A_74 : i32 to index
          %get3A_162 = arith.constant 96 : index
          %get3A_163 = tpu.vector_load %arg12[%get3A_161, %get3A_162] {strides = array<i32>} : memref<80x128xf32, #tpu.memory_space<vmem>>, vector<1x16xf32>,
          %get3A_164 = vector.shape_cast %get3A_163 : vector<1x16xf32> to vector<16xf32>
          %add3A_165 = arith.addf %get3A_160, %get3A_164 : vector<16xf32>
          %swap3A_166 = arith.index_cast %add3A_74 : i32 to index
          %swap3A_167 = arith.constant 96 : index
          %swap3A_168 = tpu.vector_load %arg11[%swap3A_166, %swap3A_167] {strides = array<i32>} : memref<80x128xf32, #tpu.memory_space<vmem>>, vector<1x16xf32>,
          %swap3A_169 = vector.shape_cast %swap3A_168 : vector<1x16xf32> to vector<16xf32>
          %swap3A_170 = vector.shape_cast %add3A_165 : vector<16xf32> to vector<1x16xf32>
          tpu.vector_store %arg11[%swap3A_166, %swap3A_167], %swap3A_170 {strides = array<i32>} : memref<80x128xf32, #tpu.memory_space<vmem>>, vector<1x16xf32>,
          %get3A_171 = arith.index_cast %add3A_74 : i32 to index
          %get3A_172 = arith.constant 112 : index
          %get3A_173 = tpu.vector_load %arg11[%get3A_171, %get3A_172] {strides = array<i32>} : memref<80x128xf32, #tpu.memory_space<vmem>>, vector<1x16xf32>,
          %get3A_174 = vector.shape_cast %get3A_173 : vector<1x16xf32> to vector<16xf32>
          %get3A_175 = arith.index_cast %add3A_74 : i32 to index
          %get3A_176 = arith.constant 112 : index
          %get3A_177 = tpu.vector_load %arg12[%get3A_175, %get3A_176] {strides = array<i32>} : memref<80x128xf32, #tpu.memory_space<vmem>>, vector<1x16xf32>,
          %get3A_178 = vector.shape_cast %get3A_177 : vector<1x16xf32> to vector<16xf32>
          %add3A_179 = arith.addf %get3A_174, %get3A_178 : vector<16xf32>
          %swap3A_180 = arith.index_cast %add3A_74 : i32 to index
          %swap3A_181 = arith.constant 112 : index
          %swap3A_182 = tpu.vector_load %arg11[%swap3A_180, %swap3A_181] {strides = array<i32>} : memref<80x128xf32, #tpu.memory_space<vmem>>, vector<1x16xf32>,
          %swap3A_183 = vector.shape_cast %swap3A_182 : vector<1x16xf32> to vector<16xf32>
          %swap3A_184 = vector.shape_cast %add3A_179 : vector<16xf32> to vector<1x16xf32>
          tpu.vector_store %arg11[%swap3A_180, %swap3A_181], %swap3A_184 {strides = array<i32>} : memref<80x128xf32, #tpu.memory_space<vmem>>, vector<1x16xf32>,
        }
        %scan3A_49 = arith.constant 80 : i32
        %mul3A_50 = arith.constant 80 : i32
        %mul3A_51 = arith.muli %add3A_30, %mul3A_50 : i32
        %add3A_52 = arith.addi %mul3A_2, %mul3A_51 : i32
        %dma_start3A_53 = arith.constant 0 : i32
        %dma_start3A_54 = tpu.memref_slice %arg6[%add3A_52, %dma_start3A_53] : memref<320000x128xf32, #tpu.memory_space<hbm>> -> memref<80x128xf32, #tpu.memory_space<hbm>>
        %dma_start3A_55 = arith.constant 0 : i32
        %dma_start3A_56 = tpu.memref_slice %arg6[%add3A_52, %dma_start3A_55] : memref<320000x128xf32, #tpu.memory_space<hbm>> -> memref<80x128xf32, #tpu.memory_space<hbm>>
        tpu.enqueue_dma source(%arg11 : memref<80x128xf32, #tpu.memory_space<vmem>>) target(%dma_start3A_56 : memref<80x128xf32, #tpu.memory_space<hbm>>) target_semaphore(%arg19 : memref<!tpu.dma_semaphore, #tpu.memory_space<semaphore_mem>>)
        %add3A_57 = arith.constant 2 : i32
        %add3A_58 = arith.addi %add3A_30, %add3A_57 : i32
        %lt3A_59 = arith.constant 125 : i32
        %lt3A_60 = arith.cmpi slt, %add3A_58, %lt3A_59 : i32
        %convert_element_type3A_61 = arith.extui %lt3A_60 : i1 to i32
        %cond3A_62 = arith.constant 0 : i32
        %cond3A_63 = arith.cmpi ne, %convert_element_type3A_61, %cond3A_62 : i32
        scf.if %cond3A_63 {
          %mul3A_70 = arith.constant 80 : i32
          %mul3A_71 = arith.muli %add3A_30, %mul3A_70 : i32
          %add3A_72 = arith.addi %mul3A_2, %mul3A_71 : i32
          %dma_wait3A_73 = arith.constant 0 : i32
          %dma_wait3A_74 = tpu.memref_slice %arg6[%add3A_72, %dma_wait3A_73] : memref<320000x128xf32, #tpu.memory_space<hbm>> -> memref<80x128xf32, #tpu.memory_space<hbm>>
          %dma_wait3A_75 = arith.constant 0 : i32
          %dma_wait3A_76 = tpu.memref_slice %arg6[%add3A_72, %dma_wait3A_75] : memref<320000x128xf32, #tpu.memory_space<hbm>> -> memref<80x128xf32, #tpu.memory_space<hbm>>
          tpu.wait_dma2 semaphore(%arg19 : memref<!tpu.dma_semaphore, #tpu.memory_space<semaphore_mem>>) src(%arg11 : memref<80x128xf32, #tpu.memory_space<vmem>>) dst(%dma_wait3A_76 : memref<80x128xf32, #tpu.memory_space<hbm>>)
          %add3A_77 = arith.constant 2 : i32
          %add3A_78 = arith.addi %add3A_30, %add3A_77 : i32
          %mul3A_79 = arith.constant 80 : i32
          %mul3A_80 = arith.muli %add3A_78, %mul3A_79 : i32
          %add3A_81 = arith.addi %mul3A_2, %mul3A_80 : i32
          "tpu.region"() ({
            %run_scoped3A = tpu.sem_alloc : memref<!tpu.dma_semaphore, #tpu.memory_space<semaphore_mem>>
            %dma_start3A_88 = tpu.memref_slice %arg5[%add3A_81] : memref<320000xi32, #tpu.memory_space<hbm>> -> memref<80xi32, #tpu.memory_space<hbm>>
            %dma_start3A_89 = tpu.memref_slice %arg5[%add3A_81] : memref<320000xi32, #tpu.memory_space<hbm>> -> memref<80xi32, #tpu.memory_space<hbm>>
            tpu.enqueue_dma source(%dma_start3A_89 : memref<80xi32, #tpu.memory_space<hbm>>) target(%arg7 : memref<80xi32, #tpu.memory_space<vmem>>) target_semaphore(%run_scoped3A : memref<!tpu.dma_semaphore, #tpu.memory_space<semaphore_mem>>)
            %dma_wait3A_90 = tpu.memref_slice %arg5[%add3A_81] : memref<320000xi32, #tpu.memory_space<hbm>> -> memref<80xi32, #tpu.memory_space<hbm>>
            %dma_wait3A_91 = tpu.memref_slice %arg5[%add3A_81] : memref<320000xi32, #tpu.memory_space<hbm>> -> memref<80xi32, #tpu.memory_space<hbm>>
            tpu.wait_dma2 semaphore(%run_scoped3A : memref<!tpu.dma_semaphore, #tpu.memory_space<semaphore_mem>>) src(%dma_wait3A_91 : memref<80xi32, #tpu.memory_space<hbm>>) dst(%arg7 : memref<80xi32, #tpu.memory_space<vmem>>)
            tpu.yield
          }) : () -> ()
          "tpu.region"() ({
            %run_scoped3A = tpu.sem_alloc : memref<!tpu.dma_semaphore, #tpu.memory_space<semaphore_mem>>
            %dma_start3A_88 = tpu.memref_slice %arg4[%add3A_81] : memref<320000xi32, #tpu.memory_space<hbm>> -> memref<80xi32, #tpu.memory_space<hbm>>
            %dma_start3A_89 = tpu.memref_slice %arg4[%add3A_81] : memref<320000xi32, #tpu.memory_space<hbm>> -> memref<80xi32, #tpu.memory_space<hbm>>
            tpu.enqueue_dma source(%dma_start3A_89 : memref<80xi32, #tpu.memory_space<hbm>>) target(%arg8 : memref<80xi32, #tpu.memory_space<vmem>>) target_semaphore(%run_scoped3A : memref<!tpu.dma_semaphore, #tpu.memory_space<semaphore_mem>>)
            %dma_wait3A_90 = tpu.memref_slice %arg4[%add3A_81] : memref<320000xi32, #tpu.memory_space<hbm>> -> memref<80xi32, #tpu.memory_space<hbm>>
            %dma_wait3A_91 = tpu.memref_slice %arg4[%add3A_81] : memref<320000xi32, #tpu.memory_space<hbm>> -> memref<80xi32, #tpu.memory_space<hbm>>
            tpu.wait_dma2 semaphore(%run_scoped3A : memref<!tpu.dma_semaphore, #tpu.memory_space<semaphore_mem>>) src(%dma_wait3A_91 : memref<80xi32, #tpu.memory_space<hbm>>) dst(%arg8 : memref<80xi32, #tpu.memory_space<vmem>>)
            tpu.yield
          }) : () -> ()
          %dma_start3A_82 = arith.constant 0 : i32
          %dma_start3A_83 = arith.constant 0 : i32
          %dma_start3A_84 = tpu.memref_slice %arg2[%dma_start3A_82, %dma_start3A_83] : memref<10000x128xf32, #tpu.memory_space<hbm>> -> memref<10000x128xf32, #tpu.memory_space<hbm>>
          tpu.enqueue_indirect_dma source(%dma_start3A_84 : memref<10000x128xf32, #tpu.memory_space<hbm>>) target(%arg11 : memref<80x128xf32, #tpu.memory_space<vmem>>) offsets(%arg7 : memref<80xi32, #tpu.memory_space<vmem>>) semaphore(%arg15 : memref<!tpu.dma_semaphore, #tpu.memory_space<semaphore_mem>>)
          %dma_start3A_85 = arith.constant 0 : i32
          %dma_start3A_86 = arith.constant 0 : i32
          %dma_start3A_87 = tpu.memref_slice %arg3[%dma_start3A_85, %dma_start3A_86] : memref<10000x128xf32, #tpu.memory_space<hbm>> -> memref<10000x128xf32, #tpu.memory_space<hbm>>
          tpu.enqueue_indirect_dma source(%dma_start3A_87 : memref<10000x128xf32, #tpu.memory_space<hbm>>) target(%arg12 : memref<80x128xf32, #tpu.memory_space<vmem>>) offsets(%arg8 : memref<80xi32, #tpu.memory_space<vmem>>) semaphore(%arg16 : memref<!tpu.dma_semaphore, #tpu.memory_space<semaphore_mem>>)
        } else {
        }
        %add3A_64 = arith.constant 2 : i32
        %add3A_65 = arith.addi %add3A_30, %add3A_64 : i32
        %ge3A = arith.constant 125 : i32
        %ge3A_66 = arith.cmpi sge, %add3A_65, %ge3A : i32
        %convert_element_type3A_67 = arith.extui %ge3A_66 : i1 to i32
        %cond3A_68 = arith.constant 0 : i32
        %cond3A_69 = arith.cmpi ne, %convert_element_type3A_67, %cond3A_68 : i32
        scf.if %cond3A_69 {
          %mul3A_70 = arith.constant 80 : i32
          %mul3A_71 = arith.muli %add3A_30, %mul3A_70 : i32
          %add3A_72 = arith.addi %mul3A_2, %mul3A_71 : i32
          %dma_wait3A_73 = arith.constant 0 : i32
          %dma_wait3A_74 = tpu.memref_slice %arg6[%add3A_72, %dma_wait3A_73] : memref<320000x128xf32, #tpu.memory_space<hbm>> -> memref<80x128xf32, #tpu.memory_space<hbm>>
          %dma_wait3A_75 = arith.constant 0 : i32
          %dma_wait3A_76 = tpu.memref_slice %arg6[%add3A_72, %dma_wait3A_75] : memref<320000x128xf32, #tpu.memory_space<hbm>> -> memref<80x128xf32, #tpu.memory_space<hbm>>
          tpu.wait_dma2 semaphore(%arg19 : memref<!tpu.dma_semaphore, #tpu.memory_space<semaphore_mem>>) src(%arg11 : memref<80x128xf32, #tpu.memory_space<vmem>>) dst(%dma_wait3A_76 : memref<80x128xf32, #tpu.memory_space<hbm>>)
        } else {
        }
      } else {
      }
      %add3A_33 = arith.constant 1 : i32
      %add3A_34 = arith.addi %mul3A_28, %add3A_33 : i32
      %lt3A_35 = arith.constant 125 : i32
      %lt3A_36 = arith.cmpi slt, %add3A_34, %lt3A_35 : i32
      %convert_element_type3A_37 = arith.extui %lt3A_36 : i1 to i32
      %cond3A_38 = arith.constant 0 : i32
      %cond3A_39 = arith.cmpi ne, %convert_element_type3A_37, %cond3A_38 : i32
      scf.if %cond3A_39 {
        %dma_wait3A = arith.constant 0 : i32
        %dma_wait3A_40 = arith.constant 0 : i32
        %dma_wait3A_41 = tpu.memref_slice %arg2[%dma_wait3A, %dma_wait3A_40] : memref<10000x128xf32, #tpu.memory_space<hbm>> -> memref<10000x128xf32, #tpu.memory_space<hbm>>
        tpu.wait_indirect_dma semaphore(%arg17 : memref<!tpu.dma_semaphore, #tpu.memory_space<semaphore_mem>>) src(%dma_wait3A_41 : memref<10000x128xf32, #tpu.memory_space<hbm>>) dst(%arg13 : memref<80x128xf32, #tpu.memory_space<vmem>>)
        %dma_wait3A_42 = arith.constant 0 : i32
        %dma_wait3A_43 = arith.constant 0 : i32
        %dma_wait3A_44 = tpu.memref_slice %arg3[%dma_wait3A_42, %dma_wait3A_43] : memref<10000x128xf32, #tpu.memory_space<hbm>> -> memref<10000x128xf32, #tpu.memory_space<hbm>>
        tpu.wait_indirect_dma semaphore(%arg18 : memref<!tpu.dma_semaphore, #tpu.memory_space<semaphore_mem>>) src(%dma_wait3A_44 : memref<10000x128xf32, #tpu.memory_space<hbm>>) dst(%arg14 : memref<80x128xf32, #tpu.memory_space<vmem>>)
        %scan3A_45 = arith.constant 0 : i32
        %scan3A_46 = arith.constant 80 : i32
        %scan3A_47 = arith.addi %scan3A_45, %scan3A_46 : i32
        %scan3A_48 = arith.constant 1 : i32
        scf.for %scan3A_70 = %scan3A_45 to %scan3A_47 step %scan3A_48  : i32 {
          %mul3A_71 = arith.constant 1 : i32
          %mul3A_72 = arith.muli %scan3A_70, %mul3A_71 : i32
          %add3A_73 = arith.constant 0 : i32
          %add3A_74 = arith.addi %add3A_73, %mul3A_72 : i32
          %get3A = arith.index_cast %add3A_74 : i32 to index
          %get3A_75 = arith.constant 0 : index
          %get3A_76 = tpu.vector_load %arg13[%get3A, %get3A_75] {strides = array<i32>} : memref<80x128xf32, #tpu.memory_space<vmem>>, vector<1x16xf32>,
          %get3A_77 = vector.shape_cast %get3A_76 : vector<1x16xf32> to vector<16xf32>
          %get3A_78 = arith.index_cast %add3A_74 : i32 to index
          %get3A_79 = arith.constant 0 : index
          %get3A_80 = tpu.vector_load %arg14[%get3A_78, %get3A_79] {strides = array<i32>} : memref<80x128xf32, #tpu.memory_space<vmem>>, vector<1x16xf32>,
          %get3A_81 = vector.shape_cast %get3A_80 : vector<1x16xf32> to vector<16xf32>
          %add3A_82 = arith.addf %get3A_77, %get3A_81 : vector<16xf32>
          %swap3A = arith.index_cast %add3A_74 : i32 to index
          %swap3A_83 = arith.constant 0 : index
          %swap3A_84 = tpu.vector_load %arg13[%swap3A, %swap3A_83] {strides = array<i32>} : memref<80x128xf32, #tpu.memory_space<vmem>>, vector<1x16xf32>,
          %swap3A_85 = vector.shape_cast %swap3A_84 : vector<1x16xf32> to vector<16xf32>
          %swap3A_86 = vector.shape_cast %add3A_82 : vector<16xf32> to vector<1x16xf32>
          tpu.vector_store %arg13[%swap3A, %swap3A_83], %swap3A_86 {strides = array<i32>} : memref<80x128xf32, #tpu.memory_space<vmem>>, vector<1x16xf32>,
          %get3A_87 = arith.index_cast %add3A_74 : i32 to index
          %get3A_88 = arith.constant 16 : index
          %get3A_89 = tpu.vector_load %arg13[%get3A_87, %get3A_88] {strides = array<i32>} : memref<80x128xf32, #tpu.memory_space<vmem>>, vector<1x16xf32>,
          %get3A_90 = vector.shape_cast %get3A_89 : vector<1x16xf32> to vector<16xf32>
          %get3A_91 = arith.index_cast %add3A_74 : i32 to index
          %get3A_92 = arith.constant 16 : index
          %get3A_93 = tpu.vector_load %arg14[%get3A_91, %get3A_92] {strides = array<i32>} : memref<80x128xf32, #tpu.memory_space<vmem>>, vector<1x16xf32>,
          %get3A_94 = vector.shape_cast %get3A_93 : vector<1x16xf32> to vector<16xf32>
          %add3A_95 = arith.addf %get3A_90, %get3A_94 : vector<16xf32>
          %swap3A_96 = arith.index_cast %add3A_74 : i32 to index
          %swap3A_97 = arith.constant 16 : index
          %swap3A_98 = tpu.vector_load %arg13[%swap3A_96, %swap3A_97] {strides = array<i32>} : memref<80x128xf32, #tpu.memory_space<vmem>>, vector<1x16xf32>,
          %swap3A_99 = vector.shape_cast %swap3A_98 : vector<1x16xf32> to vector<16xf32>
          %swap3A_100 = vector.shape_cast %add3A_95 : vector<16xf32> to vector<1x16xf32>
          tpu.vector_store %arg13[%swap3A_96, %swap3A_97], %swap3A_100 {strides = array<i32>} : memref<80x128xf32, #tpu.memory_space<vmem>>, vector<1x16xf32>,
          %get3A_101 = arith.index_cast %add3A_74 : i32 to index
          %get3A_102 = arith.constant 32 : index
          %get3A_103 = tpu.vector_load %arg13[%get3A_101, %get3A_102] {strides = array<i32>} : memref<80x128xf32, #tpu.memory_space<vmem>>, vector<1x16xf32>,
          %get3A_104 = vector.shape_cast %get3A_103 : vector<1x16xf32> to vector<16xf32>
          %get3A_105 = arith.index_cast %add3A_74 : i32 to index
          %get3A_106 = arith.constant 32 : index
          %get3A_107 = tpu.vector_load %arg14[%get3A_105, %get3A_106] {strides = array<i32>} : memref<80x128xf32, #tpu.memory_space<vmem>>, vector<1x16xf32>,
          %get3A_108 = vector.shape_cast %get3A_107 : vector<1x16xf32> to vector<16xf32>
          %add3A_109 = arith.addf %get3A_104, %get3A_108 : vector<16xf32>
          %swap3A_110 = arith.index_cast %add3A_74 : i32 to index
          %swap3A_111 = arith.constant 32 : index
          %swap3A_112 = tpu.vector_load %arg13[%swap3A_110, %swap3A_111] {strides = array<i32>} : memref<80x128xf32, #tpu.memory_space<vmem>>, vector<1x16xf32>,
          %swap3A_113 = vector.shape_cast %swap3A_112 : vector<1x16xf32> to vector<16xf32>
          %swap3A_114 = vector.shape_cast %add3A_109 : vector<16xf32> to vector<1x16xf32>
          tpu.vector_store %arg13[%swap3A_110, %swap3A_111], %swap3A_114 {strides = array<i32>} : memref<80x128xf32, #tpu.memory_space<vmem>>, vector<1x16xf32>,
          %get3A_115 = arith.index_cast %add3A_74 : i32 to index
          %get3A_116 = arith.constant 48 : index
          %get3A_117 = tpu.vector_load %arg13[%get3A_115, %get3A_116] {strides = array<i32>} : memref<80x128xf32, #tpu.memory_space<vmem>>, vector<1x16xf32>,
          %get3A_118 = vector.shape_cast %get3A_117 : vector<1x16xf32> to vector<16xf32>
          %get3A_119 = arith.index_cast %add3A_74 : i32 to index
          %get3A_120 = arith.constant 48 : index
          %get3A_121 = tpu.vector_load %arg14[%get3A_119, %get3A_120] {strides = array<i32>} : memref<80x128xf32, #tpu.memory_space<vmem>>, vector<1x16xf32>,
          %get3A_122 = vector.shape_cast %get3A_121 : vector<1x16xf32> to vector<16xf32>
          %add3A_123 = arith.addf %get3A_118, %get3A_122 : vector<16xf32>
          %swap3A_124 = arith.index_cast %add3A_74 : i32 to index
          %swap3A_125 = arith.constant 48 : index
          %swap3A_126 = tpu.vector_load %arg13[%swap3A_124, %swap3A_125] {strides = array<i32>} : memref<80x128xf32, #tpu.memory_space<vmem>>, vector<1x16xf32>,
          %swap3A_127 = vector.shape_cast %swap3A_126 : vector<1x16xf32> to vector<16xf32>
          %swap3A_128 = vector.shape_cast %add3A_123 : vector<16xf32> to vector<1x16xf32>
          tpu.vector_store %arg13[%swap3A_124, %swap3A_125], %swap3A_128 {strides = array<i32>} : memref<80x128xf32, #tpu.memory_space<vmem>>, vector<1x16xf32>,
          %get3A_129 = arith.index_cast %add3A_74 : i32 to index
          %get3A_130 = arith.constant 64 : index
          %get3A_131 = tpu.vector_load %arg13[%get3A_129, %get3A_130] {strides = array<i32>} : memref<80x128xf32, #tpu.memory_space<vmem>>, vector<1x16xf32>,
          %get3A_132 = vector.shape_cast %get3A_131 : vector<1x16xf32> to vector<16xf32>
          %get3A_133 = arith.index_cast %add3A_74 : i32 to index
          %get3A_134 = arith.constant 64 : index
          %get3A_135 = tpu.vector_load %arg14[%get3A_133, %get3A_134] {strides = array<i32>} : memref<80x128xf32, #tpu.memory_space<vmem>>, vector<1x16xf32>,
          %get3A_136 = vector.shape_cast %get3A_135 : vector<1x16xf32> to vector<16xf32>
          %add3A_137 = arith.addf %get3A_132, %get3A_136 : vector<16xf32>
          %swap3A_138 = arith.index_cast %add3A_74 : i32 to index
          %swap3A_139 = arith.constant 64 : index
          %swap3A_140 = tpu.vector_load %arg13[%swap3A_138, %swap3A_139] {strides = array<i32>} : memref<80x128xf32, #tpu.memory_space<vmem>>, vector<1x16xf32>,
          %swap3A_141 = vector.shape_cast %swap3A_140 : vector<1x16xf32> to vector<16xf32>
          %swap3A_142 = vector.shape_cast %add3A_137 : vector<16xf32> to vector<1x16xf32>
          tpu.vector_store %arg13[%swap3A_138, %swap3A_139], %swap3A_142 {strides = array<i32>} : memref<80x128xf32, #tpu.memory_space<vmem>>, vector<1x16xf32>,
          %get3A_143 = arith.index_cast %add3A_74 : i32 to index
          %get3A_144 = arith.constant 80 : index
          %get3A_145 = tpu.vector_load %arg13[%get3A_143, %get3A_144] {strides = array<i32>} : memref<80x128xf32, #tpu.memory_space<vmem>>, vector<1x16xf32>,
          %get3A_146 = vector.shape_cast %get3A_145 : vector<1x16xf32> to vector<16xf32>
          %get3A_147 = arith.index_cast %add3A_74 : i32 to index
          %get3A_148 = arith.constant 80 : index
          %get3A_149 = tpu.vector_load %arg14[%get3A_147, %get3A_148] {strides = array<i32>} : memref<80x128xf32, #tpu.memory_space<vmem>>, vector<1x16xf32>,
          %get3A_150 = vector.shape_cast %get3A_149 : vector<1x16xf32> to vector<16xf32>
          %add3A_151 = arith.addf %get3A_146, %get3A_150 : vector<16xf32>
          %swap3A_152 = arith.index_cast %add3A_74 : i32 to index
          %swap3A_153 = arith.constant 80 : index
          %swap3A_154 = tpu.vector_load %arg13[%swap3A_152, %swap3A_153] {strides = array<i32>} : memref<80x128xf32, #tpu.memory_space<vmem>>, vector<1x16xf32>,
          %swap3A_155 = vector.shape_cast %swap3A_154 : vector<1x16xf32> to vector<16xf32>
          %swap3A_156 = vector.shape_cast %add3A_151 : vector<16xf32> to vector<1x16xf32>
          tpu.vector_store %arg13[%swap3A_152, %swap3A_153], %swap3A_156 {strides = array<i32>} : memref<80x128xf32, #tpu.memory_space<vmem>>, vector<1x16xf32>,
          %get3A_157 = arith.index_cast %add3A_74 : i32 to index
          %get3A_158 = arith.constant 96 : index
          %get3A_159 = tpu.vector_load %arg13[%get3A_157, %get3A_158] {strides = array<i32>} : memref<80x128xf32, #tpu.memory_space<vmem>>, vector<1x16xf32>,
          %get3A_160 = vector.shape_cast %get3A_159 : vector<1x16xf32> to vector<16xf32>
          %get3A_161 = arith.index_cast %add3A_74 : i32 to index
          %get3A_162 = arith.constant 96 : index
          %get3A_163 = tpu.vector_load %arg14[%get3A_161, %get3A_162] {strides = array<i32>} : memref<80x128xf32, #tpu.memory_space<vmem>>, vector<1x16xf32>,
          %get3A_164 = vector.shape_cast %get3A_163 : vector<1x16xf32> to vector<16xf32>
          %add3A_165 = arith.addf %get3A_160, %get3A_164 : vector<16xf32>
          %swap3A_166 = arith.index_cast %add3A_74 : i32 to index
          %swap3A_167 = arith.constant 96 : index
          %swap3A_168 = tpu.vector_load %arg13[%swap3A_166, %swap3A_167] {strides = array<i32>} : memref<80x128xf32, #tpu.memory_space<vmem>>, vector<1x16xf32>,
          %swap3A_169 = vector.shape_cast %swap3A_168 : vector<1x16xf32> to vector<16xf32>
          %swap3A_170 = vector.shape_cast %add3A_165 : vector<16xf32> to vector<1x16xf32>
          tpu.vector_store %arg13[%swap3A_166, %swap3A_167], %swap3A_170 {strides = array<i32>} : memref<80x128xf32, #tpu.memory_space<vmem>>, vector<1x16xf32>,
          %get3A_171 = arith.index_cast %add3A_74 : i32 to index
          %get3A_172 = arith.constant 112 : index
          %get3A_173 = tpu.vector_load %arg13[%get3A_171, %get3A_172] {strides = array<i32>} : memref<80x128xf32, #tpu.memory_space<vmem>>, vector<1x16xf32>,
          %get3A_174 = vector.shape_cast %get3A_173 : vector<1x16xf32> to vector<16xf32>
          %get3A_175 = arith.index_cast %add3A_74 : i32 to index
          %get3A_176 = arith.constant 112 : index
          %get3A_177 = tpu.vector_load %arg14[%get3A_175, %get3A_176] {strides = array<i32>} : memref<80x128xf32, #tpu.memory_space<vmem>>, vector<1x16xf32>,
          %get3A_178 = vector.shape_cast %get3A_177 : vector<1x16xf32> to vector<16xf32>
          %add3A_179 = arith.addf %get3A_174, %get3A_178 : vector<16xf32>
          %swap3A_180 = arith.index_cast %add3A_74 : i32 to index
          %swap3A_181 = arith.constant 112 : index
          %swap3A_182 = tpu.vector_load %arg13[%swap3A_180, %swap3A_181] {strides = array<i32>} : memref<80x128xf32, #tpu.memory_space<vmem>>, vector<1x16xf32>,
          %swap3A_183 = vector.shape_cast %swap3A_182 : vector<1x16xf32> to vector<16xf32>
          %swap3A_184 = vector.shape_cast %add3A_179 : vector<16xf32> to vector<1x16xf32>
          tpu.vector_store %arg13[%swap3A_180, %swap3A_181], %swap3A_184 {strides = array<i32>} : memref<80x128xf32, #tpu.memory_space<vmem>>, vector<1x16xf32>,
        }
        %scan3A_49 = arith.constant 80 : i32
        %mul3A_50 = arith.constant 80 : i32
        %mul3A_51 = arith.muli %add3A_34, %mul3A_50 : i32
        %add3A_52 = arith.addi %mul3A_2, %mul3A_51 : i32
        %dma_start3A_53 = arith.constant 0 : i32
        %dma_start3A_54 = tpu.memref_slice %arg6[%add3A_52, %dma_start3A_53] : memref<320000x128xf32, #tpu.memory_space<hbm>> -> memref<80x128xf32, #tpu.memory_space<hbm>>
        %dma_start3A_55 = arith.constant 0 : i32
        %dma_start3A_56 = tpu.memref_slice %arg6[%add3A_52, %dma_start3A_55] : memref<320000x128xf32, #tpu.memory_space<hbm>> -> memref<80x128xf32, #tpu.memory_space<hbm>>
        tpu.enqueue_dma source(%arg13 : memref<80x128xf32, #tpu.memory_space<vmem>>) target(%dma_start3A_56 : memref<80x128xf32, #tpu.memory_space<hbm>>) target_semaphore(%arg20 : memref<!tpu.dma_semaphore, #tpu.memory_space<semaphore_mem>>)
        %add3A_57 = arith.constant 2 : i32
        %add3A_58 = arith.addi %add3A_34, %add3A_57 : i32
        %lt3A_59 = arith.constant 125 : i32
        %lt3A_60 = arith.cmpi slt, %add3A_58, %lt3A_59 : i32
        %convert_element_type3A_61 = arith.extui %lt3A_60 : i1 to i32
        %cond3A_62 = arith.constant 0 : i32
        %cond3A_63 = arith.cmpi ne, %convert_element_type3A_61, %cond3A_62 : i32
        scf.if %cond3A_63 {
          %mul3A_70 = arith.constant 80 : i32
          %mul3A_71 = arith.muli %add3A_34, %mul3A_70 : i32
          %add3A_72 = arith.addi %mul3A_2, %mul3A_71 : i32
          %dma_wait3A_73 = arith.constant 0 : i32
          %dma_wait3A_74 = tpu.memref_slice %arg6[%add3A_72, %dma_wait3A_73] : memref<320000x128xf32, #tpu.memory_space<hbm>> -> memref<80x128xf32, #tpu.memory_space<hbm>>
          %dma_wait3A_75 = arith.constant 0 : i32
          %dma_wait3A_76 = tpu.memref_slice %arg6[%add3A_72, %dma_wait3A_75] : memref<320000x128xf32, #tpu.memory_space<hbm>> -> memref<80x128xf32, #tpu.memory_space<hbm>>
          tpu.wait_dma2 semaphore(%arg20 : memref<!tpu.dma_semaphore, #tpu.memory_space<semaphore_mem>>) src(%arg13 : memref<80x128xf32, #tpu.memory_space<vmem>>) dst(%dma_wait3A_76 : memref<80x128xf32, #tpu.memory_space<hbm>>)
          %add3A_77 = arith.constant 2 : i32
          %add3A_78 = arith.addi %add3A_34, %add3A_77 : i32
          %mul3A_79 = arith.constant 80 : i32
          %mul3A_80 = arith.muli %add3A_78, %mul3A_79 : i32
          %add3A_81 = arith.addi %mul3A_2, %mul3A_80 : i32
          "tpu.region"() ({
            %run_scoped3A = tpu.sem_alloc : memref<!tpu.dma_semaphore, #tpu.memory_space<semaphore_mem>>
            %dma_start3A_88 = tpu.memref_slice %arg5[%add3A_81] : memref<320000xi32, #tpu.memory_space<hbm>> -> memref<80xi32, #tpu.memory_space<hbm>>
            %dma_start3A_89 = tpu.memref_slice %arg5[%add3A_81] : memref<320000xi32, #tpu.memory_space<hbm>> -> memref<80xi32, #tpu.memory_space<hbm>>
            tpu.enqueue_dma source(%dma_start3A_89 : memref<80xi32, #tpu.memory_space<hbm>>) target(%arg9 : memref<80xi32, #tpu.memory_space<vmem>>) target_semaphore(%run_scoped3A : memref<!tpu.dma_semaphore, #tpu.memory_space<semaphore_mem>>)
            %dma_wait3A_90 = tpu.memref_slice %arg5[%add3A_81] : memref<320000xi32, #tpu.memory_space<hbm>> -> memref<80xi32, #tpu.memory_space<hbm>>
            %dma_wait3A_91 = tpu.memref_slice %arg5[%add3A_81] : memref<320000xi32, #tpu.memory_space<hbm>> -> memref<80xi32, #tpu.memory_space<hbm>>
            tpu.wait_dma2 semaphore(%run_scoped3A : memref<!tpu.dma_semaphore, #tpu.memory_space<semaphore_mem>>) src(%dma_wait3A_91 : memref<80xi32, #tpu.memory_space<hbm>>) dst(%arg9 : memref<80xi32, #tpu.memory_space<vmem>>)
            tpu.yield
          }) : () -> ()
          "tpu.region"() ({
            %run_scoped3A = tpu.sem_alloc : memref<!tpu.dma_semaphore, #tpu.memory_space<semaphore_mem>>
            %dma_start3A_88 = tpu.memref_slice %arg4[%add3A_81] : memref<320000xi32, #tpu.memory_space<hbm>> -> memref<80xi32, #tpu.memory_space<hbm>>
            %dma_start3A_89 = tpu.memref_slice %arg4[%add3A_81] : memref<320000xi32, #tpu.memory_space<hbm>> -> memref<80xi32, #tpu.memory_space<hbm>>
            tpu.enqueue_dma source(%dma_start3A_89 : memref<80xi32, #tpu.memory_space<hbm>>) target(%arg10 : memref<80xi32, #tpu.memory_space<vmem>>) target_semaphore(%run_scoped3A : memref<!tpu.dma_semaphore, #tpu.memory_space<semaphore_mem>>)
            %dma_wait3A_90 = tpu.memref_slice %arg4[%add3A_81] : memref<320000xi32, #tpu.memory_space<hbm>> -> memref<80xi32, #tpu.memory_space<hbm>>
            %dma_wait3A_91 = tpu.memref_slice %arg4[%add3A_81] : memref<320000xi32, #tpu.memory_space<hbm>> -> memref<80xi32, #tpu.memory_space<hbm>>
            tpu.wait_dma2 semaphore(%run_scoped3A : memref<!tpu.dma_semaphore, #tpu.memory_space<semaphore_mem>>) src(%dma_wait3A_91 : memref<80xi32, #tpu.memory_space<hbm>>) dst(%arg10 : memref<80xi32, #tpu.memory_space<vmem>>)
            tpu.yield
          }) : () -> ()
          %dma_start3A_82 = arith.constant 0 : i32
          %dma_start3A_83 = arith.constant 0 : i32
          %dma_start3A_84 = tpu.memref_slice %arg2[%dma_start3A_82, %dma_start3A_83] : memref<10000x128xf32, #tpu.memory_space<hbm>> -> memref<10000x128xf32, #tpu.memory_space<hbm>>
          tpu.enqueue_indirect_dma source(%dma_start3A_84 : memref<10000x128xf32, #tpu.memory_space<hbm>>) target(%arg13 : memref<80x128xf32, #tpu.memory_space<vmem>>) offsets(%arg9 : memref<80xi32, #tpu.memory_space<vmem>>) semaphore(%arg17 : memref<!tpu.dma_semaphore, #tpu.memory_space<semaphore_mem>>)
          %dma_start3A_85 = arith.constant 0 : i32
          %dma_start3A_86 = arith.constant 0 : i32
          %dma_start3A_87 = tpu.memref_slice %arg3[%dma_start3A_85, %dma_start3A_86] : memref<10000x128xf32, #tpu.memory_space<hbm>> -> memref<10000x128xf32, #tpu.memory_space<hbm>>
          tpu.enqueue_indirect_dma source(%dma_start3A_87 : memref<10000x128xf32, #tpu.memory_space<hbm>>) target(%arg14 : memref<80x128xf32, #tpu.memory_space<vmem>>) offsets(%arg10 : memref<80xi32, #tpu.memory_space<vmem>>) semaphore(%arg18 : memref<!tpu.dma_semaphore, #tpu.memory_space<semaphore_mem>>)
        } else {
        }
        %add3A_64 = arith.constant 2 : i32
        %add3A_65 = arith.addi %add3A_34, %add3A_64 : i32
        %ge3A = arith.constant 125 : i32
        %ge3A_66 = arith.cmpi sge, %add3A_65, %ge3A : i32
        %convert_element_type3A_67 = arith.extui %ge3A_66 : i1 to i32
        %cond3A_68 = arith.constant 0 : i32
        %cond3A_69 = arith.cmpi ne, %convert_element_type3A_67, %cond3A_68 : i32
        scf.if %cond3A_69 {
          %mul3A_70 = arith.constant 80 : i32
          %mul3A_71 = arith.muli %add3A_34, %mul3A_70 : i32
          %add3A_72 = arith.addi %mul3A_2, %mul3A_71 : i32
          %dma_wait3A_73 = arith.constant 0 : i32
          %dma_wait3A_74 = tpu.memref_slice %arg6[%add3A_72, %dma_wait3A_73] : memref<320000x128xf32, #tpu.memory_space<hbm>> -> memref<80x128xf32, #tpu.memory_space<hbm>>
          %dma_wait3A_75 = arith.constant 0 : i32
          %dma_wait3A_76 = tpu.memref_slice %arg6[%add3A_72, %dma_wait3A_75] : memref<320000x128xf32, #tpu.memory_space<hbm>> -> memref<80x128xf32, #tpu.memory_space<hbm>>
          tpu.wait_dma2 semaphore(%arg20 : memref<!tpu.dma_semaphore, #tpu.memory_space<semaphore_mem>>) src(%arg13 : memref<80x128xf32, #tpu.memory_space<vmem>>) dst(%dma_wait3A_76 : memref<80x128xf32, #tpu.memory_space<hbm>>)
        } else {
        }
      } else {
      }
    }
    %scan3A_21 = arith.constant 63 : i32
    return
  }
}

#map = affine_map<(d0, d1) -> (0, 0)>
#map1 = affine_map<(d0, d1) -> (0)>
#map2 = affine_map<(d0, d1) -> (0, 0, 0)>
module attributes {stable_mosaic.version = 14 : i64} {
  func.func @sk(%arg0: i32, %arg1: i32, %arg2: memref<320000x128xf32, #tpu.memory_space<hbm>>, %arg3: memref<320000xi32, #tpu.memory_space<hbm>>, %arg4: memref<632x128xf32, #tpu.memory_space<hbm>>, %arg5: memref<2x10112x128xf32, #tpu.memory_space<hbm>>, %arg6: memref<80xi32, #tpu.memory_space<vmem>>, %arg7: memref<80xi32, #tpu.memory_space<vmem>>, %arg8: memref<80x128xf32, #tpu.memory_space<vmem>>, %arg9: memref<80x128xf32, #tpu.memory_space<vmem>>, %arg10: memref<10112x128xf32, #tpu.memory_space<vmem_shared>>, %arg11: memref<!tpu.dma_semaphore, #tpu.memory_space<semaphore_mem>>, %arg12: memref<!tpu.dma_semaphore, #tpu.memory_space<semaphore_mem>>, %arg13: memref<!tpu.dma_semaphore, #tpu.memory_space<semaphore_mem>>, %arg14: memref<!tpu.dma_semaphore, #tpu.memory_space<semaphore_mem>>) attributes {dimension_semantics = [#tpu.dimension_semantics<core_parallel>, #tpu.dimension_semantics<subcore_parallel>], iteration_bounds = array<i64: 2, 16>, scalar_prefetch = 0 : i64, scratch_operands = 9 : i64, tpu.core_type = #tpu.core_type<sc_vector_subcore>, window_params = [{transform_indices = #map}, {transform_indices = #map1}, {transform_indices = #map}, {transform_indices = #map2}]} {
    %mul3A = arith.constant 2 : i32
    %mul3A_0 = arith.muli %arg1, %mul3A : i32
    %add3A = arith.addi %mul3A_0, %arg0 : i32
    %mul3A_1 = arith.constant 10000 : i32
    %mul3A_2 = arith.muli %add3A, %mul3A_1 : i32
    %mul3A_3 = arith.constant 632 : i32
    %mul3A_4 = arith.muli %arg1, %mul3A_3 : i32
    %dma_start3A = arith.constant 0 : i32
    %dma_start3A_5 = tpu.memref_slice %arg10[%mul3A_4, %dma_start3A] : memref<10112x128xf32, #tpu.memory_space<vmem_shared>> -> memref<632x128xf32, #tpu.memory_space<vmem_shared>>
    tpu.enqueue_dma source(%arg4 : memref<632x128xf32, #tpu.memory_space<hbm>>) target(%dma_start3A_5 : memref<632x128xf32, #tpu.memory_space<vmem_shared>>) target_semaphore(%arg11 : memref<!tpu.dma_semaphore, #tpu.memory_space<semaphore_mem>>)
    %dma_wait3A = arith.constant 0 : i32
    %dma_wait3A_6 = tpu.memref_slice %arg10[%mul3A_4, %dma_wait3A] : memref<10112x128xf32, #tpu.memory_space<vmem_shared>> -> memref<632x128xf32, #tpu.memory_space<vmem_shared>>
    tpu.wait_dma2 semaphore(%arg11 : memref<!tpu.dma_semaphore, #tpu.memory_space<semaphore_mem>>) src(%arg4 : memref<632x128xf32, #tpu.memory_space<hbm>>) dst(%dma_wait3A_6 : memref<632x128xf32, #tpu.memory_space<vmem_shared>>)
    %barrier3A = arith.constant 0 : index
    tpu.barrier barrier_id(%barrier3A)
    %add3A_7 = arith.constant 0 : i32
    %add3A_8 = arith.addi %mul3A_2, %add3A_7 : i32
    %dma_start3A_9 = tpu.memref_slice %arg3[%add3A_8] : memref<320000xi32, #tpu.memory_space<hbm>> -> memref<80xi32, #tpu.memory_space<hbm>>
    %dma_start3A_10 = tpu.memref_slice %arg3[%add3A_8] : memref<320000xi32, #tpu.memory_space<hbm>> -> memref<80xi32, #tpu.memory_space<hbm>>
    tpu.enqueue_dma source(%dma_start3A_10 : memref<80xi32, #tpu.memory_space<hbm>>) target(%arg6 : memref<80xi32, #tpu.memory_space<vmem>>) target_semaphore(%arg11 : memref<!tpu.dma_semaphore, #tpu.memory_space<semaphore_mem>>)
    %dma_start3A_11 = arith.constant 0 : i32
    %dma_start3A_12 = tpu.memref_slice %arg2[%add3A_8, %dma_start3A_11] : memref<320000x128xf32, #tpu.memory_space<hbm>> -> memref<80x128xf32, #tpu.memory_space<hbm>>
    %dma_start3A_13 = arith.constant 0 : i32
    %dma_start3A_14 = tpu.memref_slice %arg2[%add3A_8, %dma_start3A_13] : memref<320000x128xf32, #tpu.memory_space<hbm>> -> memref<80x128xf32, #tpu.memory_space<hbm>>
    tpu.enqueue_dma source(%dma_start3A_14 : memref<80x128xf32, #tpu.memory_space<hbm>>) target(%arg8 : memref<80x128xf32, #tpu.memory_space<vmem>>) target_semaphore(%arg12 : memref<!tpu.dma_semaphore, #tpu.memory_space<semaphore_mem>>)
    %add3A_15 = arith.constant 80 : i32
    %add3A_16 = arith.addi %mul3A_2, %add3A_15 : i32
    %dma_start3A_17 = tpu.memref_slice %arg3[%add3A_16] : memref<320000xi32, #tpu.memory_space<hbm>> -> memref<80xi32, #tpu.memory_space<hbm>>
    %dma_start3A_18 = tpu.memref_slice %arg3[%add3A_16] : memref<320000xi32, #tpu.memory_space<hbm>> -> memref<80xi32, #tpu.memory_space<hbm>>
    tpu.enqueue_dma source(%dma_start3A_18 : memref<80xi32, #tpu.memory_space<hbm>>) target(%arg7 : memref<80xi32, #tpu.memory_space<vmem>>) target_semaphore(%arg13 : memref<!tpu.dma_semaphore, #tpu.memory_space<semaphore_mem>>)
    %dma_start3A_19 = arith.constant 0 : i32
    %dma_start3A_20 = tpu.memref_slice %arg2[%add3A_16, %dma_start3A_19] : memref<320000x128xf32, #tpu.memory_space<hbm>> -> memref<80x128xf32, #tpu.memory_space<hbm>>
    %dma_start3A_21 = arith.constant 0 : i32
    %dma_start3A_22 = tpu.memref_slice %arg2[%add3A_16, %dma_start3A_21] : memref<320000x128xf32, #tpu.memory_space<hbm>> -> memref<80x128xf32, #tpu.memory_space<hbm>>
    tpu.enqueue_dma source(%dma_start3A_22 : memref<80x128xf32, #tpu.memory_space<hbm>>) target(%arg9 : memref<80x128xf32, #tpu.memory_space<vmem>>) target_semaphore(%arg14 : memref<!tpu.dma_semaphore, #tpu.memory_space<semaphore_mem>>)
    %scan3A = arith.constant 0 : i32
    %scan3A_23 = arith.constant 63 : i32
    %scan3A_24 = arith.addi %scan3A, %scan3A_23 : i32
    %scan3A_25 = arith.constant 1 : i32
    scf.for %scan3A_28 = %scan3A to %scan3A_24 step %scan3A_25  : i32 {
      %mul3A_29 = arith.constant 1 : i32
      %mul3A_30 = arith.muli %scan3A_28, %mul3A_29 : i32
      %add3A_31 = arith.constant 0 : i32
      %add3A_32 = arith.addi %add3A_31, %mul3A_30 : i32
      %mul3A_33 = arith.constant 2 : i32
      %mul3A_34 = arith.muli %mul3A_33, %add3A_32 : i32
      %add3A_35 = arith.constant 0 : i32
      %add3A_36 = arith.addi %mul3A_34, %add3A_35 : i32
      %lt3A = arith.constant 125 : i32
      %lt3A_37 = arith.cmpi slt, %add3A_36, %lt3A : i32
      %convert_element_type3A = arith.extui %lt3A_37 : i1 to i32
      %cond3A = arith.constant 0 : i32
      %cond3A_38 = arith.cmpi ne, %convert_element_type3A, %cond3A : i32
      scf.if %cond3A_38 {
        %mul3A_46 = arith.constant 80 : i32
        %mul3A_47 = arith.muli %add3A_36, %mul3A_46 : i32
        %add3A_48 = arith.addi %mul3A_2, %mul3A_47 : i32
        %dma_wait3A_49 = tpu.memref_slice %arg3[%add3A_48] : memref<320000xi32, #tpu.memory_space<hbm>> -> memref<80xi32, #tpu.memory_space<hbm>>
        %dma_wait3A_50 = tpu.memref_slice %arg3[%add3A_48] : memref<320000xi32, #tpu.memory_space<hbm>> -> memref<80xi32, #tpu.memory_space<hbm>>
        tpu.wait_dma2 semaphore(%arg11 : memref<!tpu.dma_semaphore, #tpu.memory_space<semaphore_mem>>) src(%dma_wait3A_50 : memref<80xi32, #tpu.memory_space<hbm>>) dst(%arg6 : memref<80xi32, #tpu.memory_space<vmem>>)
        %dma_wait3A_51 = arith.constant 0 : i32
        %dma_wait3A_52 = tpu.memref_slice %arg2[%add3A_48, %dma_wait3A_51] : memref<320000x128xf32, #tpu.memory_space<hbm>> -> memref<80x128xf32, #tpu.memory_space<hbm>>
        %dma_wait3A_53 = arith.constant 0 : i32
        %dma_wait3A_54 = tpu.memref_slice %arg2[%add3A_48, %dma_wait3A_53] : memref<320000x128xf32, #tpu.memory_space<hbm>> -> memref<80x128xf32, #tpu.memory_space<hbm>>
        tpu.wait_dma2 semaphore(%arg12 : memref<!tpu.dma_semaphore, #tpu.memory_space<semaphore_mem>>) src(%dma_wait3A_54 : memref<80x128xf32, #tpu.memory_space<hbm>>) dst(%arg8 : memref<80x128xf32, #tpu.memory_space<vmem>>)
        "tpu.region"() ({
          %run_scoped3A = tpu.sem_alloc : memref<!tpu.dma_semaphore, #tpu.memory_space<semaphore_mem>>
          %dma_start3A_62 = arith.constant 0 : i32
          %dma_start3A_63 = arith.constant 0 : i32
          %dma_start3A_64 = tpu.memref_slice %arg10[%dma_start3A_62, %dma_start3A_63] : memref<10112x128xf32, #tpu.memory_space<vmem_shared>> -> memref<10112x128xf32, #tpu.memory_space<vmem_shared>>
          tpu.enqueue_indirect_dma source(%arg8 : memref<80x128xf32, #tpu.memory_space<vmem>>) target(%dma_start3A_64 : memref<10112x128xf32, #tpu.memory_space<vmem_shared>>) offsets(%arg6 : memref<80xi32, #tpu.memory_space<vmem>>) semaphore(%run_scoped3A : memref<!tpu.dma_semaphore, #tpu.memory_space<semaphore_mem>>) {add = true}
          %dma_wait3A_65 = arith.constant 0 : i32
          %dma_wait3A_66 = arith.constant 0 : i32
          %dma_wait3A_67 = tpu.memref_slice %arg10[%dma_wait3A_65, %dma_wait3A_66] : memref<10112x128xf32, #tpu.memory_space<vmem_shared>> -> memref<10112x128xf32, #tpu.memory_space<vmem_shared>>
          tpu.wait_indirect_dma semaphore(%run_scoped3A : memref<!tpu.dma_semaphore, #tpu.memory_space<semaphore_mem>>) src(%arg8 : memref<80x128xf32, #tpu.memory_space<vmem>>) dst(%dma_wait3A_67 : memref<10112x128xf32, #tpu.memory_space<vmem_shared>>)
          tpu.yield
        }) : () -> ()
        %add3A_55 = arith.constant 2 : i32
        %add3A_56 = arith.addi %add3A_36, %add3A_55 : i32
        %lt3A_57 = arith.constant 125 : i32
        %lt3A_58 = arith.cmpi slt, %add3A_56, %lt3A_57 : i32
        %convert_element_type3A_59 = arith.extui %lt3A_58 : i1 to i32
        %cond3A_60 = arith.constant 0 : i32
        %cond3A_61 = arith.cmpi ne, %convert_element_type3A_59, %cond3A_60 : i32
        scf.if %cond3A_61 {
          %add3A_62 = arith.constant 2 : i32
          %add3A_63 = arith.addi %add3A_36, %add3A_62 : i32
          %mul3A_64 = arith.constant 80 : i32
          %mul3A_65 = arith.muli %add3A_63, %mul3A_64 : i32
          %add3A_66 = arith.addi %mul3A_2, %mul3A_65 : i32
          %dma_start3A_67 = tpu.memref_slice %arg3[%add3A_66] : memref<320000xi32, #tpu.memory_space<hbm>> -> memref<80xi32, #tpu.memory_space<hbm>>
          %dma_start3A_68 = tpu.memref_slice %arg3[%add3A_66] : memref<320000xi32, #tpu.memory_space<hbm>> -> memref<80xi32, #tpu.memory_space<hbm>>
          tpu.enqueue_dma source(%dma_start3A_68 : memref<80xi32, #tpu.memory_space<hbm>>) target(%arg6 : memref<80xi32, #tpu.memory_space<vmem>>) target_semaphore(%arg11 : memref<!tpu.dma_semaphore, #tpu.memory_space<semaphore_mem>>)
          %dma_start3A_69 = arith.constant 0 : i32
          %dma_start3A_70 = tpu.memref_slice %arg2[%add3A_66, %dma_start3A_69] : memref<320000x128xf32, #tpu.memory_space<hbm>> -> memref<80x128xf32, #tpu.memory_space<hbm>>
          %dma_start3A_71 = arith.constant 0 : i32
          %dma_start3A_72 = tpu.memref_slice %arg2[%add3A_66, %dma_start3A_71] : memref<320000x128xf32, #tpu.memory_space<hbm>> -> memref<80x128xf32, #tpu.memory_space<hbm>>
          tpu.enqueue_dma source(%dma_start3A_72 : memref<80x128xf32, #tpu.memory_space<hbm>>) target(%arg8 : memref<80x128xf32, #tpu.memory_space<vmem>>) target_semaphore(%arg12 : memref<!tpu.dma_semaphore, #tpu.memory_space<semaphore_mem>>)
        } else {
        }
      } else {
      }
      %add3A_39 = arith.constant 1 : i32
      %add3A_40 = arith.addi %mul3A_34, %add3A_39 : i32
      %lt3A_41 = arith.constant 125 : i32
      %lt3A_42 = arith.cmpi slt, %add3A_40, %lt3A_41 : i32
      %convert_element_type3A_43 = arith.extui %lt3A_42 : i1 to i32
      %cond3A_44 = arith.constant 0 : i32
      %cond3A_45 = arith.cmpi ne, %convert_element_type3A_43, %cond3A_44 : i32
      scf.if %cond3A_45 {
        %mul3A_46 = arith.constant 80 : i32
        %mul3A_47 = arith.muli %add3A_40, %mul3A_46 : i32
        %add3A_48 = arith.addi %mul3A_2, %mul3A_47 : i32
        %dma_wait3A_49 = tpu.memref_slice %arg3[%add3A_48] : memref<320000xi32, #tpu.memory_space<hbm>> -> memref<80xi32, #tpu.memory_space<hbm>>
        %dma_wait3A_50 = tpu.memref_slice %arg3[%add3A_48] : memref<320000xi32, #tpu.memory_space<hbm>> -> memref<80xi32, #tpu.memory_space<hbm>>
        tpu.wait_dma2 semaphore(%arg13 : memref<!tpu.dma_semaphore, #tpu.memory_space<semaphore_mem>>) src(%dma_wait3A_50 : memref<80xi32, #tpu.memory_space<hbm>>) dst(%arg7 : memref<80xi32, #tpu.memory_space<vmem>>)
        %dma_wait3A_51 = arith.constant 0 : i32
        %dma_wait3A_52 = tpu.memref_slice %arg2[%add3A_48, %dma_wait3A_51] : memref<320000x128xf32, #tpu.memory_space<hbm>> -> memref<80x128xf32, #tpu.memory_space<hbm>>
        %dma_wait3A_53 = arith.constant 0 : i32
        %dma_wait3A_54 = tpu.memref_slice %arg2[%add3A_48, %dma_wait3A_53] : memref<320000x128xf32, #tpu.memory_space<hbm>> -> memref<80x128xf32, #tpu.memory_space<hbm>>
        tpu.wait_dma2 semaphore(%arg14 : memref<!tpu.dma_semaphore, #tpu.memory_space<semaphore_mem>>) src(%dma_wait3A_54 : memref<80x128xf32, #tpu.memory_space<hbm>>) dst(%arg9 : memref<80x128xf32, #tpu.memory_space<vmem>>)
        "tpu.region"() ({
          %run_scoped3A = tpu.sem_alloc : memref<!tpu.dma_semaphore, #tpu.memory_space<semaphore_mem>>
          %dma_start3A_62 = arith.constant 0 : i32
          %dma_start3A_63 = arith.constant 0 : i32
          %dma_start3A_64 = tpu.memref_slice %arg10[%dma_start3A_62, %dma_start3A_63] : memref<10112x128xf32, #tpu.memory_space<vmem_shared>> -> memref<10112x128xf32, #tpu.memory_space<vmem_shared>>
          tpu.enqueue_indirect_dma source(%arg9 : memref<80x128xf32, #tpu.memory_space<vmem>>) target(%dma_start3A_64 : memref<10112x128xf32, #tpu.memory_space<vmem_shared>>) offsets(%arg7 : memref<80xi32, #tpu.memory_space<vmem>>) semaphore(%run_scoped3A : memref<!tpu.dma_semaphore, #tpu.memory_space<semaphore_mem>>) {add = true}
          %dma_wait3A_65 = arith.constant 0 : i32
          %dma_wait3A_66 = arith.constant 0 : i32
          %dma_wait3A_67 = tpu.memref_slice %arg10[%dma_wait3A_65, %dma_wait3A_66] : memref<10112x128xf32, #tpu.memory_space<vmem_shared>> -> memref<10112x128xf32, #tpu.memory_space<vmem_shared>>
          tpu.wait_indirect_dma semaphore(%run_scoped3A : memref<!tpu.dma_semaphore, #tpu.memory_space<semaphore_mem>>) src(%arg9 : memref<80x128xf32, #tpu.memory_space<vmem>>) dst(%dma_wait3A_67 : memref<10112x128xf32, #tpu.memory_space<vmem_shared>>)
          tpu.yield
        }) : () -> ()
        %add3A_55 = arith.constant 2 : i32
        %add3A_56 = arith.addi %add3A_40, %add3A_55 : i32
        %lt3A_57 = arith.constant 125 : i32
        %lt3A_58 = arith.cmpi slt, %add3A_56, %lt3A_57 : i32
        %convert_element_type3A_59 = arith.extui %lt3A_58 : i1 to i32
        %cond3A_60 = arith.constant 0 : i32
        %cond3A_61 = arith.cmpi ne, %convert_element_type3A_59, %cond3A_60 : i32
        scf.if %cond3A_61 {
          %add3A_62 = arith.constant 2 : i32
          %add3A_63 = arith.addi %add3A_40, %add3A_62 : i32
          %mul3A_64 = arith.constant 80 : i32
          %mul3A_65 = arith.muli %add3A_63, %mul3A_64 : i32
          %add3A_66 = arith.addi %mul3A_2, %mul3A_65 : i32
          %dma_start3A_67 = tpu.memref_slice %arg3[%add3A_66] : memref<320000xi32, #tpu.memory_space<hbm>> -> memref<80xi32, #tpu.memory_space<hbm>>
          %dma_start3A_68 = tpu.memref_slice %arg3[%add3A_66] : memref<320000xi32, #tpu.memory_space<hbm>> -> memref<80xi32, #tpu.memory_space<hbm>>
          tpu.enqueue_dma source(%dma_start3A_68 : memref<80xi32, #tpu.memory_space<hbm>>) target(%arg7 : memref<80xi32, #tpu.memory_space<vmem>>) target_semaphore(%arg13 : memref<!tpu.dma_semaphore, #tpu.memory_space<semaphore_mem>>)
          %dma_start3A_69 = arith.constant 0 : i32
          %dma_start3A_70 = tpu.memref_slice %arg2[%add3A_66, %dma_start3A_69] : memref<320000x128xf32, #tpu.memory_space<hbm>> -> memref<80x128xf32, #tpu.memory_space<hbm>>
          %dma_start3A_71 = arith.constant 0 : i32
          %dma_start3A_72 = tpu.memref_slice %arg2[%add3A_66, %dma_start3A_71] : memref<320000x128xf32, #tpu.memory_space<hbm>> -> memref<80x128xf32, #tpu.memory_space<hbm>>
          tpu.enqueue_dma source(%dma_start3A_72 : memref<80x128xf32, #tpu.memory_space<hbm>>) target(%arg9 : memref<80x128xf32, #tpu.memory_space<vmem>>) target_semaphore(%arg14 : memref<!tpu.dma_semaphore, #tpu.memory_space<semaphore_mem>>)
        } else {
        }
      } else {
      }
    }
    %scan3A_26 = arith.constant 63 : i32
    %barrier3A_27 = arith.constant 0 : index
    tpu.barrier barrier_id(%barrier3A_27)
    "tpu.region"() ({
      %run_scoped3A = tpu.sem_alloc : memref<!tpu.dma_semaphore, #tpu.memory_space<semaphore_mem>>
      %dma_start3A_28 = arith.constant 0 : i32
      %dma_start3A_29 = tpu.memref_slice %arg5[%arg0, %mul3A_4, %dma_start3A_28] : memref<2x10112x128xf32, #tpu.memory_space<hbm>> -> memref<1x632x128xf32, #tpu.memory_space<hbm>>
      %dma_start3A_30 = tpu.memref_squeeze %dma_start3A_29 : memref<1x632x128xf32, #tpu.memory_space<hbm>> -> memref<632x128xf32, #tpu.memory_space<hbm>>
      %dma_start3A_31 = arith.constant 0 : i32
      %dma_start3A_32 = tpu.memref_slice %arg10[%mul3A_4, %dma_start3A_31] : memref<10112x128xf32, #tpu.memory_space<vmem_shared>> -> memref<632x128xf32, #tpu.memory_space<vmem_shared>>
      tpu.enqueue_dma source(%dma_start3A_32 : memref<632x128xf32, #tpu.memory_space<vmem_shared>>) target(%dma_start3A_30 : memref<632x128xf32, #tpu.memory_space<hbm>>) target_semaphore(%run_scoped3A : memref<!tpu.dma_semaphore, #tpu.memory_space<semaphore_mem>>)
      %dma_wait3A_33 = arith.constant 0 : i32
      %dma_wait3A_34 = tpu.memref_slice %arg5[%arg0, %mul3A_4, %dma_wait3A_33] : memref<2x10112x128xf32, #tpu.memory_space<hbm>> -> memref<1x632x128xf32, #tpu.memory_space<hbm>>
      %dma_wait3A_35 = tpu.memref_squeeze %dma_wait3A_34 : memref<1x632x128xf32, #tpu.memory_space<hbm>> -> memref<632x128xf32, #tpu.memory_space<hbm>>
      %dma_wait3A_36 = arith.constant 0 : i32
      %dma_wait3A_37 = tpu.memref_slice %arg10[%mul3A_4, %dma_wait3A_36] : memref<10112x128xf32, #tpu.memory_space<vmem_shared>> -> memref<632x128xf32, #tpu.memory_space<vmem_shared>>
      tpu.wait_dma2 semaphore(%run_scoped3A : memref<!tpu.dma_semaphore, #tpu.memory_space<semaphore_mem>>) src(%dma_wait3A_37 : memref<632x128xf32, #tpu.memory_space<vmem_shared>>) dst(%dma_wait3A_35 : memref<632x128xf32, #tpu.memory_space<hbm>>)
      tpu.yield
    }) : () -> ()
    return
  }
}

#map = affine_map<(d0, d1) -> (0, 0)>
#map1 = affine_map<(d0, d1) -> (0)>
module attributes {stable_mosaic.version = 14 : i64} {
  func.func @gk(%arg0: i32, %arg1: i32, %arg2: memref<10000x128xf32, #tpu.memory_space<hbm>>, %arg3: memref<10000x128xf32, #tpu.memory_space<hbm>>, %arg4: memref<320000xi32, #tpu.memory_space<hbm>>, %arg5: memref<320000xi32, #tpu.memory_space<hbm>>, %arg6: memref<320000x128xf32, #tpu.memory_space<hbm>>, %arg7: memref<80xi32, #tpu.memory_space<vmem>>, %arg8: memref<80xi32, #tpu.memory_space<vmem>>, %arg9: memref<80xi32, #tpu.memory_space<vmem>>, %arg10: memref<80xi32, #tpu.memory_space<vmem>>, %arg11: memref<80x128xf32, #tpu.memory_space<vmem>>, %arg12: memref<80x128xf32, #tpu.memory_space<vmem>>, %arg13: memref<80x128xf32, #tpu.memory_space<vmem>>, %arg14: memref<80x128xf32, #tpu.memory_space<vmem>>, %arg15: memref<!tpu.dma_semaphore, #tpu.memory_space<semaphore_mem>>, %arg16: memref<!tpu.dma_semaphore, #tpu.memory_space<semaphore_mem>>, %arg17: memref<!tpu.dma_semaphore, #tpu.memory_space<semaphore_mem>>, %arg18: memref<!tpu.dma_semaphore, #tpu.memory_space<semaphore_mem>>, %arg19: memref<!tpu.dma_semaphore, #tpu.memory_space<semaphore_mem>>, %arg20: memref<!tpu.dma_semaphore, #tpu.memory_space<semaphore_mem>>) attributes {dimension_semantics = [#tpu.dimension_semantics<core_parallel>, #tpu.dimension_semantics<subcore_parallel>], iteration_bounds = array<i64: 2, 16>, scalar_prefetch = 0 : i64, scratch_operands = 14 : i64, tpu.core_type = #tpu.core_type<sc_vector_subcore>, window_params = [{transform_indices = #map}, {transform_indices = #map}, {transform_indices = #map1}, {transform_indices = #map1}, {transform_indices = #map}]} {
    %mul3A = arith.constant 2 : i32
    %mul3A_0 = arith.muli %arg1, %mul3A : i32
    %add3A = arith.addi %mul3A_0, %arg0 : i32
    %mul3A_1 = arith.constant 10000 : i32
    %mul3A_2 = arith.muli %add3A, %mul3A_1 : i32
    %add3A_3 = arith.constant 0 : i32
    %add3A_4 = arith.addi %mul3A_2, %add3A_3 : i32
    "tpu.region"() ({
      %run_scoped3A = tpu.sem_alloc : memref<!tpu.dma_semaphore, #tpu.memory_space<semaphore_mem>>
      %dma_start3A_22 = tpu.memref_slice %arg5[%add3A_4] : memref<320000xi32, #tpu.memory_space<hbm>> -> memref<80xi32, #tpu.memory_space<hbm>>
      %dma_start3A_23 = tpu.memref_slice %arg5[%add3A_4] : memref<320000xi32, #tpu.memory_space<hbm>> -> memref<80xi32, #tpu.memory_space<hbm>>
      tpu.enqueue_dma source(%dma_start3A_23 : memref<80xi32, #tpu.memory_space<hbm>>) target(%arg7 : memref<80xi32, #tpu.memory_space<vmem>>) target_semaphore(%run_scoped3A : memref<!tpu.dma_semaphore, #tpu.memory_space<semaphore_mem>>)
      %dma_wait3A = tpu.memref_slice %arg5[%add3A_4] : memref<320000xi32, #tpu.memory_space<hbm>> -> memref<80xi32, #tpu.memory_space<hbm>>
      %dma_wait3A_24 = tpu.memref_slice %arg5[%add3A_4] : memref<320000xi32, #tpu.memory_space<hbm>> -> memref<80xi32, #tpu.memory_space<hbm>>
      tpu.wait_dma2 semaphore(%run_scoped3A : memref<!tpu.dma_semaphore, #tpu.memory_space<semaphore_mem>>) src(%dma_wait3A_24 : memref<80xi32, #tpu.memory_space<hbm>>) dst(%arg7 : memref<80xi32, #tpu.memory_space<vmem>>)
      tpu.yield
    }) : () -> ()
    "tpu.region"() ({
      %run_scoped3A = tpu.sem_alloc : memref<!tpu.dma_semaphore, #tpu.memory_space<semaphore_mem>>
      %dma_start3A_22 = tpu.memref_slice %arg4[%add3A_4] : memref<320000xi32, #tpu.memory_space<hbm>> -> memref<80xi32, #tpu.memory_space<hbm>>
      %dma_start3A_23 = tpu.memref_slice %arg4[%add3A_4] : memref<320000xi32, #tpu.memory_space<hbm>> -> memref<80xi32, #tpu.memory_space<hbm>>
      tpu.enqueue_dma source(%dma_start3A_23 : memref<80xi32, #tpu.memory_space<hbm>>) target(%arg8 : memref<80xi32, #tpu.memory_space<vmem>>) target_semaphore(%run_scoped3A : memref<!tpu.dma_semaphore, #tpu.memory_space<semaphore_mem>>)
      %dma_wait3A = tpu.memref_slice %arg4[%add3A_4] : memref<320000xi32, #tpu.memory_space<hbm>> -> memref<80xi32, #tpu.memory_space<hbm>>
      %dma_wait3A_24 = tpu.memref_slice %arg4[%add3A_4] : memref<320000xi32, #tpu.memory_space<hbm>> -> memref<80xi32, #tpu.memory_space<hbm>>
      tpu.wait_dma2 semaphore(%run_scoped3A : memref<!tpu.dma_semaphore, #tpu.memory_space<semaphore_mem>>) src(%dma_wait3A_24 : memref<80xi32, #tpu.memory_space<hbm>>) dst(%arg8 : memref<80xi32, #tpu.memory_space<vmem>>)
      tpu.yield
    }) : () -> ()
    %dma_start3A = arith.constant 0 : i32
    %dma_start3A_5 = arith.constant 0 : i32
    %dma_start3A_6 = tpu.memref_slice %arg2[%dma_start3A, %dma_start3A_5] : memref<10000x128xf32, #tpu.memory_space<hbm>> -> memref<10000x128xf32, #tpu.memory_space<hbm>>
    tpu.enqueue_indirect_dma source(%dma_start3A_6 : memref<10000x128xf32, #tpu.memory_space<hbm>>) target(%arg11 : memref<80x128xf32, #tpu.memory_space<vmem>>) offsets(%arg7 : memref<80xi32, #tpu.memory_space<vmem>>) semaphore(%arg15 : memref<!tpu.dma_semaphore, #tpu.memory_space<semaphore_mem>>)
    %dma_start3A_7 = arith.constant 0 : i32
    %dma_start3A_8 = arith.constant 0 : i32
    %dma_start3A_9 = tpu.memref_slice %arg3[%dma_start3A_7, %dma_start3A_8] : memref<10000x128xf32, #tpu.memory_space<hbm>> -> memref<10000x128xf32, #tpu.memory_space<hbm>>
    tpu.enqueue_indirect_dma source(%dma_start3A_9 : memref<10000x128xf32, #tpu.memory_space<hbm>>) target(%arg12 : memref<80x128xf32, #tpu.memory_space<vmem>>) offsets(%arg8 : memref<80xi32, #tpu.memory_space<vmem>>) semaphore(%arg16 : memref<!tpu.dma_semaphore, #tpu.memory_space<semaphore_mem>>)
    %add3A_10 = arith.constant 80 : i32
    %add3A_11 = arith.addi %mul3A_2, %add3A_10 : i32
    "tpu.region"() ({
      %run_scoped3A = tpu.sem_alloc : memref<!tpu.dma_semaphore, #tpu.memory_space<semaphore_mem>>
      %dma_start3A_22 = tpu.memref_slice %arg5[%add3A_11] : memref<320000xi32, #tpu.memory_space<hbm>> -> memref<80xi32, #tpu.memory_space<hbm>>
      %dma_start3A_23 = tpu.memref_slice %arg5[%add3A_11] : memref<320000xi32, #tpu.memory_space<hbm>> -> memref<80xi32, #tpu.memory_space<hbm>>
      tpu.enqueue_dma source(%dma_start3A_23 : memref<80xi32, #tpu.memory_space<hbm>>) target(%arg9 : memref<80xi32, #tpu.memory_space<vmem>>) target_semaphore(%run_scoped3A : memref<!tpu.dma_semaphore, #tpu.memory_space<semaphore_mem>>)
      %dma_wait3A = tpu.memref_slice %arg5[%add3A_11] : memref<320000xi32, #tpu.memory_space<hbm>> -> memref<80xi32, #tpu.memory_space<hbm>>
      %dma_wait3A_24 = tpu.memref_slice %arg5[%add3A_11] : memref<320000xi32, #tpu.memory_space<hbm>> -> memref<80xi32, #tpu.memory_space<hbm>>
      tpu.wait_dma2 semaphore(%run_scoped3A : memref<!tpu.dma_semaphore, #tpu.memory_space<semaphore_mem>>) src(%dma_wait3A_24 : memref<80xi32, #tpu.memory_space<hbm>>) dst(%arg9 : memref<80xi32, #tpu.memory_space<vmem>>)
      tpu.yield
    }) : () -> ()
    "tpu.region"() ({
      %run_scoped3A = tpu.sem_alloc : memref<!tpu.dma_semaphore, #tpu.memory_space<semaphore_mem>>
      %dma_start3A_22 = tpu.memref_slice %arg4[%add3A_11] : memref<320000xi32, #tpu.memory_space<hbm>> -> memref<80xi32, #tpu.memory_space<hbm>>
      %dma_start3A_23 = tpu.memref_slice %arg4[%add3A_11] : memref<320000xi32, #tpu.memory_space<hbm>> -> memref<80xi32, #tpu.memory_space<hbm>>
      tpu.enqueue_dma source(%dma_start3A_23 : memref<80xi32, #tpu.memory_space<hbm>>) target(%arg10 : memref<80xi32, #tpu.memory_space<vmem>>) target_semaphore(%run_scoped3A : memref<!tpu.dma_semaphore, #tpu.memory_space<semaphore_mem>>)
      %dma_wait3A = tpu.memref_slice %arg4[%add3A_11] : memref<320000xi32, #tpu.memory_space<hbm>> -> memref<80xi32, #tpu.memory_space<hbm>>
      %dma_wait3A_24 = tpu.memref_slice %arg4[%add3A_11] : memref<320000xi32, #tpu.memory_space<hbm>> -> memref<80xi32, #tpu.memory_space<hbm>>
      tpu.wait_dma2 semaphore(%run_scoped3A : memref<!tpu.dma_semaphore, #tpu.memory_space<semaphore_mem>>) src(%dma_wait3A_24 : memref<80xi32, #tpu.memory_space<hbm>>) dst(%arg10 : memref<80xi32, #tpu.memory_space<vmem>>)
      tpu.yield
    }) : () -> ()
    %dma_start3A_12 = arith.constant 0 : i32
    %dma_start3A_13 = arith.constant 0 : i32
    %dma_start3A_14 = tpu.memref_slice %arg2[%dma_start3A_12, %dma_start3A_13] : memref<10000x128xf32, #tpu.memory_space<hbm>> -> memref<10000x128xf32, #tpu.memory_space<hbm>>
    tpu.enqueue_indirect_dma source(%dma_start3A_14 : memref<10000x128xf32, #tpu.memory_space<hbm>>) target(%arg13 : memref<80x128xf32, #tpu.memory_space<vmem>>) offsets(%arg9 : memref<80xi32, #tpu.memory_space<vmem>>) semaphore(%arg17 : memref<!tpu.dma_semaphore, #tpu.memory_space<semaphore_mem>>)
    %dma_start3A_15 = arith.constant 0 : i32
    %dma_start3A_16 = arith.constant 0 : i32
    %dma_start3A_17 = tpu.memref_slice %arg3[%dma_start3A_15, %dma_start3A_16] : memref<10000x128xf32, #tpu.memory_space<hbm>> -> memref<10000x128xf32, #tpu.memory_space<hbm>>
    tpu.enqueue_indirect_dma source(%dma_start3A_17 : memref<10000x128xf32, #tpu.memory_space<hbm>>) target(%arg14 : memref<80x128xf32, #tpu.memory_space<vmem>>) offsets(%arg10 : memref<80xi32, #tpu.memory_space<vmem>>) semaphore(%arg18 : memref<!tpu.dma_semaphore, #tpu.memory_space<semaphore_mem>>)
    %scan3A = arith.constant 0 : i32
    %scan3A_18 = arith.constant 63 : i32
    %scan3A_19 = arith.addi %scan3A, %scan3A_18 : i32
    %scan3A_20 = arith.constant 1 : i32
    scf.for %scan3A_22 = %scan3A to %scan3A_19 step %scan3A_20  : i32 {
      %mul3A_23 = arith.constant 1 : i32
      %mul3A_24 = arith.muli %scan3A_22, %mul3A_23 : i32
      %add3A_25 = arith.constant 0 : i32
      %add3A_26 = arith.addi %add3A_25, %mul3A_24 : i32
      %mul3A_27 = arith.constant 2 : i32
      %mul3A_28 = arith.muli %mul3A_27, %add3A_26 : i32
      %add3A_29 = arith.constant 0 : i32
      %add3A_30 = arith.addi %mul3A_28, %add3A_29 : i32
      %lt3A = arith.constant 125 : i32
      %lt3A_31 = arith.cmpi slt, %add3A_30, %lt3A : i32
      %convert_element_type3A = arith.extui %lt3A_31 : i1 to i32
      %cond3A = arith.constant 0 : i32
      %cond3A_32 = arith.cmpi ne, %convert_element_type3A, %cond3A : i32
      scf.if %cond3A_32 {
        %dma_wait3A = arith.constant 0 : i32
        %dma_wait3A_40 = arith.constant 0 : i32
        %dma_wait3A_41 = tpu.memref_slice %arg2[%dma_wait3A, %dma_wait3A_40] : memref<10000x128xf32, #tpu.memory_space<hbm>> -> memref<10000x128xf32, #tpu.memory_space<hbm>>
        tpu.wait_indirect_dma semaphore(%arg15 : memref<!tpu.dma_semaphore, #tpu.memory_space<semaphore_mem>>) src(%dma_wait3A_41 : memref<10000x128xf32, #tpu.memory_space<hbm>>) dst(%arg11 : memref<80x128xf32, #tpu.memory_space<vmem>>)
        %dma_wait3A_42 = arith.constant 0 : i32
        %dma_wait3A_43 = arith.constant 0 : i32
        %dma_wait3A_44 = tpu.memref_slice %arg3[%dma_wait3A_42, %dma_wait3A_43] : memref<10000x128xf32, #tpu.memory_space<hbm>> -> memref<10000x128xf32, #tpu.memory_space<hbm>>
        tpu.wait_indirect_dma semaphore(%arg16 : memref<!tpu.dma_semaphore, #tpu.memory_space<semaphore_mem>>) src(%dma_wait3A_44 : memref<10000x128xf32, #tpu.memory_space<hbm>>) dst(%arg12 : memref<80x128xf32, #tpu.memory_space<vmem>>)
        %scan3A_45 = arith.constant 0 : i32
        %scan3A_46 = arith.constant 80 : i32
        %scan3A_47 = arith.addi %scan3A_45, %scan3A_46 : i32
        %scan3A_48 = arith.constant 1 : i32
        scf.for %scan3A_70 = %scan3A_45 to %scan3A_47 step %scan3A_48  : i32 {
          %mul3A_71 = arith.constant 1 : i32
          %mul3A_72 = arith.muli %scan3A_70, %mul3A_71 : i32
          %add3A_73 = arith.constant 0 : i32
          %add3A_74 = arith.addi %add3A_73, %mul3A_72 : i32
          %get3A = arith.index_cast %add3A_74 : i32 to index
          %get3A_75 = arith.constant 0 : index
          %get3A_76 = tpu.vector_load %arg11[%get3A, %get3A_75] {strides = array<i32>} : memref<80x128xf32, #tpu.memory_space<vmem>>, vector<1x16xf32>,
          %get3A_77 = vector.shape_cast %get3A_76 : vector<1x16xf32> to vector<16xf32>
          %get3A_78 = arith.index_cast %add3A_74 : i32 to index
          %get3A_79 = arith.constant 0 : index
          %get3A_80 = tpu.vector_load %arg12[%get3A_78, %get3A_79] {strides = array<i32>} : memref<80x128xf32, #tpu.memory_space<vmem>>, vector<1x16xf32>,
          %get3A_81 = vector.shape_cast %get3A_80 : vector<1x16xf32> to vector<16xf32>
          %add3A_82 = arith.addf %get3A_77, %get3A_81 : vector<16xf32>
          %swap3A = arith.index_cast %add3A_74 : i32 to index
          %swap3A_83 = arith.constant 0 : index
          %swap3A_84 = tpu.vector_load %arg11[%swap3A, %swap3A_83] {strides = array<i32>} : memref<80x128xf32, #tpu.memory_space<vmem>>, vector<1x16xf32>,
          %swap3A_85 = vector.shape_cast %swap3A_84 : vector<1x16xf32> to vector<16xf32>
          %swap3A_86 = vector.shape_cast %add3A_82 : vector<16xf32> to vector<1x16xf32>
          tpu.vector_store %arg11[%swap3A, %swap3A_83], %swap3A_86 {strides = array<i32>} : memref<80x128xf32, #tpu.memory_space<vmem>>, vector<1x16xf32>,
          %get3A_87 = arith.index_cast %add3A_74 : i32 to index
          %get3A_88 = arith.constant 16 : index
          %get3A_89 = tpu.vector_load %arg11[%get3A_87, %get3A_88] {strides = array<i32>} : memref<80x128xf32, #tpu.memory_space<vmem>>, vector<1x16xf32>,
          %get3A_90 = vector.shape_cast %get3A_89 : vector<1x16xf32> to vector<16xf32>
          %get3A_91 = arith.index_cast %add3A_74 : i32 to index
          %get3A_92 = arith.constant 16 : index
          %get3A_93 = tpu.vector_load %arg12[%get3A_91, %get3A_92] {strides = array<i32>} : memref<80x128xf32, #tpu.memory_space<vmem>>, vector<1x16xf32>,
          %get3A_94 = vector.shape_cast %get3A_93 : vector<1x16xf32> to vector<16xf32>
          %add3A_95 = arith.addf %get3A_90, %get3A_94 : vector<16xf32>
          %swap3A_96 = arith.index_cast %add3A_74 : i32 to index
          %swap3A_97 = arith.constant 16 : index
          %swap3A_98 = tpu.vector_load %arg11[%swap3A_96, %swap3A_97] {strides = array<i32>} : memref<80x128xf32, #tpu.memory_space<vmem>>, vector<1x16xf32>,
          %swap3A_99 = vector.shape_cast %swap3A_98 : vector<1x16xf32> to vector<16xf32>
          %swap3A_100 = vector.shape_cast %add3A_95 : vector<16xf32> to vector<1x16xf32>
          tpu.vector_store %arg11[%swap3A_96, %swap3A_97], %swap3A_100 {strides = array<i32>} : memref<80x128xf32, #tpu.memory_space<vmem>>, vector<1x16xf32>,
          %get3A_101 = arith.index_cast %add3A_74 : i32 to index
          %get3A_102 = arith.constant 32 : index
          %get3A_103 = tpu.vector_load %arg11[%get3A_101, %get3A_102] {strides = array<i32>} : memref<80x128xf32, #tpu.memory_space<vmem>>, vector<1x16xf32>,
          %get3A_104 = vector.shape_cast %get3A_103 : vector<1x16xf32> to vector<16xf32>
          %get3A_105 = arith.index_cast %add3A_74 : i32 to index
          %get3A_106 = arith.constant 32 : index
          %get3A_107 = tpu.vector_load %arg12[%get3A_105, %get3A_106] {strides = array<i32>} : memref<80x128xf32, #tpu.memory_space<vmem>>, vector<1x16xf32>,
          %get3A_108 = vector.shape_cast %get3A_107 : vector<1x16xf32> to vector<16xf32>
          %add3A_109 = arith.addf %get3A_104, %get3A_108 : vector<16xf32>
          %swap3A_110 = arith.index_cast %add3A_74 : i32 to index
          %swap3A_111 = arith.constant 32 : index
          %swap3A_112 = tpu.vector_load %arg11[%swap3A_110, %swap3A_111] {strides = array<i32>} : memref<80x128xf32, #tpu.memory_space<vmem>>, vector<1x16xf32>,
          %swap3A_113 = vector.shape_cast %swap3A_112 : vector<1x16xf32> to vector<16xf32>
          %swap3A_114 = vector.shape_cast %add3A_109 : vector<16xf32> to vector<1x16xf32>
          tpu.vector_store %arg11[%swap3A_110, %swap3A_111], %swap3A_114 {strides = array<i32>} : memref<80x128xf32, #tpu.memory_space<vmem>>, vector<1x16xf32>,
          %get3A_115 = arith.index_cast %add3A_74 : i32 to index
          %get3A_116 = arith.constant 48 : index
          %get3A_117 = tpu.vector_load %arg11[%get3A_115, %get3A_116] {strides = array<i32>} : memref<80x128xf32, #tpu.memory_space<vmem>>, vector<1x16xf32>,
          %get3A_118 = vector.shape_cast %get3A_117 : vector<1x16xf32> to vector<16xf32>
          %get3A_119 = arith.index_cast %add3A_74 : i32 to index
          %get3A_120 = arith.constant 48 : index
          %get3A_121 = tpu.vector_load %arg12[%get3A_119, %get3A_120] {strides = array<i32>} : memref<80x128xf32, #tpu.memory_space<vmem>>, vector<1x16xf32>,
          %get3A_122 = vector.shape_cast %get3A_121 : vector<1x16xf32> to vector<16xf32>
          %add3A_123 = arith.addf %get3A_118, %get3A_122 : vector<16xf32>
          %swap3A_124 = arith.index_cast %add3A_74 : i32 to index
          %swap3A_125 = arith.constant 48 : index
          %swap3A_126 = tpu.vector_load %arg11[%swap3A_124, %swap3A_125] {strides = array<i32>} : memref<80x128xf32, #tpu.memory_space<vmem>>, vector<1x16xf32>,
          %swap3A_127 = vector.shape_cast %swap3A_126 : vector<1x16xf32> to vector<16xf32>
          %swap3A_128 = vector.shape_cast %add3A_123 : vector<16xf32> to vector<1x16xf32>
          tpu.vector_store %arg11[%swap3A_124, %swap3A_125], %swap3A_128 {strides = array<i32>} : memref<80x128xf32, #tpu.memory_space<vmem>>, vector<1x16xf32>,
          %get3A_129 = arith.index_cast %add3A_74 : i32 to index
          %get3A_130 = arith.constant 64 : index
          %get3A_131 = tpu.vector_load %arg11[%get3A_129, %get3A_130] {strides = array<i32>} : memref<80x128xf32, #tpu.memory_space<vmem>>, vector<1x16xf32>,
          %get3A_132 = vector.shape_cast %get3A_131 : vector<1x16xf32> to vector<16xf32>
          %get3A_133 = arith.index_cast %add3A_74 : i32 to index
          %get3A_134 = arith.constant 64 : index
          %get3A_135 = tpu.vector_load %arg12[%get3A_133, %get3A_134] {strides = array<i32>} : memref<80x128xf32, #tpu.memory_space<vmem>>, vector<1x16xf32>,
          %get3A_136 = vector.shape_cast %get3A_135 : vector<1x16xf32> to vector<16xf32>
          %add3A_137 = arith.addf %get3A_132, %get3A_136 : vector<16xf32>
          %swap3A_138 = arith.index_cast %add3A_74 : i32 to index
          %swap3A_139 = arith.constant 64 : index
          %swap3A_140 = tpu.vector_load %arg11[%swap3A_138, %swap3A_139] {strides = array<i32>} : memref<80x128xf32, #tpu.memory_space<vmem>>, vector<1x16xf32>,
          %swap3A_141 = vector.shape_cast %swap3A_140 : vector<1x16xf32> to vector<16xf32>
          %swap3A_142 = vector.shape_cast %add3A_137 : vector<16xf32> to vector<1x16xf32>
          tpu.vector_store %arg11[%swap3A_138, %swap3A_139], %swap3A_142 {strides = array<i32>} : memref<80x128xf32, #tpu.memory_space<vmem>>, vector<1x16xf32>,
          %get3A_143 = arith.index_cast %add3A_74 : i32 to index
          %get3A_144 = arith.constant 80 : index
          %get3A_145 = tpu.vector_load %arg11[%get3A_143, %get3A_144] {strides = array<i32>} : memref<80x128xf32, #tpu.memory_space<vmem>>, vector<1x16xf32>,
          %get3A_146 = vector.shape_cast %get3A_145 : vector<1x16xf32> to vector<16xf32>
          %get3A_147 = arith.index_cast %add3A_74 : i32 to index
          %get3A_148 = arith.constant 80 : index
          %get3A_149 = tpu.vector_load %arg12[%get3A_147, %get3A_148] {strides = array<i32>} : memref<80x128xf32, #tpu.memory_space<vmem>>, vector<1x16xf32>,
          %get3A_150 = vector.shape_cast %get3A_149 : vector<1x16xf32> to vector<16xf32>
          %add3A_151 = arith.addf %get3A_146, %get3A_150 : vector<16xf32>
          %swap3A_152 = arith.index_cast %add3A_74 : i32 to index
          %swap3A_153 = arith.constant 80 : index
          %swap3A_154 = tpu.vector_load %arg11[%swap3A_152, %swap3A_153] {strides = array<i32>} : memref<80x128xf32, #tpu.memory_space<vmem>>, vector<1x16xf32>,
          %swap3A_155 = vector.shape_cast %swap3A_154 : vector<1x16xf32> to vector<16xf32>
          %swap3A_156 = vector.shape_cast %add3A_151 : vector<16xf32> to vector<1x16xf32>
          tpu.vector_store %arg11[%swap3A_152, %swap3A_153], %swap3A_156 {strides = array<i32>} : memref<80x128xf32, #tpu.memory_space<vmem>>, vector<1x16xf32>,
          %get3A_157 = arith.index_cast %add3A_74 : i32 to index
          %get3A_158 = arith.constant 96 : index
          %get3A_159 = tpu.vector_load %arg11[%get3A_157, %get3A_158] {strides = array<i32>} : memref<80x128xf32, #tpu.memory_space<vmem>>, vector<1x16xf32>,
          %get3A_160 = vector.shape_cast %get3A_159 : vector<1x16xf32> to vector<16xf32>
          %get3A_161 = arith.index_cast %add3A_74 : i32 to index
          %get3A_162 = arith.constant 96 : index
          %get3A_163 = tpu.vector_load %arg12[%get3A_161, %get3A_162] {strides = array<i32>} : memref<80x128xf32, #tpu.memory_space<vmem>>, vector<1x16xf32>,
          %get3A_164 = vector.shape_cast %get3A_163 : vector<1x16xf32> to vector<16xf32>
          %add3A_165 = arith.addf %get3A_160, %get3A_164 : vector<16xf32>
          %swap3A_166 = arith.index_cast %add3A_74 : i32 to index
          %swap3A_167 = arith.constant 96 : index
          %swap3A_168 = tpu.vector_load %arg11[%swap3A_166, %swap3A_167] {strides = array<i32>} : memref<80x128xf32, #tpu.memory_space<vmem>>, vector<1x16xf32>,
          %swap3A_169 = vector.shape_cast %swap3A_168 : vector<1x16xf32> to vector<16xf32>
          %swap3A_170 = vector.shape_cast %add3A_165 : vector<16xf32> to vector<1x16xf32>
          tpu.vector_store %arg11[%swap3A_166, %swap3A_167], %swap3A_170 {strides = array<i32>} : memref<80x128xf32, #tpu.memory_space<vmem>>, vector<1x16xf32>,
          %get3A_171 = arith.index_cast %add3A_74 : i32 to index
          %get3A_172 = arith.constant 112 : index
          %get3A_173 = tpu.vector_load %arg11[%get3A_171, %get3A_172] {strides = array<i32>} : memref<80x128xf32, #tpu.memory_space<vmem>>, vector<1x16xf32>,
          %get3A_174 = vector.shape_cast %get3A_173 : vector<1x16xf32> to vector<16xf32>
          %get3A_175 = arith.index_cast %add3A_74 : i32 to index
          %get3A_176 = arith.constant 112 : index
          %get3A_177 = tpu.vector_load %arg12[%get3A_175, %get3A_176] {strides = array<i32>} : memref<80x128xf32, #tpu.memory_space<vmem>>, vector<1x16xf32>,
          %get3A_178 = vector.shape_cast %get3A_177 : vector<1x16xf32> to vector<16xf32>
          %add3A_179 = arith.addf %get3A_174, %get3A_178 : vector<16xf32>
          %swap3A_180 = arith.index_cast %add3A_74 : i32 to index
          %swap3A_181 = arith.constant 112 : index
          %swap3A_182 = tpu.vector_load %arg11[%swap3A_180, %swap3A_181] {strides = array<i32>} : memref<80x128xf32, #tpu.memory_space<vmem>>, vector<1x16xf32>,
          %swap3A_183 = vector.shape_cast %swap3A_182 : vector<1x16xf32> to vector<16xf32>
          %swap3A_184 = vector.shape_cast %add3A_179 : vector<16xf32> to vector<1x16xf32>
          tpu.vector_store %arg11[%swap3A_180, %swap3A_181], %swap3A_184 {strides = array<i32>} : memref<80x128xf32, #tpu.memory_space<vmem>>, vector<1x16xf32>,
        }
        %scan3A_49 = arith.constant 80 : i32
        %mul3A_50 = arith.constant 80 : i32
        %mul3A_51 = arith.muli %add3A_30, %mul3A_50 : i32
        %add3A_52 = arith.addi %mul3A_2, %mul3A_51 : i32
        %dma_start3A_53 = arith.constant 0 : i32
        %dma_start3A_54 = tpu.memref_slice %arg6[%add3A_52, %dma_start3A_53] : memref<320000x128xf32, #tpu.memory_space<hbm>> -> memref<80x128xf32, #tpu.memory_space<hbm>>
        %dma_start3A_55 = arith.constant 0 : i32
        %dma_start3A_56 = tpu.memref_slice %arg6[%add3A_52, %dma_start3A_55] : memref<320000x128xf32, #tpu.memory_space<hbm>> -> memref<80x128xf32, #tpu.memory_space<hbm>>
        tpu.enqueue_dma source(%arg11 : memref<80x128xf32, #tpu.memory_space<vmem>>) target(%dma_start3A_56 : memref<80x128xf32, #tpu.memory_space<hbm>>) target_semaphore(%arg19 : memref<!tpu.dma_semaphore, #tpu.memory_space<semaphore_mem>>)
        %add3A_57 = arith.constant 2 : i32
        %add3A_58 = arith.addi %add3A_30, %add3A_57 : i32
        %lt3A_59 = arith.constant 125 : i32
        %lt3A_60 = arith.cmpi slt, %add3A_58, %lt3A_59 : i32
        %convert_element_type3A_61 = arith.extui %lt3A_60 : i1 to i32
        %cond3A_62 = arith.constant 0 : i32
        %cond3A_63 = arith.cmpi ne, %convert_element_type3A_61, %cond3A_62 : i32
        scf.if %cond3A_63 {
          %mul3A_70 = arith.constant 80 : i32
          %mul3A_71 = arith.muli %add3A_30, %mul3A_70 : i32
          %add3A_72 = arith.addi %mul3A_2, %mul3A_71 : i32
          %dma_wait3A_73 = arith.constant 0 : i32
          %dma_wait3A_74 = tpu.memref_slice %arg6[%add3A_72, %dma_wait3A_73] : memref<320000x128xf32, #tpu.memory_space<hbm>> -> memref<80x128xf32, #tpu.memory_space<hbm>>
          %dma_wait3A_75 = arith.constant 0 : i32
          %dma_wait3A_76 = tpu.memref_slice %arg6[%add3A_72, %dma_wait3A_75] : memref<320000x128xf32, #tpu.memory_space<hbm>> -> memref<80x128xf32, #tpu.memory_space<hbm>>
          tpu.wait_dma2 semaphore(%arg19 : memref<!tpu.dma_semaphore, #tpu.memory_space<semaphore_mem>>) src(%arg11 : memref<80x128xf32, #tpu.memory_space<vmem>>) dst(%dma_wait3A_76 : memref<80x128xf32, #tpu.memory_space<hbm>>)
          %add3A_77 = arith.constant 2 : i32
          %add3A_78 = arith.addi %add3A_30, %add3A_77 : i32
          %mul3A_79 = arith.constant 80 : i32
          %mul3A_80 = arith.muli %add3A_78, %mul3A_79 : i32
          %add3A_81 = arith.addi %mul3A_2, %mul3A_80 : i32
          "tpu.region"() ({
            %run_scoped3A = tpu.sem_alloc : memref<!tpu.dma_semaphore, #tpu.memory_space<semaphore_mem>>
            %dma_start3A_88 = tpu.memref_slice %arg5[%add3A_81] : memref<320000xi32, #tpu.memory_space<hbm>> -> memref<80xi32, #tpu.memory_space<hbm>>
            %dma_start3A_89 = tpu.memref_slice %arg5[%add3A_81] : memref<320000xi32, #tpu.memory_space<hbm>> -> memref<80xi32, #tpu.memory_space<hbm>>
            tpu.enqueue_dma source(%dma_start3A_89 : memref<80xi32, #tpu.memory_space<hbm>>) target(%arg7 : memref<80xi32, #tpu.memory_space<vmem>>) target_semaphore(%run_scoped3A : memref<!tpu.dma_semaphore, #tpu.memory_space<semaphore_mem>>)
            %dma_wait3A_90 = tpu.memref_slice %arg5[%add3A_81] : memref<320000xi32, #tpu.memory_space<hbm>> -> memref<80xi32, #tpu.memory_space<hbm>>
            %dma_wait3A_91 = tpu.memref_slice %arg5[%add3A_81] : memref<320000xi32, #tpu.memory_space<hbm>> -> memref<80xi32, #tpu.memory_space<hbm>>
            tpu.wait_dma2 semaphore(%run_scoped3A : memref<!tpu.dma_semaphore, #tpu.memory_space<semaphore_mem>>) src(%dma_wait3A_91 : memref<80xi32, #tpu.memory_space<hbm>>) dst(%arg7 : memref<80xi32, #tpu.memory_space<vmem>>)
            tpu.yield
          }) : () -> ()
          "tpu.region"() ({
            %run_scoped3A = tpu.sem_alloc : memref<!tpu.dma_semaphore, #tpu.memory_space<semaphore_mem>>
            %dma_start3A_88 = tpu.memref_slice %arg4[%add3A_81] : memref<320000xi32, #tpu.memory_space<hbm>> -> memref<80xi32, #tpu.memory_space<hbm>>
            %dma_start3A_89 = tpu.memref_slice %arg4[%add3A_81] : memref<320000xi32, #tpu.memory_space<hbm>> -> memref<80xi32, #tpu.memory_space<hbm>>
            tpu.enqueue_dma source(%dma_start3A_89 : memref<80xi32, #tpu.memory_space<hbm>>) target(%arg8 : memref<80xi32, #tpu.memory_space<vmem>>) target_semaphore(%run_scoped3A : memref<!tpu.dma_semaphore, #tpu.memory_space<semaphore_mem>>)
            %dma_wait3A_90 = tpu.memref_slice %arg4[%add3A_81] : memref<320000xi32, #tpu.memory_space<hbm>> -> memref<80xi32, #tpu.memory_space<hbm>>
            %dma_wait3A_91 = tpu.memref_slice %arg4[%add3A_81] : memref<320000xi32, #tpu.memory_space<hbm>> -> memref<80xi32, #tpu.memory_space<hbm>>
            tpu.wait_dma2 semaphore(%run_scoped3A : memref<!tpu.dma_semaphore, #tpu.memory_space<semaphore_mem>>) src(%dma_wait3A_91 : memref<80xi32, #tpu.memory_space<hbm>>) dst(%arg8 : memref<80xi32, #tpu.memory_space<vmem>>)
            tpu.yield
          }) : () -> ()
          %dma_start3A_82 = arith.constant 0 : i32
          %dma_start3A_83 = arith.constant 0 : i32
          %dma_start3A_84 = tpu.memref_slice %arg2[%dma_start3A_82, %dma_start3A_83] : memref<10000x128xf32, #tpu.memory_space<hbm>> -> memref<10000x128xf32, #tpu.memory_space<hbm>>
          tpu.enqueue_indirect_dma source(%dma_start3A_84 : memref<10000x128xf32, #tpu.memory_space<hbm>>) target(%arg11 : memref<80x128xf32, #tpu.memory_space<vmem>>) offsets(%arg7 : memref<80xi32, #tpu.memory_space<vmem>>) semaphore(%arg15 : memref<!tpu.dma_semaphore, #tpu.memory_space<semaphore_mem>>)
          %dma_start3A_85 = arith.constant 0 : i32
          %dma_start3A_86 = arith.constant 0 : i32
          %dma_start3A_87 = tpu.memref_slice %arg3[%dma_start3A_85, %dma_start3A_86] : memref<10000x128xf32, #tpu.memory_space<hbm>> -> memref<10000x128xf32, #tpu.memory_space<hbm>>
          tpu.enqueue_indirect_dma source(%dma_start3A_87 : memref<10000x128xf32, #tpu.memory_space<hbm>>) target(%arg12 : memref<80x128xf32, #tpu.memory_space<vmem>>) offsets(%arg8 : memref<80xi32, #tpu.memory_space<vmem>>) semaphore(%arg16 : memref<!tpu.dma_semaphore, #tpu.memory_space<semaphore_mem>>)
        } else {
        }
        %add3A_64 = arith.constant 2 : i32
        %add3A_65 = arith.addi %add3A_30, %add3A_64 : i32
        %ge3A = arith.constant 125 : i32
        %ge3A_66 = arith.cmpi sge, %add3A_65, %ge3A : i32
        %convert_element_type3A_67 = arith.extui %ge3A_66 : i1 to i32
        %cond3A_68 = arith.constant 0 : i32
        %cond3A_69 = arith.cmpi ne, %convert_element_type3A_67, %cond3A_68 : i32
        scf.if %cond3A_69 {
          %mul3A_70 = arith.constant 80 : i32
          %mul3A_71 = arith.muli %add3A_30, %mul3A_70 : i32
          %add3A_72 = arith.addi %mul3A_2, %mul3A_71 : i32
          %dma_wait3A_73 = arith.constant 0 : i32
          %dma_wait3A_74 = tpu.memref_slice %arg6[%add3A_72, %dma_wait3A_73] : memref<320000x128xf32, #tpu.memory_space<hbm>> -> memref<80x128xf32, #tpu.memory_space<hbm>>
          %dma_wait3A_75 = arith.constant 0 : i32
          %dma_wait3A_76 = tpu.memref_slice %arg6[%add3A_72, %dma_wait3A_75] : memref<320000x128xf32, #tpu.memory_space<hbm>> -> memref<80x128xf32, #tpu.memory_space<hbm>>
          tpu.wait_dma2 semaphore(%arg19 : memref<!tpu.dma_semaphore, #tpu.memory_space<semaphore_mem>>) src(%arg11 : memref<80x128xf32, #tpu.memory_space<vmem>>) dst(%dma_wait3A_76 : memref<80x128xf32, #tpu.memory_space<hbm>>)
        } else {
        }
      } else {
      }
      %add3A_33 = arith.constant 1 : i32
      %add3A_34 = arith.addi %mul3A_28, %add3A_33 : i32
      %lt3A_35 = arith.constant 125 : i32
      %lt3A_36 = arith.cmpi slt, %add3A_34, %lt3A_35 : i32
      %convert_element_type3A_37 = arith.extui %lt3A_36 : i1 to i32
      %cond3A_38 = arith.constant 0 : i32
      %cond3A_39 = arith.cmpi ne, %convert_element_type3A_37, %cond3A_38 : i32
      scf.if %cond3A_39 {
        %dma_wait3A = arith.constant 0 : i32
        %dma_wait3A_40 = arith.constant 0 : i32
        %dma_wait3A_41 = tpu.memref_slice %arg2[%dma_wait3A, %dma_wait3A_40] : memref<10000x128xf32, #tpu.memory_space<hbm>> -> memref<10000x128xf32, #tpu.memory_space<hbm>>
        tpu.wait_indirect_dma semaphore(%arg17 : memref<!tpu.dma_semaphore, #tpu.memory_space<semaphore_mem>>) src(%dma_wait3A_41 : memref<10000x128xf32, #tpu.memory_space<hbm>>) dst(%arg13 : memref<80x128xf32, #tpu.memory_space<vmem>>)
        %dma_wait3A_42 = arith.constant 0 : i32
        %dma_wait3A_43 = arith.constant 0 : i32
        %dma_wait3A_44 = tpu.memref_slice %arg3[%dma_wait3A_42, %dma_wait3A_43] : memref<10000x128xf32, #tpu.memory_space<hbm>> -> memref<10000x128xf32, #tpu.memory_space<hbm>>
        tpu.wait_indirect_dma semaphore(%arg18 : memref<!tpu.dma_semaphore, #tpu.memory_space<semaphore_mem>>) src(%dma_wait3A_44 : memref<10000x128xf32, #tpu.memory_space<hbm>>) dst(%arg14 : memref<80x128xf32, #tpu.memory_space<vmem>>)
        %scan3A_45 = arith.constant 0 : i32
        %scan3A_46 = arith.constant 80 : i32
        %scan3A_47 = arith.addi %scan3A_45, %scan3A_46 : i32
        %scan3A_48 = arith.constant 1 : i32
        scf.for %scan3A_70 = %scan3A_45 to %scan3A_47 step %scan3A_48  : i32 {
          %mul3A_71 = arith.constant 1 : i32
          %mul3A_72 = arith.muli %scan3A_70, %mul3A_71 : i32
          %add3A_73 = arith.constant 0 : i32
          %add3A_74 = arith.addi %add3A_73, %mul3A_72 : i32
          %get3A = arith.index_cast %add3A_74 : i32 to index
          %get3A_75 = arith.constant 0 : index
          %get3A_76 = tpu.vector_load %arg13[%get3A, %get3A_75] {strides = array<i32>} : memref<80x128xf32, #tpu.memory_space<vmem>>, vector<1x16xf32>,
          %get3A_77 = vector.shape_cast %get3A_76 : vector<1x16xf32> to vector<16xf32>
          %get3A_78 = arith.index_cast %add3A_74 : i32 to index
          %get3A_79 = arith.constant 0 : index
          %get3A_80 = tpu.vector_load %arg14[%get3A_78, %get3A_79] {strides = array<i32>} : memref<80x128xf32, #tpu.memory_space<vmem>>, vector<1x16xf32>,
          %get3A_81 = vector.shape_cast %get3A_80 : vector<1x16xf32> to vector<16xf32>
          %add3A_82 = arith.addf %get3A_77, %get3A_81 : vector<16xf32>
          %swap3A = arith.index_cast %add3A_74 : i32 to index
          %swap3A_83 = arith.constant 0 : index
          %swap3A_84 = tpu.vector_load %arg13[%swap3A, %swap3A_83] {strides = array<i32>} : memref<80x128xf32, #tpu.memory_space<vmem>>, vector<1x16xf32>,
          %swap3A_85 = vector.shape_cast %swap3A_84 : vector<1x16xf32> to vector<16xf32>
          %swap3A_86 = vector.shape_cast %add3A_82 : vector<16xf32> to vector<1x16xf32>
          tpu.vector_store %arg13[%swap3A, %swap3A_83], %swap3A_86 {strides = array<i32>} : memref<80x128xf32, #tpu.memory_space<vmem>>, vector<1x16xf32>,
          %get3A_87 = arith.index_cast %add3A_74 : i32 to index
          %get3A_88 = arith.constant 16 : index
          %get3A_89 = tpu.vector_load %arg13[%get3A_87, %get3A_88] {strides = array<i32>} : memref<80x128xf32, #tpu.memory_space<vmem>>, vector<1x16xf32>,
          %get3A_90 = vector.shape_cast %get3A_89 : vector<1x16xf32> to vector<16xf32>
          %get3A_91 = arith.index_cast %add3A_74 : i32 to index
          %get3A_92 = arith.constant 16 : index
          %get3A_93 = tpu.vector_load %arg14[%get3A_91, %get3A_92] {strides = array<i32>} : memref<80x128xf32, #tpu.memory_space<vmem>>, vector<1x16xf32>,
          %get3A_94 = vector.shape_cast %get3A_93 : vector<1x16xf32> to vector<16xf32>
          %add3A_95 = arith.addf %get3A_90, %get3A_94 : vector<16xf32>
          %swap3A_96 = arith.index_cast %add3A_74 : i32 to index
          %swap3A_97 = arith.constant 16 : index
          %swap3A_98 = tpu.vector_load %arg13[%swap3A_96, %swap3A_97] {strides = array<i32>} : memref<80x128xf32, #tpu.memory_space<vmem>>, vector<1x16xf32>,
          %swap3A_99 = vector.shape_cast %swap3A_98 : vector<1x16xf32> to vector<16xf32>
          %swap3A_100 = vector.shape_cast %add3A_95 : vector<16xf32> to vector<1x16xf32>
          tpu.vector_store %arg13[%swap3A_96, %swap3A_97], %swap3A_100 {strides = array<i32>} : memref<80x128xf32, #tpu.memory_space<vmem>>, vector<1x16xf32>,
          %get3A_101 = arith.index_cast %add3A_74 : i32 to index
          %get3A_102 = arith.constant 32 : index
          %get3A_103 = tpu.vector_load %arg13[%get3A_101, %get3A_102] {strides = array<i32>} : memref<80x128xf32, #tpu.memory_space<vmem>>, vector<1x16xf32>,
          %get3A_104 = vector.shape_cast %get3A_103 : vector<1x16xf32> to vector<16xf32>
          %get3A_105 = arith.index_cast %add3A_74 : i32 to index
          %get3A_106 = arith.constant 32 : index
          %get3A_107 = tpu.vector_load %arg14[%get3A_105, %get3A_106] {strides = array<i32>} : memref<80x128xf32, #tpu.memory_space<vmem>>, vector<1x16xf32>,
          %get3A_108 = vector.shape_cast %get3A_107 : vector<1x16xf32> to vector<16xf32>
          %add3A_109 = arith.addf %get3A_104, %get3A_108 : vector<16xf32>
          %swap3A_110 = arith.index_cast %add3A_74 : i32 to index
          %swap3A_111 = arith.constant 32 : index
          %swap3A_112 = tpu.vector_load %arg13[%swap3A_110, %swap3A_111] {strides = array<i32>} : memref<80x128xf32, #tpu.memory_space<vmem>>, vector<1x16xf32>,
          %swap3A_113 = vector.shape_cast %swap3A_112 : vector<1x16xf32> to vector<16xf32>
          %swap3A_114 = vector.shape_cast %add3A_109 : vector<16xf32> to vector<1x16xf32>
          tpu.vector_store %arg13[%swap3A_110, %swap3A_111], %swap3A_114 {strides = array<i32>} : memref<80x128xf32, #tpu.memory_space<vmem>>, vector<1x16xf32>,
          %get3A_115 = arith.index_cast %add3A_74 : i32 to index
          %get3A_116 = arith.constant 48 : index
          %get3A_117 = tpu.vector_load %arg13[%get3A_115, %get3A_116] {strides = array<i32>} : memref<80x128xf32, #tpu.memory_space<vmem>>, vector<1x16xf32>,
          %get3A_118 = vector.shape_cast %get3A_117 : vector<1x16xf32> to vector<16xf32>
          %get3A_119 = arith.index_cast %add3A_74 : i32 to index
          %get3A_120 = arith.constant 48 : index
          %get3A_121 = tpu.vector_load %arg14[%get3A_119, %get3A_120] {strides = array<i32>} : memref<80x128xf32, #tpu.memory_space<vmem>>, vector<1x16xf32>,
          %get3A_122 = vector.shape_cast %get3A_121 : vector<1x16xf32> to vector<16xf32>
          %add3A_123 = arith.addf %get3A_118, %get3A_122 : vector<16xf32>
          %swap3A_124 = arith.index_cast %add3A_74 : i32 to index
          %swap3A_125 = arith.constant 48 : index
          %swap3A_126 = tpu.vector_load %arg13[%swap3A_124, %swap3A_125] {strides = array<i32>} : memref<80x128xf32, #tpu.memory_space<vmem>>, vector<1x16xf32>,
          %swap3A_127 = vector.shape_cast %swap3A_126 : vector<1x16xf32> to vector<16xf32>
          %swap3A_128 = vector.shape_cast %add3A_123 : vector<16xf32> to vector<1x16xf32>
          tpu.vector_store %arg13[%swap3A_124, %swap3A_125], %swap3A_128 {strides = array<i32>} : memref<80x128xf32, #tpu.memory_space<vmem>>, vector<1x16xf32>,
          %get3A_129 = arith.index_cast %add3A_74 : i32 to index
          %get3A_130 = arith.constant 64 : index
          %get3A_131 = tpu.vector_load %arg13[%get3A_129, %get3A_130] {strides = array<i32>} : memref<80x128xf32, #tpu.memory_space<vmem>>, vector<1x16xf32>,
          %get3A_132 = vector.shape_cast %get3A_131 : vector<1x16xf32> to vector<16xf32>
          %get3A_133 = arith.index_cast %add3A_74 : i32 to index
          %get3A_134 = arith.constant 64 : index
          %get3A_135 = tpu.vector_load %arg14[%get3A_133, %get3A_134] {strides = array<i32>} : memref<80x128xf32, #tpu.memory_space<vmem>>, vector<1x16xf32>,
          %get3A_136 = vector.shape_cast %get3A_135 : vector<1x16xf32> to vector<16xf32>
          %add3A_137 = arith.addf %get3A_132, %get3A_136 : vector<16xf32>
          %swap3A_138 = arith.index_cast %add3A_74 : i32 to index
          %swap3A_139 = arith.constant 64 : index
          %swap3A_140 = tpu.vector_load %arg13[%swap3A_138, %swap3A_139] {strides = array<i32>} : memref<80x128xf32, #tpu.memory_space<vmem>>, vector<1x16xf32>,
          %swap3A_141 = vector.shape_cast %swap3A_140 : vector<1x16xf32> to vector<16xf32>
          %swap3A_142 = vector.shape_cast %add3A_137 : vector<16xf32> to vector<1x16xf32>
          tpu.vector_store %arg13[%swap3A_138, %swap3A_139], %swap3A_142 {strides = array<i32>} : memref<80x128xf32, #tpu.memory_space<vmem>>, vector<1x16xf32>,
          %get3A_143 = arith.index_cast %add3A_74 : i32 to index
          %get3A_144 = arith.constant 80 : index
          %get3A_145 = tpu.vector_load %arg13[%get3A_143, %get3A_144] {strides = array<i32>} : memref<80x128xf32, #tpu.memory_space<vmem>>, vector<1x16xf32>,
          %get3A_146 = vector.shape_cast %get3A_145 : vector<1x16xf32> to vector<16xf32>
          %get3A_147 = arith.index_cast %add3A_74 : i32 to index
          %get3A_148 = arith.constant 80 : index
          %get3A_149 = tpu.vector_load %arg14[%get3A_147, %get3A_148] {strides = array<i32>} : memref<80x128xf32, #tpu.memory_space<vmem>>, vector<1x16xf32>,
          %get3A_150 = vector.shape_cast %get3A_149 : vector<1x16xf32> to vector<16xf32>
          %add3A_151 = arith.addf %get3A_146, %get3A_150 : vector<16xf32>
          %swap3A_152 = arith.index_cast %add3A_74 : i32 to index
          %swap3A_153 = arith.constant 80 : index
          %swap3A_154 = tpu.vector_load %arg13[%swap3A_152, %swap3A_153] {strides = array<i32>} : memref<80x128xf32, #tpu.memory_space<vmem>>, vector<1x16xf32>,
          %swap3A_155 = vector.shape_cast %swap3A_154 : vector<1x16xf32> to vector<16xf32>
          %swap3A_156 = vector.shape_cast %add3A_151 : vector<16xf32> to vector<1x16xf32>
          tpu.vector_store %arg13[%swap3A_152, %swap3A_153], %swap3A_156 {strides = array<i32>} : memref<80x128xf32, #tpu.memory_space<vmem>>, vector<1x16xf32>,
          %get3A_157 = arith.index_cast %add3A_74 : i32 to index
          %get3A_158 = arith.constant 96 : index
          %get3A_159 = tpu.vector_load %arg13[%get3A_157, %get3A_158] {strides = array<i32>} : memref<80x128xf32, #tpu.memory_space<vmem>>, vector<1x16xf32>,
          %get3A_160 = vector.shape_cast %get3A_159 : vector<1x16xf32> to vector<16xf32>
          %get3A_161 = arith.index_cast %add3A_74 : i32 to index
          %get3A_162 = arith.constant 96 : index
          %get3A_163 = tpu.vector_load %arg14[%get3A_161, %get3A_162] {strides = array<i32>} : memref<80x128xf32, #tpu.memory_space<vmem>>, vector<1x16xf32>,
          %get3A_164 = vector.shape_cast %get3A_163 : vector<1x16xf32> to vector<16xf32>
          %add3A_165 = arith.addf %get3A_160, %get3A_164 : vector<16xf32>
          %swap3A_166 = arith.index_cast %add3A_74 : i32 to index
          %swap3A_167 = arith.constant 96 : index
          %swap3A_168 = tpu.vector_load %arg13[%swap3A_166, %swap3A_167] {strides = array<i32>} : memref<80x128xf32, #tpu.memory_space<vmem>>, vector<1x16xf32>,
          %swap3A_169 = vector.shape_cast %swap3A_168 : vector<1x16xf32> to vector<16xf32>
          %swap3A_170 = vector.shape_cast %add3A_165 : vector<16xf32> to vector<1x16xf32>
          tpu.vector_store %arg13[%swap3A_166, %swap3A_167], %swap3A_170 {strides = array<i32>} : memref<80x128xf32, #tpu.memory_space<vmem>>, vector<1x16xf32>,
          %get3A_171 = arith.index_cast %add3A_74 : i32 to index
          %get3A_172 = arith.constant 112 : index
          %get3A_173 = tpu.vector_load %arg13[%get3A_171, %get3A_172] {strides = array<i32>} : memref<80x128xf32, #tpu.memory_space<vmem>>, vector<1x16xf32>,
          %get3A_174 = vector.shape_cast %get3A_173 : vector<1x16xf32> to vector<16xf32>
          %get3A_175 = arith.index_cast %add3A_74 : i32 to index
          %get3A_176 = arith.constant 112 : index
          %get3A_177 = tpu.vector_load %arg14[%get3A_175, %get3A_176] {strides = array<i32>} : memref<80x128xf32, #tpu.memory_space<vmem>>, vector<1x16xf32>,
          %get3A_178 = vector.shape_cast %get3A_177 : vector<1x16xf32> to vector<16xf32>
          %add3A_179 = arith.addf %get3A_174, %get3A_178 : vector<16xf32>
          %swap3A_180 = arith.index_cast %add3A_74 : i32 to index
          %swap3A_181 = arith.constant 112 : index
          %swap3A_182 = tpu.vector_load %arg13[%swap3A_180, %swap3A_181] {strides = array<i32>} : memref<80x128xf32, #tpu.memory_space<vmem>>, vector<1x16xf32>,
          %swap3A_183 = vector.shape_cast %swap3A_182 : vector<1x16xf32> to vector<16xf32>
          %swap3A_184 = vector.shape_cast %add3A_179 : vector<16xf32> to vector<1x16xf32>
          tpu.vector_store %arg13[%swap3A_180, %swap3A_181], %swap3A_184 {strides = array<i32>} : memref<80x128xf32, #tpu.memory_space<vmem>>, vector<1x16xf32>,
        }
        %scan3A_49 = arith.constant 80 : i32
        %mul3A_50 = arith.constant 80 : i32
        %mul3A_51 = arith.muli %add3A_34, %mul3A_50 : i32
        %add3A_52 = arith.addi %mul3A_2, %mul3A_51 : i32
        %dma_start3A_53 = arith.constant 0 : i32
        %dma_start3A_54 = tpu.memref_slice %arg6[%add3A_52, %dma_start3A_53] : memref<320000x128xf32, #tpu.memory_space<hbm>> -> memref<80x128xf32, #tpu.memory_space<hbm>>
        %dma_start3A_55 = arith.constant 0 : i32
        %dma_start3A_56 = tpu.memref_slice %arg6[%add3A_52, %dma_start3A_55] : memref<320000x128xf32, #tpu.memory_space<hbm>> -> memref<80x128xf32, #tpu.memory_space<hbm>>
        tpu.enqueue_dma source(%arg13 : memref<80x128xf32, #tpu.memory_space<vmem>>) target(%dma_start3A_56 : memref<80x128xf32, #tpu.memory_space<hbm>>) target_semaphore(%arg20 : memref<!tpu.dma_semaphore, #tpu.memory_space<semaphore_mem>>)
        %add3A_57 = arith.constant 2 : i32
        %add3A_58 = arith.addi %add3A_34, %add3A_57 : i32
        %lt3A_59 = arith.constant 125 : i32
        %lt3A_60 = arith.cmpi slt, %add3A_58, %lt3A_59 : i32
        %convert_element_type3A_61 = arith.extui %lt3A_60 : i1 to i32
        %cond3A_62 = arith.constant 0 : i32
        %cond3A_63 = arith.cmpi ne, %convert_element_type3A_61, %cond3A_62 : i32
        scf.if %cond3A_63 {
          %mul3A_70 = arith.constant 80 : i32
          %mul3A_71 = arith.muli %add3A_34, %mul3A_70 : i32
          %add3A_72 = arith.addi %mul3A_2, %mul3A_71 : i32
          %dma_wait3A_73 = arith.constant 0 : i32
          %dma_wait3A_74 = tpu.memref_slice %arg6[%add3A_72, %dma_wait3A_73] : memref<320000x128xf32, #tpu.memory_space<hbm>> -> memref<80x128xf32, #tpu.memory_space<hbm>>
          %dma_wait3A_75 = arith.constant 0 : i32
          %dma_wait3A_76 = tpu.memref_slice %arg6[%add3A_72, %dma_wait3A_75] : memref<320000x128xf32, #tpu.memory_space<hbm>> -> memref<80x128xf32, #tpu.memory_space<hbm>>
          tpu.wait_dma2 semaphore(%arg20 : memref<!tpu.dma_semaphore, #tpu.memory_space<semaphore_mem>>) src(%arg13 : memref<80x128xf32, #tpu.memory_space<vmem>>) dst(%dma_wait3A_76 : memref<80x128xf32, #tpu.memory_space<hbm>>)
          %add3A_77 = arith.constant 2 : i32
          %add3A_78 = arith.addi %add3A_34, %add3A_77 : i32
          %mul3A_79 = arith.constant 80 : i32
          %mul3A_80 = arith.muli %add3A_78, %mul3A_79 : i32
          %add3A_81 = arith.addi %mul3A_2, %mul3A_80 : i32
          "tpu.region"() ({
            %run_scoped3A = tpu.sem_alloc : memref<!tpu.dma_semaphore, #tpu.memory_space<semaphore_mem>>
            %dma_start3A_88 = tpu.memref_slice %arg5[%add3A_81] : memref<320000xi32, #tpu.memory_space<hbm>> -> memref<80xi32, #tpu.memory_space<hbm>>
            %dma_start3A_89 = tpu.memref_slice %arg5[%add3A_81] : memref<320000xi32, #tpu.memory_space<hbm>> -> memref<80xi32, #tpu.memory_space<hbm>>
            tpu.enqueue_dma source(%dma_start3A_89 : memref<80xi32, #tpu.memory_space<hbm>>) target(%arg9 : memref<80xi32, #tpu.memory_space<vmem>>) target_semaphore(%run_scoped3A : memref<!tpu.dma_semaphore, #tpu.memory_space<semaphore_mem>>)
            %dma_wait3A_90 = tpu.memref_slice %arg5[%add3A_81] : memref<320000xi32, #tpu.memory_space<hbm>> -> memref<80xi32, #tpu.memory_space<hbm>>
            %dma_wait3A_91 = tpu.memref_slice %arg5[%add3A_81] : memref<320000xi32, #tpu.memory_space<hbm>> -> memref<80xi32, #tpu.memory_space<hbm>>
            tpu.wait_dma2 semaphore(%run_scoped3A : memref<!tpu.dma_semaphore, #tpu.memory_space<semaphore_mem>>) src(%dma_wait3A_91 : memref<80xi32, #tpu.memory_space<hbm>>) dst(%arg9 : memref<80xi32, #tpu.memory_space<vmem>>)
            tpu.yield
          }) : () -> ()
          "tpu.region"() ({
            %run_scoped3A = tpu.sem_alloc : memref<!tpu.dma_semaphore, #tpu.memory_space<semaphore_mem>>
            %dma_start3A_88 = tpu.memref_slice %arg4[%add3A_81] : memref<320000xi32, #tpu.memory_space<hbm>> -> memref<80xi32, #tpu.memory_space<hbm>>
            %dma_start3A_89 = tpu.memref_slice %arg4[%add3A_81] : memref<320000xi32, #tpu.memory_space<hbm>> -> memref<80xi32, #tpu.memory_space<hbm>>
            tpu.enqueue_dma source(%dma_start3A_89 : memref<80xi32, #tpu.memory_space<hbm>>) target(%arg10 : memref<80xi32, #tpu.memory_space<vmem>>) target_semaphore(%run_scoped3A : memref<!tpu.dma_semaphore, #tpu.memory_space<semaphore_mem>>)
            %dma_wait3A_90 = tpu.memref_slice %arg4[%add3A_81] : memref<320000xi32, #tpu.memory_space<hbm>> -> memref<80xi32, #tpu.memory_space<hbm>>
            %dma_wait3A_91 = tpu.memref_slice %arg4[%add3A_81] : memref<320000xi32, #tpu.memory_space<hbm>> -> memref<80xi32, #tpu.memory_space<hbm>>
            tpu.wait_dma2 semaphore(%run_scoped3A : memref<!tpu.dma_semaphore, #tpu.memory_space<semaphore_mem>>) src(%dma_wait3A_91 : memref<80xi32, #tpu.memory_space<hbm>>) dst(%arg10 : memref<80xi32, #tpu.memory_space<vmem>>)
            tpu.yield
          }) : () -> ()
          %dma_start3A_82 = arith.constant 0 : i32
          %dma_start3A_83 = arith.constant 0 : i32
          %dma_start3A_84 = tpu.memref_slice %arg2[%dma_start3A_82, %dma_start3A_83] : memref<10000x128xf32, #tpu.memory_space<hbm>> -> memref<10000x128xf32, #tpu.memory_space<hbm>>
          tpu.enqueue_indirect_dma source(%dma_start3A_84 : memref<10000x128xf32, #tpu.memory_space<hbm>>) target(%arg13 : memref<80x128xf32, #tpu.memory_space<vmem>>) offsets(%arg9 : memref<80xi32, #tpu.memory_space<vmem>>) semaphore(%arg17 : memref<!tpu.dma_semaphore, #tpu.memory_space<semaphore_mem>>)
          %dma_start3A_85 = arith.constant 0 : i32
          %dma_start3A_86 = arith.constant 0 : i32
          %dma_start3A_87 = tpu.memref_slice %arg3[%dma_start3A_85, %dma_start3A_86] : memref<10000x128xf32, #tpu.memory_space<hbm>> -> memref<10000x128xf32, #tpu.memory_space<hbm>>
          tpu.enqueue_indirect_dma source(%dma_start3A_87 : memref<10000x128xf32, #tpu.memory_space<hbm>>) target(%arg14 : memref<80x128xf32, #tpu.memory_space<vmem>>) offsets(%arg10 : memref<80xi32, #tpu.memory_space<vmem>>) semaphore(%arg18 : memref<!tpu.dma_semaphore, #tpu.memory_space<semaphore_mem>>)
        } else {
        }
        %add3A_64 = arith.constant 2 : i32
        %add3A_65 = arith.addi %add3A_34, %add3A_64 : i32
        %ge3A = arith.constant 125 : i32
        %ge3A_66 = arith.cmpi sge, %add3A_65, %ge3A : i32
        %convert_element_type3A_67 = arith.extui %ge3A_66 : i1 to i32
        %cond3A_68 = arith.constant 0 : i32
        %cond3A_69 = arith.cmpi ne, %convert_element_type3A_67, %cond3A_68 : i32
        scf.if %cond3A_69 {
          %mul3A_70 = arith.constant 80 : i32
          %mul3A_71 = arith.muli %add3A_34, %mul3A_70 : i32
          %add3A_72 = arith.addi %mul3A_2, %mul3A_71 : i32
          %dma_wait3A_73 = arith.constant 0 : i32
          %dma_wait3A_74 = tpu.memref_slice %arg6[%add3A_72, %dma_wait3A_73] : memref<320000x128xf32, #tpu.memory_space<hbm>> -> memref<80x128xf32, #tpu.memory_space<hbm>>
          %dma_wait3A_75 = arith.constant 0 : i32
          %dma_wait3A_76 = tpu.memref_slice %arg6[%add3A_72, %dma_wait3A_75] : memref<320000x128xf32, #tpu.memory_space<hbm>> -> memref<80x128xf32, #tpu.memory_space<hbm>>
          tpu.wait_dma2 semaphore(%arg20 : memref<!tpu.dma_semaphore, #tpu.memory_space<semaphore_mem>>) src(%arg13 : memref<80x128xf32, #tpu.memory_space<vmem>>) dst(%dma_wait3A_76 : memref<80x128xf32, #tpu.memory_space<hbm>>)
        } else {
        }
      } else {
      }
    }
    %scan3A_21 = arith.constant 63 : i32
    return
  }
}

#map = affine_map<(d0, d1) -> (0, 0)>
#map1 = affine_map<(d0, d1) -> (0)>
#map2 = affine_map<(d0, d1) -> (0, 0, 0)>
module attributes {stable_mosaic.version = 14 : i64} {
  func.func @sk(%arg0: i32, %arg1: i32, %arg2: memref<320000x128xf32, #tpu.memory_space<hbm>>, %arg3: memref<320000xi32, #tpu.memory_space<hbm>>, %arg4: memref<632x128xf32, #tpu.memory_space<hbm>>, %arg5: memref<2x10112x128xf32, #tpu.memory_space<hbm>>, %arg6: memref<80xi32, #tpu.memory_space<vmem>>, %arg7: memref<80xi32, #tpu.memory_space<vmem>>, %arg8: memref<80x128xf32, #tpu.memory_space<vmem>>, %arg9: memref<80x128xf32, #tpu.memory_space<vmem>>, %arg10: memref<10112x128xf32, #tpu.memory_space<vmem_shared>>, %arg11: memref<!tpu.dma_semaphore, #tpu.memory_space<semaphore_mem>>, %arg12: memref<!tpu.dma_semaphore, #tpu.memory_space<semaphore_mem>>, %arg13: memref<!tpu.dma_semaphore, #tpu.memory_space<semaphore_mem>>, %arg14: memref<!tpu.dma_semaphore, #tpu.memory_space<semaphore_mem>>) attributes {dimension_semantics = [#tpu.dimension_semantics<core_parallel>, #tpu.dimension_semantics<subcore_parallel>], iteration_bounds = array<i64: 2, 16>, scalar_prefetch = 0 : i64, scratch_operands = 9 : i64, tpu.core_type = #tpu.core_type<sc_vector_subcore>, window_params = [{transform_indices = #map}, {transform_indices = #map1}, {transform_indices = #map}, {transform_indices = #map2}]} {
    %mul3A = arith.constant 2 : i32
    %mul3A_0 = arith.muli %arg1, %mul3A : i32
    %add3A = arith.addi %mul3A_0, %arg0 : i32
    %mul3A_1 = arith.constant 10000 : i32
    %mul3A_2 = arith.muli %add3A, %mul3A_1 : i32
    %mul3A_3 = arith.constant 632 : i32
    %mul3A_4 = arith.muli %arg1, %mul3A_3 : i32
    %dma_start3A = arith.constant 0 : i32
    %dma_start3A_5 = tpu.memref_slice %arg10[%mul3A_4, %dma_start3A] : memref<10112x128xf32, #tpu.memory_space<vmem_shared>> -> memref<632x128xf32, #tpu.memory_space<vmem_shared>>
    tpu.enqueue_dma source(%arg4 : memref<632x128xf32, #tpu.memory_space<hbm>>) target(%dma_start3A_5 : memref<632x128xf32, #tpu.memory_space<vmem_shared>>) target_semaphore(%arg11 : memref<!tpu.dma_semaphore, #tpu.memory_space<semaphore_mem>>)
    %dma_wait3A = arith.constant 0 : i32
    %dma_wait3A_6 = tpu.memref_slice %arg10[%mul3A_4, %dma_wait3A] : memref<10112x128xf32, #tpu.memory_space<vmem_shared>> -> memref<632x128xf32, #tpu.memory_space<vmem_shared>>
    tpu.wait_dma2 semaphore(%arg11 : memref<!tpu.dma_semaphore, #tpu.memory_space<semaphore_mem>>) src(%arg4 : memref<632x128xf32, #tpu.memory_space<hbm>>) dst(%dma_wait3A_6 : memref<632x128xf32, #tpu.memory_space<vmem_shared>>)
    %barrier3A = arith.constant 0 : index
    tpu.barrier barrier_id(%barrier3A)
    %add3A_7 = arith.constant 0 : i32
    %add3A_8 = arith.addi %mul3A_2, %add3A_7 : i32
    %dma_start3A_9 = tpu.memref_slice %arg3[%add3A_8] : memref<320000xi32, #tpu.memory_space<hbm>> -> memref<80xi32, #tpu.memory_space<hbm>>
    %dma_start3A_10 = tpu.memref_slice %arg3[%add3A_8] : memref<320000xi32, #tpu.memory_space<hbm>> -> memref<80xi32, #tpu.memory_space<hbm>>
    tpu.enqueue_dma source(%dma_start3A_10 : memref<80xi32, #tpu.memory_space<hbm>>) target(%arg6 : memref<80xi32, #tpu.memory_space<vmem>>) target_semaphore(%arg11 : memref<!tpu.dma_semaphore, #tpu.memory_space<semaphore_mem>>)
    %dma_start3A_11 = arith.constant 0 : i32
    %dma_start3A_12 = tpu.memref_slice %arg2[%add3A_8, %dma_start3A_11] : memref<320000x128xf32, #tpu.memory_space<hbm>> -> memref<80x128xf32, #tpu.memory_space<hbm>>
    %dma_start3A_13 = arith.constant 0 : i32
    %dma_start3A_14 = tpu.memref_slice %arg2[%add3A_8, %dma_start3A_13] : memref<320000x128xf32, #tpu.memory_space<hbm>> -> memref<80x128xf32, #tpu.memory_space<hbm>>
    tpu.enqueue_dma source(%dma_start3A_14 : memref<80x128xf32, #tpu.memory_space<hbm>>) target(%arg8 : memref<80x128xf32, #tpu.memory_space<vmem>>) target_semaphore(%arg12 : memref<!tpu.dma_semaphore, #tpu.memory_space<semaphore_mem>>)
    %add3A_15 = arith.constant 80 : i32
    %add3A_16 = arith.addi %mul3A_2, %add3A_15 : i32
    %dma_start3A_17 = tpu.memref_slice %arg3[%add3A_16] : memref<320000xi32, #tpu.memory_space<hbm>> -> memref<80xi32, #tpu.memory_space<hbm>>
    %dma_start3A_18 = tpu.memref_slice %arg3[%add3A_16] : memref<320000xi32, #tpu.memory_space<hbm>> -> memref<80xi32, #tpu.memory_space<hbm>>
    tpu.enqueue_dma source(%dma_start3A_18 : memref<80xi32, #tpu.memory_space<hbm>>) target(%arg7 : memref<80xi32, #tpu.memory_space<vmem>>) target_semaphore(%arg13 : memref<!tpu.dma_semaphore, #tpu.memory_space<semaphore_mem>>)
    %dma_start3A_19 = arith.constant 0 : i32
    %dma_start3A_20 = tpu.memref_slice %arg2[%add3A_16, %dma_start3A_19] : memref<320000x128xf32, #tpu.memory_space<hbm>> -> memref<80x128xf32, #tpu.memory_space<hbm>>
    %dma_start3A_21 = arith.constant 0 : i32
    %dma_start3A_22 = tpu.memref_slice %arg2[%add3A_16, %dma_start3A_21] : memref<320000x128xf32, #tpu.memory_space<hbm>> -> memref<80x128xf32, #tpu.memory_space<hbm>>
    tpu.enqueue_dma source(%dma_start3A_22 : memref<80x128xf32, #tpu.memory_space<hbm>>) target(%arg9 : memref<80x128xf32, #tpu.memory_space<vmem>>) target_semaphore(%arg14 : memref<!tpu.dma_semaphore, #tpu.memory_space<semaphore_mem>>)
    %scan3A = arith.constant 0 : i32
    %scan3A_23 = arith.constant 63 : i32
    %scan3A_24 = arith.addi %scan3A, %scan3A_23 : i32
    %scan3A_25 = arith.constant 1 : i32
    scf.for %scan3A_28 = %scan3A to %scan3A_24 step %scan3A_25  : i32 {
      %mul3A_29 = arith.constant 1 : i32
      %mul3A_30 = arith.muli %scan3A_28, %mul3A_29 : i32
      %add3A_31 = arith.constant 0 : i32
      %add3A_32 = arith.addi %add3A_31, %mul3A_30 : i32
      %mul3A_33 = arith.constant 2 : i32
      %mul3A_34 = arith.muli %mul3A_33, %add3A_32 : i32
      %add3A_35 = arith.constant 0 : i32
      %add3A_36 = arith.addi %mul3A_34, %add3A_35 : i32
      %lt3A = arith.constant 125 : i32
      %lt3A_37 = arith.cmpi slt, %add3A_36, %lt3A : i32
      %convert_element_type3A = arith.extui %lt3A_37 : i1 to i32
      %cond3A = arith.constant 0 : i32
      %cond3A_38 = arith.cmpi ne, %convert_element_type3A, %cond3A : i32
      scf.if %cond3A_38 {
        %mul3A_46 = arith.constant 80 : i32
        %mul3A_47 = arith.muli %add3A_36, %mul3A_46 : i32
        %add3A_48 = arith.addi %mul3A_2, %mul3A_47 : i32
        %dma_wait3A_49 = tpu.memref_slice %arg3[%add3A_48] : memref<320000xi32, #tpu.memory_space<hbm>> -> memref<80xi32, #tpu.memory_space<hbm>>
        %dma_wait3A_50 = tpu.memref_slice %arg3[%add3A_48] : memref<320000xi32, #tpu.memory_space<hbm>> -> memref<80xi32, #tpu.memory_space<hbm>>
        tpu.wait_dma2 semaphore(%arg11 : memref<!tpu.dma_semaphore, #tpu.memory_space<semaphore_mem>>) src(%dma_wait3A_50 : memref<80xi32, #tpu.memory_space<hbm>>) dst(%arg6 : memref<80xi32, #tpu.memory_space<vmem>>)
        %dma_wait3A_51 = arith.constant 0 : i32
        %dma_wait3A_52 = tpu.memref_slice %arg2[%add3A_48, %dma_wait3A_51] : memref<320000x128xf32, #tpu.memory_space<hbm>> -> memref<80x128xf32, #tpu.memory_space<hbm>>
        %dma_wait3A_53 = arith.constant 0 : i32
        %dma_wait3A_54 = tpu.memref_slice %arg2[%add3A_48, %dma_wait3A_53] : memref<320000x128xf32, #tpu.memory_space<hbm>> -> memref<80x128xf32, #tpu.memory_space<hbm>>
        tpu.wait_dma2 semaphore(%arg12 : memref<!tpu.dma_semaphore, #tpu.memory_space<semaphore_mem>>) src(%dma_wait3A_54 : memref<80x128xf32, #tpu.memory_space<hbm>>) dst(%arg8 : memref<80x128xf32, #tpu.memory_space<vmem>>)
        "tpu.region"() ({
          %run_scoped3A = tpu.sem_alloc : memref<!tpu.dma_semaphore, #tpu.memory_space<semaphore_mem>>
          %dma_start3A_62 = arith.constant 0 : i32
          %dma_start3A_63 = arith.constant 0 : i32
          %dma_start3A_64 = tpu.memref_slice %arg10[%dma_start3A_62, %dma_start3A_63] : memref<10112x128xf32, #tpu.memory_space<vmem_shared>> -> memref<10112x128xf32, #tpu.memory_space<vmem_shared>>
          tpu.enqueue_indirect_dma source(%arg8 : memref<80x128xf32, #tpu.memory_space<vmem>>) target(%dma_start3A_64 : memref<10112x128xf32, #tpu.memory_space<vmem_shared>>) offsets(%arg6 : memref<80xi32, #tpu.memory_space<vmem>>) semaphore(%run_scoped3A : memref<!tpu.dma_semaphore, #tpu.memory_space<semaphore_mem>>) {add = true}
          %dma_wait3A_65 = arith.constant 0 : i32
          %dma_wait3A_66 = arith.constant 0 : i32
          %dma_wait3A_67 = tpu.memref_slice %arg10[%dma_wait3A_65, %dma_wait3A_66] : memref<10112x128xf32, #tpu.memory_space<vmem_shared>> -> memref<10112x128xf32, #tpu.memory_space<vmem_shared>>
          tpu.wait_indirect_dma semaphore(%run_scoped3A : memref<!tpu.dma_semaphore, #tpu.memory_space<semaphore_mem>>) src(%arg8 : memref<80x128xf32, #tpu.memory_space<vmem>>) dst(%dma_wait3A_67 : memref<10112x128xf32, #tpu.memory_space<vmem_shared>>)
          tpu.yield
        }) : () -> ()
        %add3A_55 = arith.constant 2 : i32
        %add3A_56 = arith.addi %add3A_36, %add3A_55 : i32
        %lt3A_57 = arith.constant 125 : i32
        %lt3A_58 = arith.cmpi slt, %add3A_56, %lt3A_57 : i32
        %convert_element_type3A_59 = arith.extui %lt3A_58 : i1 to i32
        %cond3A_60 = arith.constant 0 : i32
        %cond3A_61 = arith.cmpi ne, %convert_element_type3A_59, %cond3A_60 : i32
        scf.if %cond3A_61 {
          %add3A_62 = arith.constant 2 : i32
          %add3A_63 = arith.addi %add3A_36, %add3A_62 : i32
          %mul3A_64 = arith.constant 80 : i32
          %mul3A_65 = arith.muli %add3A_63, %mul3A_64 : i32
          %add3A_66 = arith.addi %mul3A_2, %mul3A_65 : i32
          %dma_start3A_67 = tpu.memref_slice %arg3[%add3A_66] : memref<320000xi32, #tpu.memory_space<hbm>> -> memref<80xi32, #tpu.memory_space<hbm>>
          %dma_start3A_68 = tpu.memref_slice %arg3[%add3A_66] : memref<320000xi32, #tpu.memory_space<hbm>> -> memref<80xi32, #tpu.memory_space<hbm>>
          tpu.enqueue_dma source(%dma_start3A_68 : memref<80xi32, #tpu.memory_space<hbm>>) target(%arg6 : memref<80xi32, #tpu.memory_space<vmem>>) target_semaphore(%arg11 : memref<!tpu.dma_semaphore, #tpu.memory_space<semaphore_mem>>)
          %dma_start3A_69 = arith.constant 0 : i32
          %dma_start3A_70 = tpu.memref_slice %arg2[%add3A_66, %dma_start3A_69] : memref<320000x128xf32, #tpu.memory_space<hbm>> -> memref<80x128xf32, #tpu.memory_space<hbm>>
          %dma_start3A_71 = arith.constant 0 : i32
          %dma_start3A_72 = tpu.memref_slice %arg2[%add3A_66, %dma_start3A_71] : memref<320000x128xf32, #tpu.memory_space<hbm>> -> memref<80x128xf32, #tpu.memory_space<hbm>>
          tpu.enqueue_dma source(%dma_start3A_72 : memref<80x128xf32, #tpu.memory_space<hbm>>) target(%arg8 : memref<80x128xf32, #tpu.memory_space<vmem>>) target_semaphore(%arg12 : memref<!tpu.dma_semaphore, #tpu.memory_space<semaphore_mem>>)
        } else {
        }
      } else {
      }
      %add3A_39 = arith.constant 1 : i32
      %add3A_40 = arith.addi %mul3A_34, %add3A_39 : i32
      %lt3A_41 = arith.constant 125 : i32
      %lt3A_42 = arith.cmpi slt, %add3A_40, %lt3A_41 : i32
      %convert_element_type3A_43 = arith.extui %lt3A_42 : i1 to i32
      %cond3A_44 = arith.constant 0 : i32
      %cond3A_45 = arith.cmpi ne, %convert_element_type3A_43, %cond3A_44 : i32
      scf.if %cond3A_45 {
        %mul3A_46 = arith.constant 80 : i32
        %mul3A_47 = arith.muli %add3A_40, %mul3A_46 : i32
        %add3A_48 = arith.addi %mul3A_2, %mul3A_47 : i32
        %dma_wait3A_49 = tpu.memref_slice %arg3[%add3A_48] : memref<320000xi32, #tpu.memory_space<hbm>> -> memref<80xi32, #tpu.memory_space<hbm>>
        %dma_wait3A_50 = tpu.memref_slice %arg3[%add3A_48] : memref<320000xi32, #tpu.memory_space<hbm>> -> memref<80xi32, #tpu.memory_space<hbm>>
        tpu.wait_dma2 semaphore(%arg13 : memref<!tpu.dma_semaphore, #tpu.memory_space<semaphore_mem>>) src(%dma_wait3A_50 : memref<80xi32, #tpu.memory_space<hbm>>) dst(%arg7 : memref<80xi32, #tpu.memory_space<vmem>>)
        %dma_wait3A_51 = arith.constant 0 : i32
        %dma_wait3A_52 = tpu.memref_slice %arg2[%add3A_48, %dma_wait3A_51] : memref<320000x128xf32, #tpu.memory_space<hbm>> -> memref<80x128xf32, #tpu.memory_space<hbm>>
        %dma_wait3A_53 = arith.constant 0 : i32
        %dma_wait3A_54 = tpu.memref_slice %arg2[%add3A_48, %dma_wait3A_53] : memref<320000x128xf32, #tpu.memory_space<hbm>> -> memref<80x128xf32, #tpu.memory_space<hbm>>
        tpu.wait_dma2 semaphore(%arg14 : memref<!tpu.dma_semaphore, #tpu.memory_space<semaphore_mem>>) src(%dma_wait3A_54 : memref<80x128xf32, #tpu.memory_space<hbm>>) dst(%arg9 : memref<80x128xf32, #tpu.memory_space<vmem>>)
        "tpu.region"() ({
          %run_scoped3A = tpu.sem_alloc : memref<!tpu.dma_semaphore, #tpu.memory_space<semaphore_mem>>
          %dma_start3A_62 = arith.constant 0 : i32
          %dma_start3A_63 = arith.constant 0 : i32
          %dma_start3A_64 = tpu.memref_slice %arg10[%dma_start3A_62, %dma_start3A_63] : memref<10112x128xf32, #tpu.memory_space<vmem_shared>> -> memref<10112x128xf32, #tpu.memory_space<vmem_shared>>
          tpu.enqueue_indirect_dma source(%arg9 : memref<80x128xf32, #tpu.memory_space<vmem>>) target(%dma_start3A_64 : memref<10112x128xf32, #tpu.memory_space<vmem_shared>>) offsets(%arg7 : memref<80xi32, #tpu.memory_space<vmem>>) semaphore(%run_scoped3A : memref<!tpu.dma_semaphore, #tpu.memory_space<semaphore_mem>>) {add = true}
          %dma_wait3A_65 = arith.constant 0 : i32
          %dma_wait3A_66 = arith.constant 0 : i32
          %dma_wait3A_67 = tpu.memref_slice %arg10[%dma_wait3A_65, %dma_wait3A_66] : memref<10112x128xf32, #tpu.memory_space<vmem_shared>> -> memref<10112x128xf32, #tpu.memory_space<vmem_shared>>
          tpu.wait_indirect_dma semaphore(%run_scoped3A : memref<!tpu.dma_semaphore, #tpu.memory_space<semaphore_mem>>) src(%arg9 : memref<80x128xf32, #tpu.memory_space<vmem>>) dst(%dma_wait3A_67 : memref<10112x128xf32, #tpu.memory_space<vmem_shared>>)
          tpu.yield
        }) : () -> ()
        %add3A_55 = arith.constant 2 : i32
        %add3A_56 = arith.addi %add3A_40, %add3A_55 : i32
        %lt3A_57 = arith.constant 125 : i32
        %lt3A_58 = arith.cmpi slt, %add3A_56, %lt3A_57 : i32
        %convert_element_type3A_59 = arith.extui %lt3A_58 : i1 to i32
        %cond3A_60 = arith.constant 0 : i32
        %cond3A_61 = arith.cmpi ne, %convert_element_type3A_59, %cond3A_60 : i32
        scf.if %cond3A_61 {
          %add3A_62 = arith.constant 2 : i32
          %add3A_63 = arith.addi %add3A_40, %add3A_62 : i32
          %mul3A_64 = arith.constant 80 : i32
          %mul3A_65 = arith.muli %add3A_63, %mul3A_64 : i32
          %add3A_66 = arith.addi %mul3A_2, %mul3A_65 : i32
          %dma_start3A_67 = tpu.memref_slice %arg3[%add3A_66] : memref<320000xi32, #tpu.memory_space<hbm>> -> memref<80xi32, #tpu.memory_space<hbm>>
          %dma_start3A_68 = tpu.memref_slice %arg3[%add3A_66] : memref<320000xi32, #tpu.memory_space<hbm>> -> memref<80xi32, #tpu.memory_space<hbm>>
          tpu.enqueue_dma source(%dma_start3A_68 : memref<80xi32, #tpu.memory_space<hbm>>) target(%arg7 : memref<80xi32, #tpu.memory_space<vmem>>) target_semaphore(%arg13 : memref<!tpu.dma_semaphore, #tpu.memory_space<semaphore_mem>>)
          %dma_start3A_69 = arith.constant 0 : i32
          %dma_start3A_70 = tpu.memref_slice %arg2[%add3A_66, %dma_start3A_69] : memref<320000x128xf32, #tpu.memory_space<hbm>> -> memref<80x128xf32, #tpu.memory_space<hbm>>
          %dma_start3A_71 = arith.constant 0 : i32
          %dma_start3A_72 = tpu.memref_slice %arg2[%add3A_66, %dma_start3A_71] : memref<320000x128xf32, #tpu.memory_space<hbm>> -> memref<80x128xf32, #tpu.memory_space<hbm>>
          tpu.enqueue_dma source(%dma_start3A_72 : memref<80x128xf32, #tpu.memory_space<hbm>>) target(%arg9 : memref<80x128xf32, #tpu.memory_space<vmem>>) target_semaphore(%arg14 : memref<!tpu.dma_semaphore, #tpu.memory_space<semaphore_mem>>)
        } else {
        }
      } else {
      }
    }
    %scan3A_26 = arith.constant 63 : i32
    %barrier3A_27 = arith.constant 0 : index
    tpu.barrier barrier_id(%barrier3A_27)
    "tpu.region"() ({
      %run_scoped3A = tpu.sem_alloc : memref<!tpu.dma_semaphore, #tpu.memory_space<semaphore_mem>>
      %dma_start3A_28 = arith.constant 0 : i32
      %dma_start3A_29 = tpu.memref_slice %arg5[%arg0, %mul3A_4, %dma_start3A_28] : memref<2x10112x128xf32, #tpu.memory_space<hbm>> -> memref<1x632x128xf32, #tpu.memory_space<hbm>>
      %dma_start3A_30 = tpu.memref_squeeze %dma_start3A_29 : memref<1x632x128xf32, #tpu.memory_space<hbm>> -> memref<632x128xf32, #tpu.memory_space<hbm>>
      %dma_start3A_31 = arith.constant 0 : i32
      %dma_start3A_32 = tpu.memref_slice %arg10[%mul3A_4, %dma_start3A_31] : memref<10112x128xf32, #tpu.memory_space<vmem_shared>> -> memref<632x128xf32, #tpu.memory_space<vmem_shared>>
      tpu.enqueue_dma source(%dma_start3A_32 : memref<632x128xf32, #tpu.memory_space<vmem_shared>>) target(%dma_start3A_30 : memref<632x128xf32, #tpu.memory_space<hbm>>) target_semaphore(%run_scoped3A : memref<!tpu.dma_semaphore, #tpu.memory_space<semaphore_mem>>)
      %dma_wait3A_33 = arith.constant 0 : i32
      %dma_wait3A_34 = tpu.memref_slice %arg5[%arg0, %mul3A_4, %dma_wait3A_33] : memref<2x10112x128xf32, #tpu.memory_space<hbm>> -> memref<1x632x128xf32, #tpu.memory_space<hbm>>
      %dma_wait3A_35 = tpu.memref_squeeze %dma_wait3A_34 : memref<1x632x128xf32, #tpu.memory_space<hbm>> -> memref<632x128xf32, #tpu.memory_space<hbm>>
      %dma_wait3A_36 = arith.constant 0 : i32
      %dma_wait3A_37 = tpu.memref_slice %arg10[%mul3A_4, %dma_wait3A_36] : memref<10112x128xf32, #tpu.memory_space<vmem_shared>> -> memref<632x128xf32, #tpu.memory_space<vmem_shared>>
      tpu.wait_dma2 semaphore(%run_scoped3A : memref<!tpu.dma_semaphore, #tpu.memory_space<semaphore_mem>>) src(%dma_wait3A_37 : memref<632x128xf32, #tpu.memory_space<vmem_shared>>) dst(%dma_wait3A_35 : memref<632x128xf32, #tpu.memory_space<hbm>>)
      tpu.yield
    }) : () -> ()
    return
  }
}

module attributes {stable_mosaic.version = 14 : i64} {
  func.func @_proj_body(%arg0: i32, %arg1: memref<2000x128xf32, #tpu.memory_space<vmem>>, %arg2: memref<128x128xf32, #tpu.memory_space<vmem>>, %arg3: memref<128x128xf32, #tpu.memory_space<vmem>>, %arg4: memref<2000x128xf32, #tpu.memory_space<vmem>>, %arg5: memref<2000x128xf32, #tpu.memory_space<vmem>>) attributes {dimension_semantics = [#tpu.dimension_semantics<arbitrary>], iteration_bounds = array<i64: 5>, scalar_prefetch = 0 : i64, scratch_operands = 0 : i64, tpu.core_type = #tpu.core_type<tc>, window_params = [{transform_indices = @transform_0, window_bounds = array<i64: 2000, 128>}, {pipeline_mode = #tpu.pipeline_mode<synchronous>, transform_indices = @transform_1, window_bounds = array<i64: 128, 128>}, {pipeline_mode = #tpu.pipeline_mode<synchronous>, transform_indices = @transform_2, window_bounds = array<i64: 128, 128>}, {transform_indices = @transform_3, window_bounds = array<i64: 2000, 128>}, {transform_indices = @transform_4, window_bounds = array<i64: 2000, 128>}]} {
    %get3A = arith.constant 0 : index
    %get3A_0 = arith.constant 0 : index
    %get3A_1 = vector.load %arg1[%get3A, %get3A_0] : memref<2000x128xf32, #tpu.memory_space<vmem>>, vector<2000x128xf32>
    %get3A_2 = arith.constant 0 : index
    %get3A_3 = arith.constant 0 : index
    %get3A_4 = vector.load %arg2[%get3A_2, %get3A_3] : memref<128x128xf32, #tpu.memory_space<vmem>>, vector<128x128xf32>
    %dot_general3A = arith.constant dense<0.000000e+00> : vector<2000x128xf32>
    %dot_general3A_5 = tpu.matmul %get3A_1, %get3A_4, %dot_general3A {dimension_numbers = #tpu.dot_dimension_numbers<[1], [0], [0], [1], [0, 0, 1, 1], [], []>, transpose_lhs_hint = false} : vector<2000x128xf32>, vector<128x128xf32>, vector<2000x128xf32> -> vector<2000x128xf32>
    %swap3A = arith.constant 0 : index
    %swap3A_6 = arith.constant 0 : index
    %swap3A_7 = vector.load %arg4[%swap3A, %swap3A_6] : memref<2000x128xf32, #tpu.memory_space<vmem>>, vector<2000x128xf32>
    tpu.vector_store %arg4[%swap3A, %swap3A_6], %dot_general3A_5 {strides = array<i32>} : memref<2000x128xf32, #tpu.memory_space<vmem>>, vector<2000x128xf32>,
    %get3A_8 = arith.constant 0 : index
    %get3A_9 = arith.constant 0 : index
    %get3A_10 = vector.load %arg3[%get3A_8, %get3A_9] : memref<128x128xf32, #tpu.memory_space<vmem>>, vector<128x128xf32>
    %dot_general3A_11 = arith.constant dense<0.000000e+00> : vector<2000x128xf32>
    %dot_general3A_12 = tpu.matmul %get3A_1, %get3A_10, %dot_general3A_11 {dimension_numbers = #tpu.dot_dimension_numbers<[1], [0], [0], [1], [0, 0, 1, 1], [], []>, transpose_lhs_hint = false} : vector<2000x128xf32>, vector<128x128xf32>, vector<2000x128xf32> -> vector<2000x128xf32>
    %swap3A_13 = arith.constant 0 : index
    %swap3A_14 = arith.constant 0 : index
    %swap3A_15 = vector.load %arg5[%swap3A_13, %swap3A_14] : memref<2000x128xf32, #tpu.memory_space<vmem>>, vector<2000x128xf32>
    tpu.vector_store %arg5[%swap3A_13, %swap3A_14], %dot_general3A_12 {strides = array<i32>} : memref<2000x128xf32, #tpu.memory_space<vmem>>, vector<2000x128xf32>,
    return
  }
  func.func @transform_0(%arg0: i32) -> (i32, i32) {
    %c0_i32 = arith.constant 0 : i32
    %c0_i32_0 = arith.constant 0 : i32
    return %arg0, %c0_i32 : i32, i32
  }
  func.func @transform_1(%arg0: i32) -> (i32, i32) {
    %c0_i32 = arith.constant 0 : i32
    %c0_i32_0 = arith.constant 0 : i32
    %c0_i32_1 = arith.constant 0 : i32
    return %c0_i32, %c0_i32_0 : i32, i32
  }
  func.func @transform_2(%arg0: i32) -> (i32, i32) {
    %c0_i32 = arith.constant 0 : i32
    %c0_i32_0 = arith.constant 0 : i32
    %c0_i32_1 = arith.constant 0 : i32
    return %c0_i32, %c0_i32_0 : i32, i32
  }
  func.func @transform_3(%arg0: i32) -> (i32, i32) {
    %c0_i32 = arith.constant 0 : i32
    %c0_i32_0 = arith.constant 0 : i32
    return %arg0, %c0_i32 : i32, i32
  }
  func.func @transform_4(%arg0: i32) -> (i32, i32) {
    %c0_i32 = arith.constant 0 : i32
    %c0_i32_0 = arith.constant 0 : i32
    return %arg0, %c0_i32 : i32, i32
  }
}

module attributes {stable_mosaic.version = 14 : i64} {
  func.func @_edge_body(%arg0: i32, %arg1: memref<8000x128xf32, #tpu.memory_space<vmem>>, %arg2: memref<8000x128xf32, #tpu.memory_space<vmem>>, %arg3: memref<128x128xf32, #tpu.memory_space<vmem>>, %arg4: memref<1x128xf32, #tpu.memory_space<vmem>>, %arg5: memref<128x128xf32, #tpu.memory_space<vmem>>, %arg6: memref<1x128xf32, #tpu.memory_space<vmem>>, %arg7: memref<128x128xf32, #tpu.memory_space<vmem>>, %arg8: memref<1x128xf32, #tpu.memory_space<vmem>>, %arg9: memref<1x128xf32, #tpu.memory_space<vmem>>, %arg10: memref<1x128xf32, #tpu.memory_space<vmem>>, %arg11: memref<8000x128xf32, #tpu.memory_space<vmem>>) attributes {dimension_semantics = [#tpu.dimension_semantics<arbitrary>], iteration_bounds = array<i64: 40>, scalar_prefetch = 0 : i64, scratch_operands = 0 : i64, tpu.core_type = #tpu.core_type<tc>, window_params = [{transform_indices = @transform_0, window_bounds = array<i64: 8000, 128>}, {transform_indices = @transform_1, window_bounds = array<i64: 8000, 128>}, {pipeline_mode = #tpu.pipeline_mode<synchronous>, transform_indices = @transform_2, window_bounds = array<i64: 128, 128>}, {pipeline_mode = #tpu.pipeline_mode<synchronous>, transform_indices = @transform_3, window_bounds = array<i64: 1, 128>}, {pipeline_mode = #tpu.pipeline_mode<synchronous>, transform_indices = @transform_4, window_bounds = array<i64: 128, 128>}, {pipeline_mode = #tpu.pipeline_mode<synchronous>, transform_indices = @transform_5, window_bounds = array<i64: 1, 128>}, {pipeline_mode = #tpu.pipeline_mode<synchronous>, transform_indices = @transform_6, window_bounds = array<i64: 128, 128>}, {pipeline_mode = #tpu.pipeline_mode<synchronous>, transform_indices = @transform_7, window_bounds = array<i64: 1, 128>}, {pipeline_mode = #tpu.pipeline_mode<synchronous>, transform_indices = @transform_8, window_bounds = array<i64: 1, 128>}, {pipeline_mode = #tpu.pipeline_mode<synchronous>, transform_indices = @transform_9, window_bounds = array<i64: 1, 128>}, {transform_indices = @transform_10, window_bounds = array<i64: 8000, 128>}]} {
    %get3A = arith.constant 0 : index
    %get3A_0 = arith.constant 0 : index
    %get3A_1 = vector.load %arg2[%get3A, %get3A_0] : memref<8000x128xf32, #tpu.memory_space<vmem>>, vector<8000x128xf32>
    %get3A_2 = arith.constant 0 : index
    %get3A_3 = arith.constant 0 : index
    %get3A_4 = vector.load %arg3[%get3A_2, %get3A_3] : memref<128x128xf32, #tpu.memory_space<vmem>>, vector<128x128xf32>
    %dot_general3A = arith.constant dense<0.000000e+00> : vector<8000x128xf32>
    %dot_general3A_5 = tpu.matmul %get3A_1, %get3A_4, %dot_general3A {dimension_numbers = #tpu.dot_dimension_numbers<[1], [0], [0], [1], [0, 0, 1, 1], [], []>, transpose_lhs_hint = false} : vector<8000x128xf32>, vector<128x128xf32>, vector<8000x128xf32> -> vector<8000x128xf32>
    %get3A_6 = arith.constant 0 : index
    %get3A_7 = arith.constant 0 : index
    %get3A_8 = vector.load %arg1[%get3A_6, %get3A_7] : memref<8000x128xf32, #tpu.memory_space<vmem>>, vector<8000x128xf32>
    %add3A = arith.addf %dot_general3A_5, %get3A_8 : vector<8000x128xf32>
    %get3A_9 = arith.constant 0 : index
    %get3A_10 = arith.constant 0 : index
    %get3A_11 = vector.load %arg4[%get3A_9, %get3A_10] : memref<1x128xf32, #tpu.memory_space<vmem>>, vector<1x128xf32>
    %add3A_12 = vector.broadcast %get3A_11 : vector<1x128xf32> to vector<8000x128xf32>
    %add3A_13 = arith.addf %add3A, %add3A_12 : vector<8000x128xf32>
    %max3A = arith.constant 0.000000e+00 : f32
    %max3A_14 = vector.broadcast %max3A : f32 to vector<8000x128xf32>
    %max3A_15 = arith.maximumf %add3A_13, %max3A_14 : vector<8000x128xf32>
    %get3A_16 = arith.constant 0 : index
    %get3A_17 = arith.constant 0 : index
    %get3A_18 = vector.load %arg5[%get3A_16, %get3A_17] : memref<128x128xf32, #tpu.memory_space<vmem>>, vector<128x128xf32>
    %dot_general3A_19 = arith.constant dense<0.000000e+00> : vector<8000x128xf32>
    %dot_general3A_20 = tpu.matmul %max3A_15, %get3A_18, %dot_general3A_19 {dimension_numbers = #tpu.dot_dimension_numbers<[1], [0], [0], [1], [0, 0, 1, 1], [], []>, transpose_lhs_hint = false} : vector<8000x128xf32>, vector<128x128xf32>, vector<8000x128xf32> -> vector<8000x128xf32>
    %get3A_21 = arith.constant 0 : index
    %get3A_22 = arith.constant 0 : index
    %get3A_23 = vector.load %arg6[%get3A_21, %get3A_22] : memref<1x128xf32, #tpu.memory_space<vmem>>, vector<1x128xf32>
    %add3A_24 = vector.broadcast %get3A_23 : vector<1x128xf32> to vector<8000x128xf32>
    %add3A_25 = arith.addf %dot_general3A_20, %add3A_24 : vector<8000x128xf32>
    %max3A_26 = arith.constant 0.000000e+00 : f32
    %max3A_27 = vector.broadcast %max3A_26 : f32 to vector<8000x128xf32>
    %max3A_28 = arith.maximumf %add3A_25, %max3A_27 : vector<8000x128xf32>
    %get3A_29 = arith.constant 0 : index
    %get3A_30 = arith.constant 0 : index
    %get3A_31 = vector.load %arg7[%get3A_29, %get3A_30] : memref<128x128xf32, #tpu.memory_space<vmem>>, vector<128x128xf32>
    %dot_general3A_32 = arith.constant dense<0.000000e+00> : vector<8000x128xf32>
    %dot_general3A_33 = tpu.matmul %max3A_28, %get3A_31, %dot_general3A_32 {dimension_numbers = #tpu.dot_dimension_numbers<[1], [0], [0], [1], [0, 0, 1, 1], [], []>, transpose_lhs_hint = false} : vector<8000x128xf32>, vector<128x128xf32>, vector<8000x128xf32> -> vector<8000x128xf32>
    %get3A_34 = arith.constant 0 : index
    %get3A_35 = arith.constant 0 : index
    %get3A_36 = vector.load %arg8[%get3A_34, %get3A_35] : memref<1x128xf32, #tpu.memory_space<vmem>>, vector<1x128xf32>
    %add3A_37 = vector.broadcast %get3A_36 : vector<1x128xf32> to vector<8000x128xf32>
    %add3A_38 = arith.addf %dot_general3A_33, %add3A_37 : vector<8000x128xf32>
    %reduce_sum3A = arith.constant dense<0.000000e+00> : vector<8000xf32>
    %reduce_sum3A_39 = vector.multi_reduction <add>, %add3A_38, %reduce_sum3A [1] : vector<8000x128xf32> to vector<8000xf32>
    %broadcast_in_dim3A = vector.shape_cast %reduce_sum3A_39 : vector<8000xf32> to vector<8000x1xf32>
    %div3A = arith.constant 1.280000e+02 : f32
    %div3A_40 = vector.broadcast %div3A : f32 to vector<8000x1xf32>
    %div3A_41 = arith.divf %broadcast_in_dim3A, %div3A_40 : vector<8000x1xf32>
    %sub3A = vector.broadcast %div3A_41 : vector<8000x1xf32> to vector<8000x128xf32>
    %sub3A_42 = arith.subf %add3A_38, %sub3A : vector<8000x128xf32>
    %integer_pow3A = arith.mulf %sub3A_42, %sub3A_42 : vector<8000x128xf32>
    %reduce_sum3A_43 = arith.constant dense<0.000000e+00> : vector<8000xf32>
    %reduce_sum3A_44 = vector.multi_reduction <add>, %integer_pow3A, %reduce_sum3A_43 [1] : vector<8000x128xf32> to vector<8000xf32>
    %broadcast_in_dim3A_45 = vector.shape_cast %reduce_sum3A_44 : vector<8000xf32> to vector<8000x1xf32>
    %div3A_46 = arith.constant 1.280000e+02 : f32
    %div3A_47 = vector.broadcast %div3A_46 : f32 to vector<8000x1xf32>
    %div3A_48 = arith.divf %broadcast_in_dim3A_45, %div3A_47 : vector<8000x1xf32>
    %sub3A_49 = vector.broadcast %div3A_41 : vector<8000x1xf32> to vector<8000x128xf32>
    %sub3A_50 = arith.subf %add3A_38, %sub3A_49 : vector<8000x128xf32>
    %add3A_51 = arith.constant 9.99999974E-6 : f32
    %add3A_52 = vector.broadcast %add3A_51 : f32 to vector<8000x1xf32>
    %add3A_53 = arith.addf %div3A_48, %add3A_52 : vector<8000x1xf32>
    %rsqrt3A = math.rsqrt %add3A_53 : vector<8000x1xf32>
    %mul3A = vector.broadcast %rsqrt3A : vector<8000x1xf32> to vector<8000x128xf32>
    %mul3A_54 = arith.mulf %sub3A_50, %mul3A : vector<8000x128xf32>
    %get3A_55 = arith.constant 0 : index
    %get3A_56 = arith.constant 0 : index
    %get3A_57 = vector.load %arg9[%get3A_55, %get3A_56] : memref<1x128xf32, #tpu.memory_space<vmem>>, vector<1x128xf32>
    %mul3A_58 = vector.broadcast %get3A_57 : vector<1x128xf32> to vector<8000x128xf32>
    %mul3A_59 = arith.mulf %mul3A_54, %mul3A_58 : vector<8000x128xf32>
    %get3A_60 = arith.constant 0 : index
    %get3A_61 = arith.constant 0 : index
    %get3A_62 = vector.load %arg10[%get3A_60, %get3A_61] : memref<1x128xf32, #tpu.memory_space<vmem>>, vector<1x128xf32>
    %add3A_63 = vector.broadcast %get3A_62 : vector<1x128xf32> to vector<8000x128xf32>
    %add3A_64 = arith.addf %mul3A_59, %add3A_63 : vector<8000x128xf32>
    %add3A_65 = arith.addf %add3A_64, %get3A_1 : vector<8000x128xf32>
    %swap3A = arith.constant 0 : index
    %swap3A_66 = arith.constant 0 : index
    %swap3A_67 = vector.load %arg11[%swap3A, %swap3A_66] : memref<8000x128xf32, #tpu.memory_space<vmem>>, vector<8000x128xf32>
    tpu.vector_store %arg11[%swap3A, %swap3A_66], %add3A_65 {strides = array<i32>} : memref<8000x128xf32, #tpu.memory_space<vmem>>, vector<8000x128xf32>,
    return
  }
  func.func @transform_0(%arg0: i32) -> (i32, i32) {
    %c0_i32 = arith.constant 0 : i32
    %c0_i32_0 = arith.constant 0 : i32
    return %arg0, %c0_i32 : i32, i32
  }
  func.func @transform_1(%arg0: i32) -> (i32, i32) {
    %add3A = arith.constant 0 : i32
    %add3A_0 = arith.addi %arg0, %add3A : i32
    %c0_i32 = arith.constant 0 : i32
    %c0_i32_1 = arith.constant 0 : i32
    return %add3A_0, %c0_i32 : i32, i32
  }
  func.func @transform_2(%arg0: i32) -> (i32, i32) {
    %c0_i32 = arith.constant 0 : i32
    %c0_i32_0 = arith.constant 0 : i32
    %c0_i32_1 = arith.constant 0 : i32
    return %c0_i32, %c0_i32_0 : i32, i32
  }
  func.func @transform_3(%arg0: i32) -> (i32, i32) {
    %c0_i32 = arith.constant 0 : i32
    %c0_i32_0 = arith.constant 0 : i32
    %c0_i32_1 = arith.constant 0 : i32
    return %c0_i32, %c0_i32_0 : i32, i32
  }
  func.func @transform_4(%arg0: i32) -> (i32, i32) {
    %c0_i32 = arith.constant 0 : i32
    %c0_i32_0 = arith.constant 0 : i32
    %c0_i32_1 = arith.constant 0 : i32
    return %c0_i32, %c0_i32_0 : i32, i32
  }
  func.func @transform_5(%arg0: i32) -> (i32, i32) {
    %c0_i32 = arith.constant 0 : i32
    %c0_i32_0 = arith.constant 0 : i32
    %c0_i32_1 = arith.constant 0 : i32
    return %c0_i32, %c0_i32_0 : i32, i32
  }
  func.func @transform_6(%arg0: i32) -> (i32, i32) {
    %c0_i32 = arith.constant 0 : i32
    %c0_i32_0 = arith.constant 0 : i32
    %c0_i32_1 = arith.constant 0 : i32
    return %c0_i32, %c0_i32_0 : i32, i32
  }
  func.func @transform_7(%arg0: i32) -> (i32, i32) {
    %c0_i32 = arith.constant 0 : i32
    %c0_i32_0 = arith.constant 0 : i32
    %c0_i32_1 = arith.constant 0 : i32
    return %c0_i32, %c0_i32_0 : i32, i32
  }
  func.func @transform_8(%arg0: i32) -> (i32, i32) {
    %c0_i32 = arith.constant 0 : i32
    %c0_i32_0 = arith.constant 0 : i32
    %c0_i32_1 = arith.constant 0 : i32
    return %c0_i32, %c0_i32_0 : i32, i32
  }
  func.func @transform_9(%arg0: i32) -> (i32, i32) {
    %c0_i32 = arith.constant 0 : i32
    %c0_i32_0 = arith.constant 0 : i32
    %c0_i32_1 = arith.constant 0 : i32
    return %c0_i32, %c0_i32_0 : i32, i32
  }
  func.func @transform_10(%arg0: i32) -> (i32, i32) {
    %c0_i32 = arith.constant 0 : i32
    %c0_i32_0 = arith.constant 0 : i32
    return %arg0, %c0_i32 : i32, i32
  }
}

module attributes {stable_mosaic.version = 14 : i64} {
  func.func @_node_body(%arg0: i32, %arg1: memref<2000x128xf32, #tpu.memory_space<vmem>>, %arg2: memref<2000x128xf32, #tpu.memory_space<vmem>>, %arg3: memref<2000x128xf32, #tpu.memory_space<vmem>>, %arg4: memref<128x128xf32, #tpu.memory_space<vmem>>, %arg5: memref<128x128xf32, #tpu.memory_space<vmem>>, %arg6: memref<1x128xf32, #tpu.memory_space<vmem>>, %arg7: memref<128x128xf32, #tpu.memory_space<vmem>>, %arg8: memref<1x128xf32, #tpu.memory_space<vmem>>, %arg9: memref<128x128xf32, #tpu.memory_space<vmem>>, %arg10: memref<1x128xf32, #tpu.memory_space<vmem>>, %arg11: memref<1x128xf32, #tpu.memory_space<vmem>>, %arg12: memref<1x128xf32, #tpu.memory_space<vmem>>, %arg13: memref<128x128xf32, #tpu.memory_space<vmem>>, %arg14: memref<128x128xf32, #tpu.memory_space<vmem>>, %arg15: memref<2000x128xf32, #tpu.memory_space<vmem>>, %arg16: memref<2000x128xf32, #tpu.memory_space<vmem>>, %arg17: memref<2000x128xf32, #tpu.memory_space<vmem>>) attributes {dimension_semantics = [#tpu.dimension_semantics<arbitrary>], iteration_bounds = array<i64: 5>, scalar_prefetch = 0 : i64, scratch_operands = 0 : i64, tpu.core_type = #tpu.core_type<tc>, window_params = [{transform_indices = @transform_0, window_bounds = array<i64: 2000, 128>}, {transform_indices = @transform_1, window_bounds = array<i64: 2000, 128>}, {transform_indices = @transform_2, window_bounds = array<i64: 2000, 128>}, {pipeline_mode = #tpu.pipeline_mode<synchronous>, transform_indices = @transform_3, window_bounds = array<i64: 128, 128>}, {pipeline_mode = #tpu.pipeline_mode<synchronous>, transform_indices = @transform_4, window_bounds = array<i64: 128, 128>}, {pipeline_mode = #tpu.pipeline_mode<synchronous>, transform_indices = @transform_5, window_bounds = array<i64: 1, 128>}, {pipeline_mode = #tpu.pipeline_mode<synchronous>, transform_indices = @transform_6, window_bounds = array<i64: 128, 128>}, {pipeline_mode = #tpu.pipeline_mode<synchronous>, transform_indices = @transform_7, window_bounds = array<i64: 1, 128>}, {pipeline_mode = #tpu.pipeline_mode<synchronous>, transform_indices = @transform_8, window_bounds = array<i64: 128, 128>}, {pipeline_mode = #tpu.pipeline_mode<synchronous>, transform_indices = @transform_9, window_bounds = array<i64: 1, 128>}, {pipeline_mode = #tpu.pipeline_mode<synchronous>, transform_indices = @transform_10, window_bounds = array<i64: 1, 128>}, {pipeline_mode = #tpu.pipeline_mode<synchronous>, transform_indices = @transform_11, window_bounds = array<i64: 1, 128>}, {pipeline_mode = #tpu.pipeline_mode<synchronous>, transform_indices = @transform_12, window_bounds = array<i64: 128, 128>}, {pipeline_mode = #tpu.pipeline_mode<synchronous>, transform_indices = @transform_13, window_bounds = array<i64: 128, 128>}, {transform_indices = @transform_14, window_bounds = array<i64: 2000, 128>}, {transform_indices = @transform_15, window_bounds = array<i64: 2000, 128>}, {transform_indices = @transform_16, window_bounds = array<i64: 2000, 128>}]} {
    %get3A = arith.constant 0 : index
    %get3A_0 = arith.constant 0 : index
    %get3A_1 = vector.load %arg1[%get3A, %get3A_0] : memref<2000x128xf32, #tpu.memory_space<vmem>>, vector<2000x128xf32>
    %get3A_2 = arith.constant 0 : index
    %get3A_3 = arith.constant 0 : index
    %get3A_4 = vector.load %arg2[%get3A_2, %get3A_3] : memref<2000x128xf32, #tpu.memory_space<vmem>>, vector<2000x128xf32>
    %get3A_5 = arith.constant 0 : index
    %get3A_6 = arith.constant 0 : index
    %get3A_7 = vector.load %arg3[%get3A_5, %get3A_6] : memref<2000x128xf32, #tpu.memory_space<vmem>>, vector<2000x128xf32>
    %add3A = arith.addf %get3A_4, %get3A_7 : vector<2000x128xf32>
    %get3A_8 = arith.constant 0 : index
    %get3A_9 = arith.constant 0 : index
    %get3A_10 = vector.load %arg4[%get3A_8, %get3A_9] : memref<128x128xf32, #tpu.memory_space<vmem>>, vector<128x128xf32>
    %dot_general3A = arith.constant dense<0.000000e+00> : vector<2000x128xf32>
    %dot_general3A_11 = tpu.matmul %get3A_1, %get3A_10, %dot_general3A {dimension_numbers = #tpu.dot_dimension_numbers<[1], [0], [0], [1], [0, 0, 1, 1], [], []>, transpose_lhs_hint = false} : vector<2000x128xf32>, vector<128x128xf32>, vector<2000x128xf32> -> vector<2000x128xf32>
    %get3A_12 = arith.constant 0 : index
    %get3A_13 = arith.constant 0 : index
    %get3A_14 = vector.load %arg5[%get3A_12, %get3A_13] : memref<128x128xf32, #tpu.memory_space<vmem>>, vector<128x128xf32>
    %dot_general3A_15 = arith.constant dense<0.000000e+00> : vector<2000x128xf32>
    %dot_general3A_16 = tpu.matmul %add3A, %get3A_14, %dot_general3A_15 {dimension_numbers = #tpu.dot_dimension_numbers<[1], [0], [0], [1], [0, 0, 1, 1], [], []>, transpose_lhs_hint = false} : vector<2000x128xf32>, vector<128x128xf32>, vector<2000x128xf32> -> vector<2000x128xf32>
    %add3A_17 = arith.addf %dot_general3A_11, %dot_general3A_16 : vector<2000x128xf32>
    %get3A_18 = arith.constant 0 : index
    %get3A_19 = arith.constant 0 : index
    %get3A_20 = vector.load %arg6[%get3A_18, %get3A_19] : memref<1x128xf32, #tpu.memory_space<vmem>>, vector<1x128xf32>
    %add3A_21 = vector.broadcast %get3A_20 : vector<1x128xf32> to vector<2000x128xf32>
    %add3A_22 = arith.addf %add3A_17, %add3A_21 : vector<2000x128xf32>
    %max3A = arith.constant 0.000000e+00 : f32
    %max3A_23 = vector.broadcast %max3A : f32 to vector<2000x128xf32>
    %max3A_24 = arith.maximumf %add3A_22, %max3A_23 : vector<2000x128xf32>
    %get3A_25 = arith.constant 0 : index
    %get3A_26 = arith.constant 0 : index
    %get3A_27 = vector.load %arg7[%get3A_25, %get3A_26] : memref<128x128xf32, #tpu.memory_space<vmem>>, vector<128x128xf32>
    %dot_general3A_28 = arith.constant dense<0.000000e+00> : vector<2000x128xf32>
    %dot_general3A_29 = tpu.matmul %max3A_24, %get3A_27, %dot_general3A_28 {dimension_numbers = #tpu.dot_dimension_numbers<[1], [0], [0], [1], [0, 0, 1, 1], [], []>, transpose_lhs_hint = false} : vector<2000x128xf32>, vector<128x128xf32>, vector<2000x128xf32> -> vector<2000x128xf32>
    %get3A_30 = arith.constant 0 : index
    %get3A_31 = arith.constant 0 : index
    %get3A_32 = vector.load %arg8[%get3A_30, %get3A_31] : memref<1x128xf32, #tpu.memory_space<vmem>>, vector<1x128xf32>
    %add3A_33 = vector.broadcast %get3A_32 : vector<1x128xf32> to vector<2000x128xf32>
    %add3A_34 = arith.addf %dot_general3A_29, %add3A_33 : vector<2000x128xf32>
    %max3A_35 = arith.constant 0.000000e+00 : f32
    %max3A_36 = vector.broadcast %max3A_35 : f32 to vector<2000x128xf32>
    %max3A_37 = arith.maximumf %add3A_34, %max3A_36 : vector<2000x128xf32>
    %get3A_38 = arith.constant 0 : index
    %get3A_39 = arith.constant 0 : index
    %get3A_40 = vector.load %arg9[%get3A_38, %get3A_39] : memref<128x128xf32, #tpu.memory_space<vmem>>, vector<128x128xf32>
    %dot_general3A_41 = arith.constant dense<0.000000e+00> : vector<2000x128xf32>
    %dot_general3A_42 = tpu.matmul %max3A_37, %get3A_40, %dot_general3A_41 {dimension_numbers = #tpu.dot_dimension_numbers<[1], [0], [0], [1], [0, 0, 1, 1], [], []>, transpose_lhs_hint = false} : vector<2000x128xf32>, vector<128x128xf32>, vector<2000x128xf32> -> vector<2000x128xf32>
    %get3A_43 = arith.constant 0 : index
    %get3A_44 = arith.constant 0 : index
    %get3A_45 = vector.load %arg10[%get3A_43, %get3A_44] : memref<1x128xf32, #tpu.memory_space<vmem>>, vector<1x128xf32>
    %add3A_46 = vector.broadcast %get3A_45 : vector<1x128xf32> to vector<2000x128xf32>
    %add3A_47 = arith.addf %dot_general3A_42, %add3A_46 : vector<2000x128xf32>
    %reduce_sum3A = arith.constant dense<0.000000e+00> : vector<2000xf32>
    %reduce_sum3A_48 = vector.multi_reduction <add>, %add3A_47, %reduce_sum3A [1] : vector<2000x128xf32> to vector<2000xf32>
    %broadcast_in_dim3A = vector.shape_cast %reduce_sum3A_48 : vector<2000xf32> to vector<2000x1xf32>
    %div3A = arith.constant 1.280000e+02 : f32
    %div3A_49 = vector.broadcast %div3A : f32 to vector<2000x1xf32>
    %div3A_50 = arith.divf %broadcast_in_dim3A, %div3A_49 : vector<2000x1xf32>
    %sub3A = vector.broadcast %div3A_50 : vector<2000x1xf32> to vector<2000x128xf32>
    %sub3A_51 = arith.subf %add3A_47, %sub3A : vector<2000x128xf32>
    %integer_pow3A = arith.mulf %sub3A_51, %sub3A_51 : vector<2000x128xf32>
    %reduce_sum3A_52 = arith.constant dense<0.000000e+00> : vector<2000xf32>
    %reduce_sum3A_53 = vector.multi_reduction <add>, %integer_pow3A, %reduce_sum3A_52 [1] : vector<2000x128xf32> to vector<2000xf32>
    %broadcast_in_dim3A_54 = vector.shape_cast %reduce_sum3A_53 : vector<2000xf32> to vector<2000x1xf32>
    %div3A_55 = arith.constant 1.280000e+02 : f32
    %div3A_56 = vector.broadcast %div3A_55 : f32 to vector<2000x1xf32>
    %div3A_57 = arith.divf %broadcast_in_dim3A_54, %div3A_56 : vector<2000x1xf32>
    %sub3A_58 = vector.broadcast %div3A_50 : vector<2000x1xf32> to vector<2000x128xf32>
    %sub3A_59 = arith.subf %add3A_47, %sub3A_58 : vector<2000x128xf32>
    %add3A_60 = arith.constant 9.99999974E-6 : f32
    %add3A_61 = vector.broadcast %add3A_60 : f32 to vector<2000x1xf32>
    %add3A_62 = arith.addf %div3A_57, %add3A_61 : vector<2000x1xf32>
    %rsqrt3A = math.rsqrt %add3A_62 : vector<2000x1xf32>
    %mul3A = vector.broadcast %rsqrt3A : vector<2000x1xf32> to vector<2000x128xf32>
    %mul3A_63 = arith.mulf %sub3A_59, %mul3A : vector<2000x128xf32>
    %get3A_64 = arith.constant 0 : index
    %get3A_65 = arith.constant 0 : index
    %get3A_66 = vector.load %arg11[%get3A_64, %get3A_65] : memref<1x128xf32, #tpu.memory_space<vmem>>, vector<1x128xf32>
    %mul3A_67 = vector.broadcast %get3A_66 : vector<1x128xf32> to vector<2000x128xf32>
    %mul3A_68 = arith.mulf %mul3A_63, %mul3A_67 : vector<2000x128xf32>
    %get3A_69 = arith.constant 0 : index
    %get3A_70 = arith.constant 0 : index
    %get3A_71 = vector.load %arg12[%get3A_69, %get3A_70] : memref<1x128xf32, #tpu.memory_space<vmem>>, vector<1x128xf32>
    %add3A_72 = vector.broadcast %get3A_71 : vector<1x128xf32> to vector<2000x128xf32>
    %add3A_73 = arith.addf %mul3A_68, %add3A_72 : vector<2000x128xf32>
    %add3A_74 = arith.addf %add3A_73, %get3A_1 : vector<2000x128xf32>
    %swap3A = arith.constant 0 : index
    %swap3A_75 = arith.constant 0 : index
    %swap3A_76 = vector.load %arg15[%swap3A, %swap3A_75] : memref<2000x128xf32, #tpu.memory_space<vmem>>, vector<2000x128xf32>
    tpu.vector_store %arg15[%swap3A, %swap3A_75], %add3A_74 {strides = array<i32>} : memref<2000x128xf32, #tpu.memory_space<vmem>>, vector<2000x128xf32>,
    %get3A_77 = arith.constant 0 : index
    %get3A_78 = arith.constant 0 : index
    %get3A_79 = vector.load %arg13[%get3A_77, %get3A_78] : memref<128x128xf32, #tpu.memory_space<vmem>>, vector<128x128xf32>
    %dot_general3A_80 = arith.constant dense<0.000000e+00> : vector<2000x128xf32>
    %dot_general3A_81 = tpu.matmul %add3A_74, %get3A_79, %dot_general3A_80 {dimension_numbers = #tpu.dot_dimension_numbers<[1], [0], [0], [1], [0, 0, 1, 1], [], []>, transpose_lhs_hint = false} : vector<2000x128xf32>, vector<128x128xf32>, vector<2000x128xf32> -> vector<2000x128xf32>
    %swap3A_82 = arith.constant 0 : index
    %swap3A_83 = arith.constant 0 : index
    %swap3A_84 = vector.load %arg16[%swap3A_82, %swap3A_83] : memref<2000x128xf32, #tpu.memory_space<vmem>>, vector<2000x128xf32>
    tpu.vector_store %arg16[%swap3A_82, %swap3A_83], %dot_general3A_81 {strides = array<i32>} : memref<2000x128xf32, #tpu.memory_space<vmem>>, vector<2000x128xf32>,
    %get3A_85 = arith.constant 0 : index
    %get3A_86 = arith.constant 0 : index
    %get3A_87 = vector.load %arg14[%get3A_85, %get3A_86] : memref<128x128xf32, #tpu.memory_space<vmem>>, vector<128x128xf32>
    %dot_general3A_88 = arith.constant dense<0.000000e+00> : vector<2000x128xf32>
    %dot_general3A_89 = tpu.matmul %add3A_74, %get3A_87, %dot_general3A_88 {dimension_numbers = #tpu.dot_dimension_numbers<[1], [0], [0], [1], [0, 0, 1, 1], [], []>, transpose_lhs_hint = false} : vector<2000x128xf32>, vector<128x128xf32>, vector<2000x128xf32> -> vector<2000x128xf32>
    %swap3A_90 = arith.constant 0 : index
    %swap3A_91 = arith.constant 0 : index
    %swap3A_92 = vector.load %arg17[%swap3A_90, %swap3A_91] : memref<2000x128xf32, #tpu.memory_space<vmem>>, vector<2000x128xf32>
    tpu.vector_store %arg17[%swap3A_90, %swap3A_91], %dot_general3A_89 {strides = array<i32>} : memref<2000x128xf32, #tpu.memory_space<vmem>>, vector<2000x128xf32>,
    return
  }
  func.func @transform_0(%arg0: i32) -> (i32, i32) {
    %c0_i32 = arith.constant 0 : i32
    %c0_i32_0 = arith.constant 0 : i32
    return %arg0, %c0_i32 : i32, i32
  }
  func.func @transform_1(%arg0: i32) -> (i32, i32) {
    %c0_i32 = arith.constant 0 : i32
    %c0_i32_0 = arith.constant 0 : i32
    return %arg0, %c0_i32 : i32, i32
  }
  func.func @transform_2(%arg0: i32) -> (i32, i32) {
    %c0_i32 = arith.constant 0 : i32
    %c0_i32_0 = arith.constant 0 : i32
    return %arg0, %c0_i32 : i32, i32
  }
  func.func @transform_3(%arg0: i32) -> (i32, i32) {
    %c0_i32 = arith.constant 0 : i32
    %c0_i32_0 = arith.constant 0 : i32
    %c0_i32_1 = arith.constant 0 : i32
    return %c0_i32, %c0_i32_0 : i32, i32
  }
  func.func @transform_4(%arg0: i32) -> (i32, i32) {
    %c0_i32 = arith.constant 0 : i32
    %c0_i32_0 = arith.constant 0 : i32
    %c0_i32_1 = arith.constant 0 : i32
    return %c0_i32, %c0_i32_0 : i32, i32
  }
  func.func @transform_5(%arg0: i32) -> (i32, i32) {
    %c0_i32 = arith.constant 0 : i32
    %c0_i32_0 = arith.constant 0 : i32
    %c0_i32_1 = arith.constant 0 : i32
    return %c0_i32, %c0_i32_0 : i32, i32
  }
  func.func @transform_6(%arg0: i32) -> (i32, i32) {
    %c0_i32 = arith.constant 0 : i32
    %c0_i32_0 = arith.constant 0 : i32
    %c0_i32_1 = arith.constant 0 : i32
    return %c0_i32, %c0_i32_0 : i32, i32
  }
  func.func @transform_7(%arg0: i32) -> (i32, i32) {
    %c0_i32 = arith.constant 0 : i32
    %c0_i32_0 = arith.constant 0 : i32
    %c0_i32_1 = arith.constant 0 : i32
    return %c0_i32, %c0_i32_0 : i32, i32
  }
  func.func @transform_8(%arg0: i32) -> (i32, i32) {
    %c0_i32 = arith.constant 0 : i32
    %c0_i32_0 = arith.constant 0 : i32
    %c0_i32_1 = arith.constant 0 : i32
    return %c0_i32, %c0_i32_0 : i32, i32
  }
  func.func @transform_9(%arg0: i32) -> (i32, i32) {
    %c0_i32 = arith.constant 0 : i32
    %c0_i32_0 = arith.constant 0 : i32
    %c0_i32_1 = arith.constant 0 : i32
    return %c0_i32, %c0_i32_0 : i32, i32
  }
  func.func @transform_10(%arg0: i32) -> (i32, i32) {
    %c0_i32 = arith.constant 0 : i32
    %c0_i32_0 = arith.constant 0 : i32
    %c0_i32_1 = arith.constant 0 : i32
    return %c0_i32, %c0_i32_0 : i32, i32
  }
  func.func @transform_11(%arg0: i32) -> (i32, i32) {
    %c0_i32 = arith.constant 0 : i32
    %c0_i32_0 = arith.constant 0 : i32
    %c0_i32_1 = arith.constant 0 : i32
    return %c0_i32, %c0_i32_0 : i32, i32
  }
  func.func @transform_12(%arg0: i32) -> (i32, i32) {
    %c0_i32 = arith.constant 0 : i32
    %c0_i32_0 = arith.constant 0 : i32
    %c0_i32_1 = arith.constant 0 : i32
    return %c0_i32, %c0_i32_0 : i32, i32
  }
  func.func @transform_13(%arg0: i32) -> (i32, i32) {
    %c0_i32 = arith.constant 0 : i32
    %c0_i32_0 = arith.constant 0 : i32
    %c0_i32_1 = arith.constant 0 : i32
    return %c0_i32, %c0_i32_0 : i32, i32
  }
  func.func @transform_14(%arg0: i32) -> (i32, i32) {
    %c0_i32 = arith.constant 0 : i32
    %c0_i32_0 = arith.constant 0 : i32
    return %arg0, %c0_i32 : i32, i32
  }
  func.func @transform_15(%arg0: i32) -> (i32, i32) {
    %c0_i32 = arith.constant 0 : i32
    %c0_i32_0 = arith.constant 0 : i32
    return %arg0, %c0_i32 : i32, i32
  }
  func.func @transform_16(%arg0: i32) -> (i32, i32) {
    %c0_i32 = arith.constant 0 : i32
    %c0_i32_0 = arith.constant 0 : i32
    return %arg0, %c0_i32 : i32, i32
  }
}

module attributes {stable_mosaic.version = 14 : i64} {
  func.func @_node_body(%arg0: i32, %arg1: memref<2000x128xf32, #tpu.memory_space<vmem>>, %arg2: memref<2000x128xf32, #tpu.memory_space<vmem>>, %arg3: memref<2000x128xf32, #tpu.memory_space<vmem>>, %arg4: memref<128x128xf32, #tpu.memory_space<vmem>>, %arg5: memref<128x128xf32, #tpu.memory_space<vmem>>, %arg6: memref<1x128xf32, #tpu.memory_space<vmem>>, %arg7: memref<128x128xf32, #tpu.memory_space<vmem>>, %arg8: memref<1x128xf32, #tpu.memory_space<vmem>>, %arg9: memref<128x128xf32, #tpu.memory_space<vmem>>, %arg10: memref<1x128xf32, #tpu.memory_space<vmem>>, %arg11: memref<1x128xf32, #tpu.memory_space<vmem>>, %arg12: memref<1x128xf32, #tpu.memory_space<vmem>>, %arg13: memref<128x128xf32, #tpu.memory_space<vmem>>, %arg14: memref<128x128xf32, #tpu.memory_space<vmem>>, %arg15: memref<2000x128xf32, #tpu.memory_space<vmem>>, %arg16: memref<2000x128xf32, #tpu.memory_space<vmem>>, %arg17: memref<2000x128xf32, #tpu.memory_space<vmem>>) attributes {dimension_semantics = [#tpu.dimension_semantics<arbitrary>], iteration_bounds = array<i64: 5>, scalar_prefetch = 0 : i64, scratch_operands = 0 : i64, tpu.core_type = #tpu.core_type<tc>, window_params = [{transform_indices = @transform_0, window_bounds = array<i64: 2000, 128>}, {transform_indices = @transform_1, window_bounds = array<i64: 2000, 128>}, {transform_indices = @transform_2, window_bounds = array<i64: 2000, 128>}, {pipeline_mode = #tpu.pipeline_mode<synchronous>, transform_indices = @transform_3, window_bounds = array<i64: 128, 128>}, {pipeline_mode = #tpu.pipeline_mode<synchronous>, transform_indices = @transform_4, window_bounds = array<i64: 128, 128>}, {pipeline_mode = #tpu.pipeline_mode<synchronous>, transform_indices = @transform_5, window_bounds = array<i64: 1, 128>}, {pipeline_mode = #tpu.pipeline_mode<synchronous>, transform_indices = @transform_6, window_bounds = array<i64: 128, 128>}, {pipeline_mode = #tpu.pipeline_mode<synchronous>, transform_indices = @transform_7, window_bounds = array<i64: 1, 128>}, {pipeline_mode = #tpu.pipeline_mode<synchronous>, transform_indices = @transform_8, window_bounds = array<i64: 128, 128>}, {pipeline_mode = #tpu.pipeline_mode<synchronous>, transform_indices = @transform_9, window_bounds = array<i64: 1, 128>}, {pipeline_mode = #tpu.pipeline_mode<synchronous>, transform_indices = @transform_10, window_bounds = array<i64: 1, 128>}, {pipeline_mode = #tpu.pipeline_mode<synchronous>, transform_indices = @transform_11, window_bounds = array<i64: 1, 128>}, {pipeline_mode = #tpu.pipeline_mode<synchronous>, transform_indices = @transform_12, window_bounds = array<i64: 128, 128>}, {pipeline_mode = #tpu.pipeline_mode<synchronous>, transform_indices = @transform_13, window_bounds = array<i64: 128, 128>}, {transform_indices = @transform_14, window_bounds = array<i64: 2000, 128>}, {transform_indices = @transform_15, window_bounds = array<i64: 2000, 128>}, {transform_indices = @transform_16, window_bounds = array<i64: 2000, 128>}]} {
    %get3A = arith.constant 0 : index
    %get3A_0 = arith.constant 0 : index
    %get3A_1 = vector.load %arg1[%get3A, %get3A_0] : memref<2000x128xf32, #tpu.memory_space<vmem>>, vector<2000x128xf32>
    %get3A_2 = arith.constant 0 : index
    %get3A_3 = arith.constant 0 : index
    %get3A_4 = vector.load %arg2[%get3A_2, %get3A_3] : memref<2000x128xf32, #tpu.memory_space<vmem>>, vector<2000x128xf32>
    %get3A_5 = arith.constant 0 : index
    %get3A_6 = arith.constant 0 : index
    %get3A_7 = vector.load %arg3[%get3A_5, %get3A_6] : memref<2000x128xf32, #tpu.memory_space<vmem>>, vector<2000x128xf32>
    %add3A = arith.addf %get3A_4, %get3A_7 : vector<2000x128xf32>
    %get3A_8 = arith.constant 0 : index
    %get3A_9 = arith.constant 0 : index
    %get3A_10 = vector.load %arg4[%get3A_8, %get3A_9] : memref<128x128xf32, #tpu.memory_space<vmem>>, vector<128x128xf32>
    %dot_general3A = arith.constant dense<0.000000e+00> : vector<2000x128xf32>
    %dot_general3A_11 = tpu.matmul %get3A_1, %get3A_10, %dot_general3A {dimension_numbers = #tpu.dot_dimension_numbers<[1], [0], [0], [1], [0, 0, 1, 1], [], []>, transpose_lhs_hint = false} : vector<2000x128xf32>, vector<128x128xf32>, vector<2000x128xf32> -> vector<2000x128xf32>
    %get3A_12 = arith.constant 0 : index
    %get3A_13 = arith.constant 0 : index
    %get3A_14 = vector.load %arg5[%get3A_12, %get3A_13] : memref<128x128xf32, #tpu.memory_space<vmem>>, vector<128x128xf32>
    %dot_general3A_15 = arith.constant dense<0.000000e+00> : vector<2000x128xf32>
    %dot_general3A_16 = tpu.matmul %add3A, %get3A_14, %dot_general3A_15 {dimension_numbers = #tpu.dot_dimension_numbers<[1], [0], [0], [1], [0, 0, 1, 1], [], []>, transpose_lhs_hint = false} : vector<2000x128xf32>, vector<128x128xf32>, vector<2000x128xf32> -> vector<2000x128xf32>
    %add3A_17 = arith.addf %dot_general3A_11, %dot_general3A_16 : vector<2000x128xf32>
    %get3A_18 = arith.constant 0 : index
    %get3A_19 = arith.constant 0 : index
    %get3A_20 = vector.load %arg6[%get3A_18, %get3A_19] : memref<1x128xf32, #tpu.memory_space<vmem>>, vector<1x128xf32>
    %add3A_21 = vector.broadcast %get3A_20 : vector<1x128xf32> to vector<2000x128xf32>
    %add3A_22 = arith.addf %add3A_17, %add3A_21 : vector<2000x128xf32>
    %max3A = arith.constant 0.000000e+00 : f32
    %max3A_23 = vector.broadcast %max3A : f32 to vector<2000x128xf32>
    %max3A_24 = arith.maximumf %add3A_22, %max3A_23 : vector<2000x128xf32>
    %get3A_25 = arith.constant 0 : index
    %get3A_26 = arith.constant 0 : index
    %get3A_27 = vector.load %arg7[%get3A_25, %get3A_26] : memref<128x128xf32, #tpu.memory_space<vmem>>, vector<128x128xf32>
    %dot_general3A_28 = arith.constant dense<0.000000e+00> : vector<2000x128xf32>
    %dot_general3A_29 = tpu.matmul %max3A_24, %get3A_27, %dot_general3A_28 {dimension_numbers = #tpu.dot_dimension_numbers<[1], [0], [0], [1], [0, 0, 1, 1], [], []>, transpose_lhs_hint = false} : vector<2000x128xf32>, vector<128x128xf32>, vector<2000x128xf32> -> vector<2000x128xf32>
    %get3A_30 = arith.constant 0 : index
    %get3A_31 = arith.constant 0 : index
    %get3A_32 = vector.load %arg8[%get3A_30, %get3A_31] : memref<1x128xf32, #tpu.memory_space<vmem>>, vector<1x128xf32>
    %add3A_33 = vector.broadcast %get3A_32 : vector<1x128xf32> to vector<2000x128xf32>
    %add3A_34 = arith.addf %dot_general3A_29, %add3A_33 : vector<2000x128xf32>
    %max3A_35 = arith.constant 0.000000e+00 : f32
    %max3A_36 = vector.broadcast %max3A_35 : f32 to vector<2000x128xf32>
    %max3A_37 = arith.maximumf %add3A_34, %max3A_36 : vector<2000x128xf32>
    %get3A_38 = arith.constant 0 : index
    %get3A_39 = arith.constant 0 : index
    %get3A_40 = vector.load %arg9[%get3A_38, %get3A_39] : memref<128x128xf32, #tpu.memory_space<vmem>>, vector<128x128xf32>
    %dot_general3A_41 = arith.constant dense<0.000000e+00> : vector<2000x128xf32>
    %dot_general3A_42 = tpu.matmul %max3A_37, %get3A_40, %dot_general3A_41 {dimension_numbers = #tpu.dot_dimension_numbers<[1], [0], [0], [1], [0, 0, 1, 1], [], []>, transpose_lhs_hint = false} : vector<2000x128xf32>, vector<128x128xf32>, vector<2000x128xf32> -> vector<2000x128xf32>
    %get3A_43 = arith.constant 0 : index
    %get3A_44 = arith.constant 0 : index
    %get3A_45 = vector.load %arg10[%get3A_43, %get3A_44] : memref<1x128xf32, #tpu.memory_space<vmem>>, vector<1x128xf32>
    %add3A_46 = vector.broadcast %get3A_45 : vector<1x128xf32> to vector<2000x128xf32>
    %add3A_47 = arith.addf %dot_general3A_42, %add3A_46 : vector<2000x128xf32>
    %reduce_sum3A = arith.constant dense<0.000000e+00> : vector<2000xf32>
    %reduce_sum3A_48 = vector.multi_reduction <add>, %add3A_47, %reduce_sum3A [1] : vector<2000x128xf32> to vector<2000xf32>
    %broadcast_in_dim3A = vector.shape_cast %reduce_sum3A_48 : vector<2000xf32> to vector<2000x1xf32>
    %div3A = arith.constant 1.280000e+02 : f32
    %div3A_49 = vector.broadcast %div3A : f32 to vector<2000x1xf32>
    %div3A_50 = arith.divf %broadcast_in_dim3A, %div3A_49 : vector<2000x1xf32>
    %sub3A = vector.broadcast %div3A_50 : vector<2000x1xf32> to vector<2000x128xf32>
    %sub3A_51 = arith.subf %add3A_47, %sub3A : vector<2000x128xf32>
    %integer_pow3A = arith.mulf %sub3A_51, %sub3A_51 : vector<2000x128xf32>
    %reduce_sum3A_52 = arith.constant dense<0.000000e+00> : vector<2000xf32>
    %reduce_sum3A_53 = vector.multi_reduction <add>, %integer_pow3A, %reduce_sum3A_52 [1] : vector<2000x128xf32> to vector<2000xf32>
    %broadcast_in_dim3A_54 = vector.shape_cast %reduce_sum3A_53 : vector<2000xf32> to vector<2000x1xf32>
    %div3A_55 = arith.constant 1.280000e+02 : f32
    %div3A_56 = vector.broadcast %div3A_55 : f32 to vector<2000x1xf32>
    %div3A_57 = arith.divf %broadcast_in_dim3A_54, %div3A_56 : vector<2000x1xf32>
    %sub3A_58 = vector.broadcast %div3A_50 : vector<2000x1xf32> to vector<2000x128xf32>
    %sub3A_59 = arith.subf %add3A_47, %sub3A_58 : vector<2000x128xf32>
    %add3A_60 = arith.constant 9.99999974E-6 : f32
    %add3A_61 = vector.broadcast %add3A_60 : f32 to vector<2000x1xf32>
    %add3A_62 = arith.addf %div3A_57, %add3A_61 : vector<2000x1xf32>
    %rsqrt3A = math.rsqrt %add3A_62 : vector<2000x1xf32>
    %mul3A = vector.broadcast %rsqrt3A : vector<2000x1xf32> to vector<2000x128xf32>
    %mul3A_63 = arith.mulf %sub3A_59, %mul3A : vector<2000x128xf32>
    %get3A_64 = arith.constant 0 : index
    %get3A_65 = arith.constant 0 : index
    %get3A_66 = vector.load %arg11[%get3A_64, %get3A_65] : memref<1x128xf32, #tpu.memory_space<vmem>>, vector<1x128xf32>
    %mul3A_67 = vector.broadcast %get3A_66 : vector<1x128xf32> to vector<2000x128xf32>
    %mul3A_68 = arith.mulf %mul3A_63, %mul3A_67 : vector<2000x128xf32>
    %get3A_69 = arith.constant 0 : index
    %get3A_70 = arith.constant 0 : index
    %get3A_71 = vector.load %arg12[%get3A_69, %get3A_70] : memref<1x128xf32, #tpu.memory_space<vmem>>, vector<1x128xf32>
    %add3A_72 = vector.broadcast %get3A_71 : vector<1x128xf32> to vector<2000x128xf32>
    %add3A_73 = arith.addf %mul3A_68, %add3A_72 : vector<2000x128xf32>
    %add3A_74 = arith.addf %add3A_73, %get3A_1 : vector<2000x128xf32>
    %swap3A = arith.constant 0 : index
    %swap3A_75 = arith.constant 0 : index
    %swap3A_76 = vector.load %arg15[%swap3A, %swap3A_75] : memref<2000x128xf32, #tpu.memory_space<vmem>>, vector<2000x128xf32>
    tpu.vector_store %arg15[%swap3A, %swap3A_75], %add3A_74 {strides = array<i32>} : memref<2000x128xf32, #tpu.memory_space<vmem>>, vector<2000x128xf32>,
    return
  }
  func.func @transform_0(%arg0: i32) -> (i32, i32) {
    %c0_i32 = arith.constant 0 : i32
    %c0_i32_0 = arith.constant 0 : i32
    return %arg0, %c0_i32 : i32, i32
  }
  func.func @transform_1(%arg0: i32) -> (i32, i32) {
    %c0_i32 = arith.constant 0 : i32
    %c0_i32_0 = arith.constant 0 : i32
    return %arg0, %c0_i32 : i32, i32
  }
  func.func @transform_2(%arg0: i32) -> (i32, i32) {
    %c0_i32 = arith.constant 0 : i32
    %c0_i32_0 = arith.constant 0 : i32
    return %arg0, %c0_i32 : i32, i32
  }
  func.func @transform_3(%arg0: i32) -> (i32, i32) {
    %c0_i32 = arith.constant 0 : i32
    %c0_i32_0 = arith.constant 0 : i32
    %c0_i32_1 = arith.constant 0 : i32
    return %c0_i32, %c0_i32_0 : i32, i32
  }
  func.func @transform_4(%arg0: i32) -> (i32, i32) {
    %c0_i32 = arith.constant 0 : i32
    %c0_i32_0 = arith.constant 0 : i32
    %c0_i32_1 = arith.constant 0 : i32
    return %c0_i32, %c0_i32_0 : i32, i32
  }
  func.func @transform_5(%arg0: i32) -> (i32, i32) {
    %c0_i32 = arith.constant 0 : i32
    %c0_i32_0 = arith.constant 0 : i32
    %c0_i32_1 = arith.constant 0 : i32
    return %c0_i32, %c0_i32_0 : i32, i32
  }
  func.func @transform_6(%arg0: i32) -> (i32, i32) {
    %c0_i32 = arith.constant 0 : i32
    %c0_i32_0 = arith.constant 0 : i32
    %c0_i32_1 = arith.constant 0 : i32
    return %c0_i32, %c0_i32_0 : i32, i32
  }
  func.func @transform_7(%arg0: i32) -> (i32, i32) {
    %c0_i32 = arith.constant 0 : i32
    %c0_i32_0 = arith.constant 0 : i32
    %c0_i32_1 = arith.constant 0 : i32
    return %c0_i32, %c0_i32_0 : i32, i32
  }
  func.func @transform_8(%arg0: i32) -> (i32, i32) {
    %c0_i32 = arith.constant 0 : i32
    %c0_i32_0 = arith.constant 0 : i32
    %c0_i32_1 = arith.constant 0 : i32
    return %c0_i32, %c0_i32_0 : i32, i32
  }
  func.func @transform_9(%arg0: i32) -> (i32, i32) {
    %c0_i32 = arith.constant 0 : i32
    %c0_i32_0 = arith.constant 0 : i32
    %c0_i32_1 = arith.constant 0 : i32
    return %c0_i32, %c0_i32_0 : i32, i32
  }
  func.func @transform_10(%arg0: i32) -> (i32, i32) {
    %c0_i32 = arith.constant 0 : i32
    %c0_i32_0 = arith.constant 0 : i32
    %c0_i32_1 = arith.constant 0 : i32
    return %c0_i32, %c0_i32_0 : i32, i32
  }
  func.func @transform_11(%arg0: i32) -> (i32, i32) {
    %c0_i32 = arith.constant 0 : i32
    %c0_i32_0 = arith.constant 0 : i32
    %c0_i32_1 = arith.constant 0 : i32
    return %c0_i32, %c0_i32_0 : i32, i32
  }
  func.func @transform_12(%arg0: i32) -> (i32, i32) {
    %c0_i32 = arith.constant 0 : i32
    %c0_i32_0 = arith.constant 0 : i32
    %c0_i32_1 = arith.constant 0 : i32
    return %c0_i32, %c0_i32_0 : i32, i32
  }
  func.func @transform_13(%arg0: i32) -> (i32, i32) {
    %c0_i32 = arith.constant 0 : i32
    %c0_i32_0 = arith.constant 0 : i32
    %c0_i32_1 = arith.constant 0 : i32
    return %c0_i32, %c0_i32_0 : i32, i32
  }
  func.func @transform_14(%arg0: i32) -> (i32, i32) {
    %c0_i32 = arith.constant 0 : i32
    %c0_i32_0 = arith.constant 0 : i32
    return %arg0, %c0_i32 : i32, i32
  }
  func.func @transform_15(%arg0: i32) -> (i32, i32) {
    %c0_i32 = arith.constant 0 : i32
    %c0_i32_0 = arith.constant 0 : i32
    return %arg0, %c0_i32 : i32, i32
  }
  func.func @transform_16(%arg0: i32) -> (i32, i32) {
    %c0_i32 = arith.constant 0 : i32
    %c0_i32_0 = arith.constant 0 : i32
    return %arg0, %c0_i32 : i32, i32
  }
}

</mosaic_0001>

<sc_bundles>
// kernel: kernel.11.cloned.1.call-start
scs
__scs_entry_jumppad:
0x0: {  	(pc) =	sbr.rel $0x88, $3  }
0x1: {  	(tag) =	ssettag $0x0;
	lr =	simm.s32 $0x1  }
0x2: {  	[smem:$0x3F7E] =	sst lr;
	_ =	strace $0xD0000000  }
0x3: {  	_ = 	snop  }
0x4: {  	_ = 	snop  }
0x5: {  	_ = 	snop  }
0x6: {  	_ = 	snop  }
0x7: {  	_ = 	snop  }
__scs_overlays_trampoline_lowered:
0x8: {  	[smem:$0x3F8D] =	sst s0  }
0x9: {  	[smem:$0x3F8E] =	sst s1  }
0xa: {  	[smem:$0x3F8F] =	sst s2  }
0xb: {  	[smem:$0x3F90] =	sst s3  }
0xc: {  	[smem:$0x3F91] =	sst s4  }
0xd: {  	[smem:$0x3F92] =	sst s5  }
0xe: {  	[smem:$0x3F93] =	sst s6  }
0xf: {  	[smem:$0x3F94] =	sst s7  }
0x10: {  	[smem:$0x3F95] =	sst s8  }
0x11: {  	[smem:$0x3F96] =	sst s9;
	s0 =	simm.s32 @!p0 $0x0  }
0x12: {  	s1 =	sld [smem:$0x3F7C];
	s0 =	simm.s32 @p0 $0x1  }
0x13: {  	[smem:$0x3F97] =	sst s0;
	s0 =	simm.s32 @!p1 $0x0  }
0x14: {  	s2 =	sld [smem:$0x3F7B];
	s0 =	simm.s32 @p1 $0x1  }
0x15: {  	[smem:$0x3F98] =	sst s0;
	s0 =	simm.s32 @!p2 $0x0  }
0x16: {  	s3 =	sld [smem:$0x3FDB];
	s0 =	simm.s32 @p2 $0x1  }
0x17: {  	s4 =	simm.s32 $0x1BF5;
	[smem:$0x3F9A] =	sst s0  }
0x18: {  	s0 =	sld [smem:$0x3F7D];
	_ =	swait.ge [sflag:s4], $0x0  }
0x19: {  	s7 =	sld [smem:$0x3F7E]  }
0x1a: {  	s8 =	sadd.s32 $0xFFFFE003, lr  }
0x1b: {  	s9 =	sadd.s32 $0xFFFFFEF7, lr;
	s5 =	simm.s32 $0xFFFFFFFF;
	p2 =	slt.u32 s8, $0xFFFFF086  }
0x1c: {  	p1 =	slt.u32 s9, $0xF7A;
	s5 =	simm.s32 @!p2 $0x0  }
0x1d: {  	s5 =	simm.s32 @p1 $0x1;
	p0 =	seq.s32 s7, s2  }
0x1e: {  	s7 =	smul.u32 @!p0 $0xF7A, s2;
	p2 =	seq.s32 @!p0 s5, $0x0  }
0x1f: {  	s9 =	smul.u32 $0xF7A, s1;
	s8 =	simm.s32 @!p0 $0x1BF5;
	p2 =	por !p2, p0  }
0x20: {  	[sflag:s8] =	ssyncset.s32 @!p0 $0xFFFFF086;
	s6 =	sadd.s32 @!p0 s3, s7;
	s7 =	simm.s32 @!p0 $0x108  }
0x21: {  	s3 =	sadd.s32 s3, s9;
	s6 =	sadd.s32 @!p0 $0x88, s6;
	s7 =	simm.s32 @p2 $0x1082  }
0x22: {  	[simem:s7], [sflag:s8] =	dma.local @!p0 [hbm:s6], $0xF7A  }
0x23: {  	s9 =	sor.u32 $0xD0000000, s2;
	s6 =	simm.s32 $0x108;
	_ =	swait.ge @!p0 [sflag:s8], $0x0  }
0x24: {  	s3 =	sadd.s32 $0x88, s3;
	s6 =	simm.s32 @!p1 $0x1082;
	[sflag:s4] =	ssyncset.s32 $0xFFFFF086  }
0x25: {  	[simem:s6], [sflag:s4] =	dma.local [hbm:s3], $0xF7A  }
0x26: {  	[smem:$0x3F7E] =	sst s1;
	(tag) =	ssettag s2;
	_ =	strace s9  }
0x27: {  	s1 =	sld [smem:$0x3F8E]  }
0x28: {  	s2 =	sld [smem:$0x3F8F]  }
0x29: {  	s4 =	sld [smem:$0x3F91]  }
0x2a: {  	p0 =	seq.s32 s5, $0x0;
	s5 =	sld [smem:$0x3F92]  }
0x2b: {  	s6 =	sld [smem:$0x3F93]  }
0x2c: {  	s7 =	sld [smem:$0x3F94]  }
0x2d: {  	s3 =	simm.s32 $0x108;
	s8 =	sld [smem:$0x3F95]  }
0x2e: {  	s3 =	simm.s32 @!p0 $0x1082;
	s9 =	sld [smem:$0x3F96]  }
0x2f: {  	lr =	sadd.s32 s0, s3;
	s0 =	sld [smem:$0x3F8D]  }
0x30: {  	s3 =	sld [smem:$0x3F90]  }
0x31: {  	[smem:$0x3F99] =	sst s10  }
0x32: {  	s10 =	sld [smem:$0x3F97];
	_ =	sdelay $0x3  }
0x33: {  	p0 =	seq.s32 s10, $0x1;
	s10 =	sld [smem:$0x3F99];
	_ =	sdelay $0x3  }
0x34: {  	[smem:$0x3F99] =	sst s10  }
0x35: {  	s10 =	sld [smem:$0x3F98];
	_ =	sdelay $0x3  }
0x36: {  	p1 =	seq.s32 s10, $0x1;
	s10 =	sld [smem:$0x3F99];
	_ =	sdelay $0x3  }
0x37: {  	[smem:$0x3F99] =	sst s10  }
0x38: {  	s10 =	sld [smem:$0x3F9A]  }
0x39: {  	_ = 	snop;
	(pc) =	sbr.ind lr, $3  }
0x3a: {  	_ = 	snop  }
0x3b: {  	_ = 	snop  }
0x3c: {  	p2 =	seq.s32 s10, $0x1;
	s10 =	sld [smem:$0x3F99]  }
0x3d: {  	_ =	shalt  }
0x3e: {  	_ =	shalt  }
0x3f: {  	_ =	shalt  }
0x40: {  	_ =	shalt  }
0x41: {  	_ =	shalt  }
0x42: {  	_ =	shalt  }
0x43: {  	_ =	shalt  }
0x44: {  	_ =	shalt  }
0x45: {  	_ =	shalt  }
0x46: {  	_ =	shalt  }
0x47: {  	_ =	shalt  }
0x48: {  	_ =	shalt  }
0x49: {  	_ =	shalt  }
0x4a: {  	_ =	shalt  }
0x4b: {  	_ =	shalt  }
0x4c: {  	_ =	shalt  }
0x4d: {  	_ =	shalt  }
0x4e: {  	_ =	shalt  }
0x4f: {  	_ =	shalt  }
0x50: {  	_ =	shalt  }
0x51: {  	_ =	shalt  }
0x52: {  	_ =	shalt  }
0x53: {  	_ =	shalt  }
0x54: {  	_ =	shalt  }
0x55: {  	_ =	shalt  }
0x56: {  	_ =	shalt  }
0x57: {  	_ =	shalt  }
0x58: {  	_ =	shalt  }
0x59: {  	_ =	shalt  }
0x5a: {  	_ =	shalt  }
0x5b: {  	_ =	shalt  }
0x5c: {  	_ =	shalt  }
0x5d: {  	_ =	shalt  }
0x5e: {  	_ =	shalt  }
0x5f: {  	_ =	shalt  }
0x60: {  	_ =	shalt  }
0x61: {  	_ =	shalt  }
0x62: {  	_ =	shalt  }
0x63: {  	_ =	shalt  }
0x64: {  	_ =	shalt  }
0x65: {  	_ =	shalt  }
0x66: {  	_ =	shalt  }
0x67: {  	_ =	shalt  }
0x68: {  	_ =	shalt  }
0x69: {  	_ =	shalt  }
0x6a: {  	_ =	shalt  }
0x6b: {  	_ =	shalt  }
0x6c: {  	_ =	shalt  }
0x6d: {  	_ =	shalt  }
0x6e: {  	_ =	shalt  }
0x6f: {  	_ =	shalt  }
0x70: {  	_ =	shalt  }
0x71: {  	_ =	shalt  }
0x72: {  	_ =	shalt  }
0x73: {  	_ =	shalt  }
0x74: {  	_ =	shalt  }
0x75: {  	_ =	shalt  }
0x76: {  	_ =	shalt  }
0x77: {  	_ =	shalt  }
0x78: {  	_ =	shalt  }
0x79: {  	_ =	shalt  }
0x7a: {  	_ =	shalt  }
0x7b: {  	_ =	shalt  }
0x7c: {  	_ =	shalt  }
0x7d: {  	_ =	shalt  }
0x7e: {  	_ =	shalt  }
0x7f: {  	_ =	shalt  }
0x80: {  	_ =	shalt  }
0x81: {  	_ =	shalt  }
0x82: {  	_ =	shalt  }
0x83: {  	_ =	shalt  }
0x84: {  	_ =	shalt  }
0x85: {  	_ =	shalt  }
0x86: {  	_ =	shalt  }
0x87: {  	_ =	shalt  }
.Lfunc_end0:
.L_simem_size_0:
called_computation_lowered:
.L_overlay_start_0:
0x88: {  	s2 =	sld [smem:$0x3FD9]  }
0x89: {  	s3 =	sld [smem:$0x3FFE];
	_ =	sdelay $0x1  }
0x8a: {  	s1 =	srdreg.scid  }
0x8b: {  	s0 =	sand.u32 $0x1, s1  }
0x8c: {  	s14 =	sshll.u32 s0, $0xA;
	s2 =	sadd.s32 s3, s2  }
0x8d: {  	s2 =	sadd.s32 s2, s14  }
0x8e: {  	[smem:$0x3FA5] =	sst s2  }
0x8f: {  	_ = 	snop  }
0x90: {  	s2 =	sld [smem:$0x3FD0];
	_ =	sdelay $0x2  }
0x91: {  	s15 =	simm.s32 $0xA;
	s4 =	simm.s32 $0x10  }
0x92: {  	[smem:s4], [sflag:s15] =	dma.local [hbm:s2], $0x1  }
0x93: {  	_ =	swait.eq [sflag:s15], $0x1  }
0x94: {  	[sflag:s15] =	ssyncset.done $0x0  }
0x95: {  	s16 =	sld [smem:$0x10];
	[sflag:s15] =	ssyncadd.s32 $0xFFFFFFFF  }
0x96: {  	s17 =	sld [smem:$0x11];
	(tm) =	ssettm $0x1  }
0x97: {  	s18 =	sld [smem:$0x3FFB];
	_ =	sdelay $0x3  }
0x98: {  	_ =	strace s18  }
0x99: {  	s4 =	sld [smem:$0x3FFC];
	_ =	sdelay $0x3  }
0x9a: {  	_ =	strace s4  }
0x9b: {  	s4 =	sld [smem:$0x3FFD];
	_ =	sdelay $0x3  }
0x9c: {  	_ =	strace s4  }
0x9d: {  	_ =	strace $0x8FFFFFFF  }
0x9e: {  	s19 =	sld [smem:$0x3FDB];
	_ =	sdelay $0x1  }
0x9f: {  	s5 =	simm.s32 $_scs_section_size  }
0xa0: {  	s6 =	simm.s32 $_size__tile_overlayer_lowered;
	s7 =	simm.s32 $_tile_overlayer_lowered  }
0xa1: {  	s22 =	simm.s32 $0x1BFF;
	s21 =	sshll.u32 s7, $0x1;
	s4 =	sadd.s32 s5, s19  }
0xa2: {  	s8 =	simm.s32 $0x0;
	s20 =	sshll.u32 s6, $0x1;
	s6 =	sadd.s32 s21, s4  }
0xa3: {  	[timem:s8], [sflag:s22] =	dma.local [hbm:s6], s20  }
0xa4: {  	_ =	swait.ge [sflag:s22], s20  }
0xa5: {  	s5 =	ssub.s32 $0x0, s20;
	[sflag:s22] =	ssyncset.done $0x0  }
0xa6: {  	[sflag:s22] =	ssyncadd.s32 s5;
	_ =	sdelay $0x1  }
0xa7: {  	s23 =	simm.s32 $0x1B8B  }
0xa8: {  	_ =	swait.ge [sflag:s23], $0x1  }
0xa9: {  	[sflag:s23] =	ssyncset.done $0x0  }
0xaa: {  	s25 =	simm.s32 $0x1B8E;
	s24 =	sld [smem:$0x3FFE];
	[sflag:s23] =	ssyncadd.s32 $0xFFFFFFFF  }
0xab: {  	s26 =	simm.s32 $execute0_lowered;
	[smem:$0x3FD2] =	sst s25  }
0xac: {  	s6 =	sshll.u32 s26, $0x1;
	_ =	strace $0x80000046;
	[dreg:$0x1] =	wrdreg $0xFFFFFFFF  }
0xad: {  	s28 =	simm.s32 $_size_execute0_lowered;
	s4 =	sadd.s32 s4, s6;
	[dreg:$0x0] =	wrdreg $0x0  }
0xae: {  	s6 =	sshll.u32 s28, $0x1;
	[dreg:$0x2] =	wrdreg s4  }
0xaf: {  	[dreg:$0x3] =	wrdreg s6  }
0xb0: {  	[dreg:$0x4] =	wrdreg $0xC0  }
0xb1: {  	_ =	task [dreg:s8], $0x5FFFF  }
0xb2: {  	[dreg:$0x1] =	wrdreg $0xFFFFFFFF  }
0xb3: {  	[dreg:$0x0] =	wrdreg $0x60  }
0xb4: {  	[dreg:$0x2] =	wrdreg s16  }
0xb5: {  	[dreg:$0x3] =	wrdreg s24  }
0xb6: {  	[dreg:$0x4] =	wrdreg s17  }
0xb7: {  	[dreg:$0x5] =	wrdreg $0x9  }
0xb8: {  	_ =	task.clear_ibuf [dreg:s8], $0x6FFFF;
	_ =	strace $0x90000046  }
0xb9: {  	s29 =	simm.s32 $0x9;
	_ =	strace $0x80000048  }
0xba: {  	_ =	swait.ge [sflag:s29], $0x1  }
0xbb: {  	[sflag:s29] =	ssyncadd.s32 $0xFFFFFFFF  }
0xbc: {  	_ =	strace $0x90000048  }
0xbd: {  	_ =	sfence  }
0xbe: {  	s30 =	sld [smem:$0x0];
	_ =	sdelay $0x2  }
0xbf: {  	s31 =	sshll.u32 s1, $0xD;
	s1 =	sshrl.u32 s1, $0x2  }
0xc0: {  	s3 =	sand.u32 $0x4000, s31;
	s1 =	sadd.s32 s1, s30  }
0xc1: {  	s0 =	sor.u32 s3, s0;
	s1 =	sshll.u32 s1, $0x11  }
0xc2: {  	s0 =	sor.u32 s1, s0  }
0xc3: {  	s0 =	sadd.s32 $0x8F2B, s0  }
0xc4: {  	[sflag:s0] =	ssyncadd.remote.s32 $0x1  }
0xc5: {  	_ =	sfence.sel $0xFFFF  }
0xc6: {  	[dreg:$0x0] =	wrdreg $0xFFFFFFFF;
	(pc) =	sbr.abs _section_cstart, $3  }
0xc7: {  	[dreg:$0x1] =	wrdreg $0xFFFFFFFF  }
0xc8: {  	_ =	task.clear_ibuf [dreg:s8], $0x2FFFF;
	_ =	strace $0x9FFFFFFF  }
0xc9: {  	(tm) =	ssettm $0x7FFFFFFF  }
tec
execute0_lowered:
.L_overlay_start_1:
0x0: {  	(tag) =	ssettag $0x1  }
0x1: {  	s1 =	rddreg [dreg:$0x0]  }
0x2: {  	s0 =	rddreg [dreg:$0x1]  }
0x3: {  	s3 =	rddreg [dreg:$0x2]  }
0x4: {  	s2 =	srdreg.scid;
	s5 =	stileid.u32  }
0x5: {  	s4 =	simm.s32 $0x0;
	s16 =	simm.s32 $0x7;
	s17 =	simm.s32 $0x80  }
0x6: {  	s18 =	simm.s32 $0x50;
	s19 =	simm.s32 $0x200;
	s20 =	simm.s32 $0x2A00  }
0x7: {  	s21 =	simm.s32 $0x100;
	s28 =	simm.s32 $0x5;
	s29 =	simm.s32 $0x3  }
0x8: {  	s30 =	simm.s32 $0x4;
	s31 =	simm.s32 $0x6;
	s2 =	sand.u32 $0x1, s2  }
0x9: {  	s5 =	sshll.u32 s5, $0x1;
	[smem:$0x7FF] =	sst s4;
	s6 =	sadd.s32 $0x1BA00, s0  }
0xa: {  	s7 =	sadd.s32 $0x7E00, s0;
	s5 =	sor.u32 s2, s5;
	s2 =	ssub.s32 $0x2, s2  }
0xb: {  	s8 =	sadd.s32 $0x11C00, s0;
	s5 =	smul.u32 $0x2710, s5;
	s9 =	sshrl.u32 s2, $0x1  }
0xc: {  	s0 =	simm.s32 $0x0;
	_ =	strace $0x80000047;
	s22 =	ssub.s32 s2, s9  }
0xd: {  	s23 =	sshrl.u32 s5, $0x3;
	s13 =	sadd.s32 $0xA0, s5;
	s14 =	sadd.s32 $0xF0, s5  }
.Ltmp0:
0xe: {  	s15 =	smax.u32 s22, $0x1;
	s24 =	sadd.s32 s8, s23;
	(pc) =	sbr.rel .LBB2_1-.Ltmp0, $4  }
0xf: {  	s25 =	sadd.s32 s7, s23;
	s2 =	sadd.s32 $0xA, s23;
	[dreg:$0x4] =	wrdreg s24  }
0x10: {  	s22 =	simm.s32 $0x180;
	[dreg:$0x5] =	wrdreg s25;
	s26 =	sadd.s32 s8, s2  }
0x11: {  	s23 =	simm.s32 $0x5200;
	s2 =	sadd.s32 s7, s2;
	[dreg:$0x6] =	wrdreg s26  }
0x12: {  	s25 =	simm.s32 $0x1;
	[dreg:$0x7] =	wrdreg s2;
	s26 =	simm.s32 $0x2  }
.LBB2_5:
0x13: {  	_ =	swait.ge [sflag:s28], $0x2800  }
0x14: {  	[sflag:s28] =	ssyncset.done $0x0  }
0x15: {  	[sflag:s28] =	ssyncadd.s32 $0xFFFFD800  }
.LBB2_11:
0x16: {  	s0 =	sadd.s32 $0x1, s0  }
0x17: {  	p0 =	sne.s32 s0, s15  }
.Ltmp1:
0x18: {  	_ = 	snop;
	(pc) =	sbr.rel @!p0 .LBB2_12-.Ltmp1, $1  }
0x19: {  	_ =	sdelay $0x3  }
.LBB2_1:
0x1a: {  	s2 =	rddreg [dreg:$0x4]  }
0x1b: {  	[tilespmem:s4], [sflag:$0x7] =	stream.linear.gather [hbm4b:s2+s4], $0x50, $0x38;
	[tilespmem:$0xA200] =	vst v63  }
0x1c: {  	_ =	swait.ge [sflag:s16], $0x50  }
0x1d: {  	[sflag:s16] =	ssyncset.done $0x0  }
0x1e: {  	s10 =	rddreg [dreg:$0x5];
	[sflag:s16] =	ssyncadd.s32 $0xFFFFFFB0  }
0x1f: {  	[tilespmem:s17], [sflag:$0x7] =	stream.linear.gather [hbm4b:s10+s4], $0x50, $0x38;
	[tilespmem:$0xA200] =	vst v63  }
0x20: {  	_ =	swait.ge [sflag:s16], $0x50  }
0x21: {  	[sflag:s16] =	ssyncset.done $0x0  }
0x22: {  	[sflag:s16] =	ssyncadd.s32 $0xFFFFFFB0  }
0x23: {  	[tilespmem:s19], [sflag:$0x1] =	stream.indirect.gather [hbm4b:s1+s18], $0x80, s4, s18, $0xb8;
	[tilespmem:$0xA200] =	vst v63  }
0x24: {  	_ = 	snop  }
0x25: {  	[tilespmem:s20], [sflag:$0x2] =	stream.indirect.gather [hbm4b:s6+s18], $0x80, s17, s18, $0xb8;
	[tilespmem:$0xA200] =	vst v63  }
0x26: {  	s11 =	rddreg [dreg:$0x6]  }
0x27: {  	[tilespmem:s21], [sflag:$0x7] =	stream.linear.gather [hbm4b:s11+s4], $0x50, $0x38;
	[tilespmem:$0xA200] =	vst v63  }
0x28: {  	_ =	swait.ge [sflag:s16], $0x50  }
0x29: {  	[sflag:s16] =	ssyncset.done $0x0  }
0x2a: {  	s12 =	rddreg [dreg:$0x7];
	[sflag:s16] =	ssyncadd.s32 $0xFFFFFFB0  }
0x2b: {  	[tilespmem:s22], [sflag:$0x7] =	stream.linear.gather [hbm4b:s12+s4], $0x50, $0x38;
	[tilespmem:$0xA200] =	vst v63  }
0x2c: {  	_ =	swait.ge [sflag:s16], $0x50  }
.Ltmp2:
0x2d: {  	[sflag:s16] =	ssyncset.done $0x0;
	(pc) =	sbr.rel .LBB2_2-.Ltmp2, $4  }
0x2e: {  	[sflag:s16] =	ssyncadd.s32 $0xFFFFFFB0  }
0x2f: {  	[tilespmem:s23], [sflag:$0x3] =	stream.indirect.gather [hbm4b:s1+s18], $0x80, s21, s18, $0xb8;
	[tilespmem:$0xA200] =	vst v63  }
0x30: {  	s24 =	simm.s32 $0x7A00;
	s2 =	simm.s32 $0x0  }
0x31: {  	[tilespmem:s24], [sflag:$0x4] =	stream.indirect.gather [hbm4b:s6+s18], $0x80, s22, s18, $0xb8;
	[tilespmem:$0xA200] =	vst v63  }
.LBB2_10:
0x32: {  	s2 =	sadd.s32 $0x1, s2  }
0x33: {  	p0 =	sne.s32 s2, $0x3F  }
.Ltmp3:
0x34: {  	_ = 	snop;
	(pc) =	sbr.rel @!p0 .LBB2_11-.Ltmp3, $1  }
0x35: {  	_ =	sdelay $0x3  }
.LBB2_2:
0x36: {  	_ =	swait.ge [sflag:s25], $0x2800  }
0x37: {  	[sflag:s25] =	ssyncset.done $0x0  }
0x38: {  	[sflag:s25] =	ssyncadd.s32 $0xFFFFD800  }
0x39: {  	_ =	swait.ge [sflag:s26], $0x2800  }
0x3a: {  	[sflag:s26] =	ssyncset.done $0x0  }
0x3b: {  	s9 =	simm.s32 $0x0;
	[sflag:s26] =	ssyncadd.s32 $0xFFFFD800  }
0x3c: {  	v6 =	vld [tilespmem:s9+$0x2A00]  }
0x3d: {  	v11 =	vld [tilespmem:s9+$0x2A10]  }
0x3e: {  	v5 =	vld [tilespmem:s9+$0x2A20]  }
0x3f: {  	v4 =	vld [tilespmem:s9+$0x2A30]  }
0x40: {  	v3 =	vld [tilespmem:s9+$0x2A40]  }
0x41: {  	v2 =	vld [tilespmem:s9+$0x2A50]  }
0x42: {  	v1 =	vld [tilespmem:s9+$0x2A60]  }
0x43: {  	v0 =	vld [tilespmem:s9+$0x2A70]  }
0x44: {  	v12 =	vld [tilespmem:s9+$0x200]  }
0x45: {  	v13 =	vld [tilespmem:s9+$0x210]  }
0x46: {  	v10 =	vld [tilespmem:s9+$0x220]  }
0x47: {  	v9 =	vld [tilespmem:s9+$0x230]  }
0x48: {  	v8 =	vld [tilespmem:s9+$0x240]  }
0x49: {  	v7 =	vld [tilespmem:s9+$0x250];
	v12 =	vadd.f32 v6, v12  }
0x4a: {  	s10 =	simm.s32 $0x200;
	v11 =	vadd.f32 v11, v13;
	v6 =	vld [tilespmem:s9+$0x260]  }
.LBB2_3:
0x4b: {  	s11 =	sshra.s32 s10, $0x2;
	p0 =	sne.s32 s10, $0x9E00;
	[tilespmem:s9+$0x200] =	vst v12;
	v5 =	vadd.f32 v5, v10;
	v10 =	vld [tilespmem:s9+$0x270]  }
0x4c: {  	v12 =	vld [tilespmem:s11+$0x2A00];
	[tilespmem:s9+$0x210] =	vst v11;
	v4 =	vadd.f32 v4, v9  }
0x4d: {  	v11 =	vld [tilespmem:s11+$0x2A10];
	[tilespmem:s9+$0x220] =	vst v5;
	v3 =	vadd.f32 v3, v8  }
0x4e: {  	v5 =	vld [tilespmem:s11+$0x2A20];
	[tilespmem:s9+$0x230] =	vst v4;
	v2 =	vadd.f32 v2, v7  }
0x4f: {  	v4 =	vld [tilespmem:s11+$0x2A30];
	[tilespmem:s9+$0x240] =	vst v3;
	v1 =	vadd.f32 v1, v6  }
0x50: {  	v3 =	vld [tilespmem:s11+$0x2A40];
	[tilespmem:s9+$0x250] =	vst v2;
	v0 =	vadd.f32 v0, v10  }
0x51: {  	v2 =	vld [tilespmem:s11+$0x2A50];
	[tilespmem:s9+$0x260] =	vst v1  }
0x52: {  	v1 =	vld [tilespmem:s11+$0x2A60];
	[tilespmem:s9+$0x270] =	vst v0;
	s9 =	smov.u32 s11  }
0x53: {  	v0 =	vld [tilespmem:s9+$0x2A70]  }
0x54: {  	v6 =	vld [tilespmem:s9+$0x200]  }
0x55: {  	v13 =	vld [tilespmem:s9+$0x210]  }
.Ltmp4:
0x56: {  	v10 =	vld [tilespmem:s9+$0x220];
	(pc) =	sbr.rel @p0 .LBB2_3-.Ltmp4, $4  }
0x57: {  	v9 =	vld [tilespmem:s9+$0x230]  }
0x58: {  	v8 =	vld [tilespmem:s9+$0x240]  }
0x59: {  	v12 =	vadd.f32 v12, v6;
	v7 =	vld [tilespmem:s9+$0x250]  }
0x5a: {  	s10 =	sadd.s32 $0x200, s10;
	v11 =	vadd.f32 v11, v13;
	v6 =	vld [tilespmem:s9+$0x260]  }
0x5b: {  	[tilespmem:s9+$0x200] =	vst v12;
	v5 =	vadd.f32 v5, v10;
	v63 =	vld [tilespmem:s9+$0x270]  }
0x5c: {  	[tilespmem:s9+$0x210] =	vst v11;
	v4 =	vadd.f32 v4, v9  }
0x5d: {  	[tilespmem:s9+$0x220] =	vst v5;
	v3 =	vadd.f32 v3, v8  }
0x5e: {  	s24 =	smul.u32 $0xA0, s2;
	p0 =	sne.s32 s2, $0x3E;
	[tilespmem:s9+$0x230] =	vst v4;
	v2 =	vadd.f32 v2, v7  }
.Ltmp5:
0x5f: {  	[tilespmem:s9+$0x240] =	vst v3;
	v1 =	vadd.f32 v1, v6;
	(pc) =	sbr.rel @!p0 .LBB2_5-.Ltmp5, $4  }
0x60: {  	s10 =	sadd.s32 s5, s24;
	[tilespmem:s9+$0x250] =	vst v2;
	v0 =	vadd.f32 v0, v63  }
0x61: {  	s10 =	sshll.u32 s10, $0x4;
	[tilespmem:s9+$0x260] =	vst v1  }
0x62: {  	s12 =	sadd.s32 s3, s10;
	[tilespmem:s9+$0x270] =	vst v0  }
0x63: {  	[hbm4b:s12+s4] =	stream.linear.scatter [tilespmem:s19], [sflag:$0x5], $0x2800, $0x38;
	[tilespmem:$0xA200] =	vst v63  }
0x64: {  	_ =	swait.ge [sflag:s28], $0x2800;
	s9 =	sadd.s32 s24, s13  }
0x65: {  	[sflag:s28] =	ssyncset.done $0x0;
	s9 =	sshrl.u32 s9, $0x3  }
0x66: {  	[sflag:s28] =	ssyncadd.s32 $0xFFFFD800;
	s10 =	sadd.s32 s8, s9  }
0x67: {  	[tilespmem:s4], [sflag:$0x7] =	stream.linear.gather [hbm4b:s10+s4], $0x50, $0x38;
	[tilespmem:$0xA200] =	vst v63  }
0x68: {  	_ =	swait.ge [sflag:s16], $0x50  }
0x69: {  	[sflag:s16] =	ssyncset.done $0x0  }
0x6a: {  	s9 =	sadd.s32 s7, s9;
	[sflag:s16] =	ssyncadd.s32 $0xFFFFFFB0  }
0x6b: {  	[tilespmem:s17], [sflag:$0x7] =	stream.linear.gather [hbm4b:s9+s4], $0x50, $0x38;
	[tilespmem:$0xA200] =	vst v63  }
0x6c: {  	s9 =	sshllo.u32 s2, $0x1  }
0x6d: {  	_ =	swait.ge [sflag:s16], $0x50;
	p0 =	sgt.u32 s9, $0x7C  }
.Ltmp6:
0x6e: {  	[sflag:s16] =	ssyncset.done $0x0;
	(pc) =	sbr.rel @p0 .LBB2_10-.Ltmp6, $4  }
0x6f: {  	[sflag:s16] =	ssyncadd.s32 $0xFFFFFFB0  }
0x70: {  	[tilespmem:s19], [sflag:$0x1] =	stream.indirect.gather [hbm4b:s1+s18], $0x80, s4, s18, $0xb8;
	[tilespmem:$0xA200] =	vst v63  }
0x71: {  	_ = 	snop  }
0x72: {  	[tilespmem:s20], [sflag:$0x2] =	stream.indirect.gather [hbm4b:s6+s18], $0x80, s17, s18, $0xb8;
	[tilespmem:$0xA200] =	vst v63  }
0x73: {  	_ =	swait.ge [sflag:s29], $0x2800  }
0x74: {  	[sflag:s29] =	ssyncset.done $0x0  }
0x75: {  	[sflag:s29] =	ssyncadd.s32 $0xFFFFD800  }
0x76: {  	_ =	swait.ge [sflag:s30], $0x2800  }
0x77: {  	[sflag:s30] =	ssyncset.done $0x0  }
0x78: {  	s10 =	simm.s32 $0x0;
	[sflag:s30] =	ssyncadd.s32 $0xFFFFD800  }
0x79: {  	v6 =	vld [tilespmem:s10+$0x7A00]  }
0x7a: {  	v11 =	vld [tilespmem:s10+$0x7A10]  }
0x7b: {  	v5 =	vld [tilespmem:s10+$0x7A20]  }
0x7c: {  	v4 =	vld [tilespmem:s10+$0x7A30]  }
0x7d: {  	v3 =	vld [tilespmem:s10+$0x7A40]  }
0x7e: {  	v2 =	vld [tilespmem:s10+$0x7A50]  }
0x7f: {  	v1 =	vld [tilespmem:s10+$0x7A60]  }
0x80: {  	v0 =	vld [tilespmem:s10+$0x7A70]  }
0x81: {  	v12 =	vld [tilespmem:s10+$0x5200]  }
0x82: {  	v13 =	vld [tilespmem:s10+$0x5210]  }
0x83: {  	v10 =	vld [tilespmem:s10+$0x5220]  }
0x84: {  	v9 =	vld [tilespmem:s10+$0x5230]  }
0x85: {  	v8 =	vld [tilespmem:s10+$0x5240]  }
0x86: {  	v7 =	vld [tilespmem:s10+$0x5250];
	v12 =	vadd.f32 v6, v12  }
0x87: {  	s11 =	simm.s32 $0x200;
	v11 =	vadd.f32 v11, v13;
	v6 =	vld [tilespmem:s10+$0x5260]  }
.LBB2_8:
0x88: {  	s12 =	sshra.s32 s11, $0x2;
	p0 =	sne.s32 s11, $0x9E00;
	[tilespmem:s10+$0x5200] =	vst v12;
	v5 =	vadd.f32 v5, v10;
	v10 =	vld [tilespmem:s10+$0x5270]  }
0x89: {  	v12 =	vld [tilespmem:s12+$0x7A00];
	[tilespmem:s10+$0x5210] =	vst v11;
	v4 =	vadd.f32 v4, v9  }
0x8a: {  	v11 =	vld [tilespmem:s12+$0x7A10];
	[tilespmem:s10+$0x5220] =	vst v5;
	v3 =	vadd.f32 v3, v8  }
0x8b: {  	v5 =	vld [tilespmem:s12+$0x7A20];
	[tilespmem:s10+$0x5230] =	vst v4;
	v2 =	vadd.f32 v2, v7  }
0x8c: {  	v4 =	vld [tilespmem:s12+$0x7A30];
	[tilespmem:s10+$0x5240] =	vst v3;
	v1 =	vadd.f32 v1, v6  }
0x8d: {  	v3 =	vld [tilespmem:s12+$0x7A40];
	[tilespmem:s10+$0x5250] =	vst v2;
	v0 =	vadd.f32 v0, v10  }
0x8e: {  	v2 =	vld [tilespmem:s12+$0x7A50];
	[tilespmem:s10+$0x5260] =	vst v1  }
0x8f: {  	v1 =	vld [tilespmem:s12+$0x7A60];
	[tilespmem:s10+$0x5270] =	vst v0;
	s10 =	smov.u32 s12  }
0x90: {  	v0 =	vld [tilespmem:s10+$0x7A70]  }
0x91: {  	v6 =	vld [tilespmem:s10+$0x5200]  }
0x92: {  	v13 =	vld [tilespmem:s10+$0x5210]  }
.Ltmp7:
0x93: {  	v10 =	vld [tilespmem:s10+$0x5220];
	(pc) =	sbr.rel @p0 .LBB2_8-.Ltmp7, $4  }
0x94: {  	v9 =	vld [tilespmem:s10+$0x5230]  }
0x95: {  	v8 =	vld [tilespmem:s10+$0x5240]  }
0x96: {  	v12 =	vadd.f32 v12, v6;
	v7 =	vld [tilespmem:s10+$0x5250]  }
0x97: {  	s11 =	sadd.s32 $0x200, s11;
	v11 =	vadd.f32 v11, v13;
	v6 =	vld [tilespmem:s10+$0x5260]  }
0x98: {  	[tilespmem:s10+$0x5200] =	vst v12;
	v5 =	vadd.f32 v5, v10;
	v63 =	vld [tilespmem:s10+$0x5270]  }
0x99: {  	[tilespmem:s10+$0x5210] =	vst v11;
	v4 =	vadd.f32 v4, v9  }
0x9a: {  	[tilespmem:s10+$0x5220] =	vst v5;
	v3 =	vadd.f32 v3, v8  }
0x9b: {  	s9 =	smul.u32 $0x50, s9;
	[tilespmem:s10+$0x5230] =	vst v4;
	v2 =	vadd.f32 v2, v7  }
0x9c: {  	[tilespmem:s10+$0x5240] =	vst v3;
	v1 =	vadd.f32 v1, v6  }
0x9d: {  	s9 =	sadd.s32 s5, s9;
	[tilespmem:s10+$0x5250] =	vst v2;
	v0 =	vadd.f32 v0, v63  }
0x9e: {  	s9 =	sshll.u32 s9, $0x4;
	[tilespmem:s10+$0x5260] =	vst v1  }
0x9f: {  	p0 =	sgt.u32 s2, $0x3C;
	s9 =	sadd.s32 s3, s9;
	[tilespmem:s10+$0x5270] =	vst v0  }
0xa0: {  	[hbm4b:s9+s4] =	stream.linear.scatter [tilespmem:s23], [sflag:$0x6], $0x2800, $0x38;
	[tilespmem:$0xA200] =	vst v63  }
0xa1: {  	s9 =	sadd.s32 @!p0 s24, s14;
	_ =	swait.ge [sflag:s31], $0x2800  }
0xa2: {  	s11 =	simm.s32 @!p0 $0x0;
	s9 =	sshrl.u32 @!p0 s9, $0x3;
	[sflag:s31] =	ssyncset.done $0x0  }
0xa3: {  	s12 =	simm.s32 @!p0 $0x100;
	s10 =	sadd.s32 @!p0 s8, s9;
	[sflag:s31] =	ssyncadd.s32 $0xFFFFD800  }
0xa4: {  	[tilespmem:s12], [sflag:$0x7] =	stream.linear.gather @!p0 [hbm4b:s10+s11], $0x50, $0x38;
	[tilespmem:$0xA200] =	vst v63  }
0xa5: {  	s10 =	simm.s32 @!p0 $0x7  }
0xa6: {  	_ =	swait.ge @!p0 [sflag:s10], $0x50  }
0xa7: {  	[sflag:s10] =	ssyncset.done @!p0 $0x0  }
0xa8: {  	s24 =	simm.s32 @!p0 $0x180;
	s9 =	sadd.s32 @!p0 s7, s9;
	[sflag:s10] =	ssyncadd.s32 @!p0 $0xFFFFFFB0  }
0xa9: {  	[tilespmem:s24], [sflag:$0x7] =	stream.linear.gather @!p0 [hbm4b:s9+s11], $0x50, $0x38;
	[tilespmem:$0xA200] =	vst v63  }
0xaa: {  	_ =	swait.ge @!p0 [sflag:s10], $0x50  }
.Ltmp8:
0xab: {  	[sflag:s10] =	ssyncset.done @!p0 $0x0;
	(pc) =	sbr.rel .LBB2_10-.Ltmp8, $4  }
0xac: {  	s9 =	simm.s32 @!p0 $0x50;
	[sflag:s10] =	ssyncadd.s32 @!p0 $0xFFFFFFB0;
	s10 =	simm.s32 @!p0 $0x5200  }
0xad: {  	[tilespmem:s10], [sflag:$0x3] =	stream.indirect.gather @!p0 [hbm4b:s1+s9], $0x80, s12, s9, $0xb8;
	[tilespmem:$0xA200] =	vst v63  }
0xae: {  	s10 =	simm.s32 @!p0 $0x7A00  }
0xaf: {  	[tilespmem:s10], [sflag:$0x4] =	stream.indirect.gather @!p0 [hbm4b:s6+s9], $0x80, s24, s9, $0xb8;
	[tilespmem:$0xA200] =	vst v63  }
.LBB2_12:
0xb0: {  	_ =	sfence.sel $0x180000  }
0xb1: {  	[bflag:$0x0] =	sbarrier.arrive $0xFFFF  }
0xb2: {  	_ =	strace $0x90000047  }
0xb3: {  	s0 =	stileid.u32;
	[bflag:$0x2] =	sbarrier.arrive $0xFFFF  }
0xb4: {  	p0 =	sne.s32 s0, $0x0;
	s0 =	rddreg [dreg:$0x3]  }
0xb5: {  	s0 =	sadd.s32 @!p0 $0x100000, s0  }
0xb6: {  	[sflag:s0] =	ssyncadd.tile.s32 @!p0 $0x1;
	_ =	shalt  }
.Lfunc_end2:
_tile_overlayer_lowered:
.L_overlay_start_2:
0xb7: {  	(tag) =	ssettag $0x2  }
0xb8: {  	s0 =	rddreg [dreg:$0x0];
	s2 =	stileid.u32  }
0xb9: {  	s1 =	rddreg [dreg:$0x1];
	p0 =	sne.s32 s2, $0x0  }
0xba: {  	s3 =	rddreg [dreg:$0x2];
	[bflag:$0x3] =	sbarrier.arrive $0xFFFF;
	s2 =	simm.s32 @!p0 $0x1C07  }
0xbb: {  	[timem:s3], [sflag:s2] =	dma.local @!p0 [hbm:s0], s1  }
0xbc: {  	s0 =	simm.s32 @!p0 $0x7  }
0xbd: {  	_ =	swait.ge @!p0 [sflag:s0], s1  }
0xbe: {  	s1 =	ssub.s32 @!p0 $0x0, s1;
	[sflag:s0] =	ssyncset.done @!p0 $0x0  }
0xbf: {  	[sflag:s0] =	ssyncadd.s32 @!p0 s1  }
0xc0: {  	[bflag:$0x3] =	sbarrier.arrive $0xFFFF  }
0xc1: {  	_ =	shalt  }

// kernel: kernel.14.cloned.1.call-start
scs
__scs_entry_jumppad:
0x0: {  	(pc) =	sbr.rel $0x88, $3  }
0x1: {  	(tag) =	ssettag $0x0;
	lr =	simm.s32 $0x1  }
0x2: {  	[smem:$0x3F7E] =	sst lr;
	_ =	strace $0xD0000000  }
0x3: {  	_ = 	snop  }
0x4: {  	_ = 	snop  }
0x5: {  	_ = 	snop  }
0x6: {  	_ = 	snop  }
0x7: {  	_ = 	snop  }
__scs_overlays_trampoline_lowered:
0x8: {  	[smem:$0x3F8D] =	sst s0  }
0x9: {  	[smem:$0x3F8E] =	sst s1  }
0xa: {  	[smem:$0x3F8F] =	sst s2  }
0xb: {  	[smem:$0x3F90] =	sst s3  }
0xc: {  	[smem:$0x3F91] =	sst s4  }
0xd: {  	[smem:$0x3F92] =	sst s5  }
0xe: {  	[smem:$0x3F93] =	sst s6  }
0xf: {  	[smem:$0x3F94] =	sst s7  }
0x10: {  	[smem:$0x3F95] =	sst s8  }
0x11: {  	[smem:$0x3F96] =	sst s9;
	s0 =	simm.s32 @!p0 $0x0  }
0x12: {  	s1 =	sld [smem:$0x3F7C];
	s0 =	simm.s32 @p0 $0x1  }
0x13: {  	[smem:$0x3F97] =	sst s0;
	s0 =	simm.s32 @!p1 $0x0  }
0x14: {  	s2 =	sld [smem:$0x3F7B];
	s0 =	simm.s32 @p1 $0x1  }
0x15: {  	[smem:$0x3F98] =	sst s0;
	s0 =	simm.s32 @!p2 $0x0  }
0x16: {  	s3 =	sld [smem:$0x3FDB];
	s0 =	simm.s32 @p2 $0x1  }
0x17: {  	s4 =	simm.s32 $0x1BF5;
	[smem:$0x3F9A] =	sst s0  }
0x18: {  	s0 =	sld [smem:$0x3F7D];
	_ =	swait.ge [sflag:s4], $0x0  }
0x19: {  	s7 =	sld [smem:$0x3F7E]  }
0x1a: {  	s8 =	sadd.s32 $0xFFFFE003, lr  }
0x1b: {  	s9 =	sadd.s32 $0xFFFFFEF7, lr;
	s5 =	simm.s32 $0xFFFFFFFF;
	p2 =	slt.u32 s8, $0xFFFFF086  }
0x1c: {  	p1 =	slt.u32 s9, $0xF7A;
	s5 =	simm.s32 @!p2 $0x0  }
0x1d: {  	s5 =	simm.s32 @p1 $0x1;
	p0 =	seq.s32 s7, s2  }
0x1e: {  	s7 =	smul.u32 @!p0 $0xF7A, s2;
	p2 =	seq.s32 @!p0 s5, $0x0  }
0x1f: {  	s9 =	smul.u32 $0xF7A, s1;
	s8 =	simm.s32 @!p0 $0x1BF5;
	p2 =	por !p2, p0  }
0x20: {  	[sflag:s8] =	ssyncset.s32 @!p0 $0xFFFFF086;
	s6 =	sadd.s32 @!p0 s3, s7;
	s7 =	simm.s32 @!p0 $0x108  }
0x21: {  	s3 =	sadd.s32 s3, s9;
	s6 =	sadd.s32 @!p0 $0x88, s6;
	s7 =	simm.s32 @p2 $0x1082  }
0x22: {  	[simem:s7], [sflag:s8] =	dma.local @!p0 [hbm:s6], $0xF7A  }
0x23: {  	s9 =	sor.u32 $0xD0000000, s2;
	s6 =	simm.s32 $0x108;
	_ =	swait.ge @!p0 [sflag:s8], $0x0  }
0x24: {  	s3 =	sadd.s32 $0x88, s3;
	s6 =	simm.s32 @!p1 $0x1082;
	[sflag:s4] =	ssyncset.s32 $0xFFFFF086  }
0x25: {  	[simem:s6], [sflag:s4] =	dma.local [hbm:s3], $0xF7A  }
0x26: {  	[smem:$0x3F7E] =	sst s1;
	(tag) =	ssettag s2;
	_ =	strace s9  }
0x27: {  	s1 =	sld [smem:$0x3F8E]  }
0x28: {  	s2 =	sld [smem:$0x3F8F]  }
0x29: {  	s4 =	sld [smem:$0x3F91]  }
0x2a: {  	p0 =	seq.s32 s5, $0x0;
	s5 =	sld [smem:$0x3F92]  }
0x2b: {  	s6 =	sld [smem:$0x3F93]  }
0x2c: {  	s7 =	sld [smem:$0x3F94]  }
0x2d: {  	s3 =	simm.s32 $0x108;
	s8 =	sld [smem:$0x3F95]  }
0x2e: {  	s3 =	simm.s32 @!p0 $0x1082;
	s9 =	sld [smem:$0x3F96]  }
0x2f: {  	lr =	sadd.s32 s0, s3;
	s0 =	sld [smem:$0x3F8D]  }
0x30: {  	s3 =	sld [smem:$0x3F90]  }
0x31: {  	[smem:$0x3F99] =	sst s10  }
0x32: {  	s10 =	sld [smem:$0x3F97];
	_ =	sdelay $0x3  }
0x33: {  	p0 =	seq.s32 s10, $0x1;
	s10 =	sld [smem:$0x3F99];
	_ =	sdelay $0x3  }
0x34: {  	[smem:$0x3F99] =	sst s10  }
0x35: {  	s10 =	sld [smem:$0x3F98];
	_ =	sdelay $0x3  }
0x36: {  	p1 =	seq.s32 s10, $0x1;
	s10 =	sld [smem:$0x3F99];
	_ =	sdelay $0x3  }
0x37: {  	[smem:$0x3F99] =	sst s10  }
0x38: {  	s10 =	sld [smem:$0x3F9A]  }
0x39: {  	_ = 	snop;
	(pc) =	sbr.ind lr, $3  }
0x3a: {  	_ = 	snop  }
0x3b: {  	_ = 	snop  }
0x3c: {  	p2 =	seq.s32 s10, $0x1;
	s10 =	sld [smem:$0x3F99]  }
0x3d: {  	_ =	shalt  }
0x3e: {  	_ =	shalt  }
0x3f: {  	_ =	shalt  }
0x40: {  	_ =	shalt  }
0x41: {  	_ =	shalt  }
0x42: {  	_ =	shalt  }
0x43: {  	_ =	shalt  }
0x44: {  	_ =	shalt  }
0x45: {  	_ =	shalt  }
0x46: {  	_ =	shalt  }
0x47: {  	_ =	shalt  }
0x48: {  	_ =	shalt  }
0x49: {  	_ =	shalt  }
0x4a: {  	_ =	shalt  }
0x4b: {  	_ =	shalt  }
0x4c: {  	_ =	shalt  }
0x4d: {  	_ =	shalt  }
0x4e: {  	_ =	shalt  }
0x4f: {  	_ =	shalt  }
0x50: {  	_ =	shalt  }
0x51: {  	_ =	shalt  }
0x52: {  	_ =	shalt  }
0x53: {  	_ =	shalt  }
0x54: {  	_ =	shalt  }
0x55: {  	_ =	shalt  }
0x56: {  	_ =	shalt  }
0x57: {  	_ =	shalt  }
0x58: {  	_ =	shalt  }
0x59: {  	_ =	shalt  }
0x5a: {  	_ =	shalt  }
0x5b: {  	_ =	shalt  }
0x5c: {  	_ =	shalt  }
0x5d: {  	_ =	shalt  }
0x5e: {  	_ =	shalt  }
0x5f: {  	_ =	shalt  }
0x60: {  	_ =	shalt  }
0x61: {  	_ =	shalt  }
0x62: {  	_ =	shalt  }
0x63: {  	_ =	shalt  }
0x64: {  	_ =	shalt  }
0x65: {  	_ =	shalt  }
0x66: {  	_ =	shalt  }
0x67: {  	_ =	shalt  }
0x68: {  	_ =	shalt  }
0x69: {  	_ =	shalt  }
0x6a: {  	_ =	shalt  }
0x6b: {  	_ =	shalt  }
0x6c: {  	_ =	shalt  }
0x6d: {  	_ =	shalt  }
0x6e: {  	_ =	shalt  }
0x6f: {  	_ =	shalt  }
0x70: {  	_ =	shalt  }
0x71: {  	_ =	shalt  }
0x72: {  	_ =	shalt  }
0x73: {  	_ =	shalt  }
0x74: {  	_ =	shalt  }
0x75: {  	_ =	shalt  }
0x76: {  	_ =	shalt  }
0x77: {  	_ =	shalt  }
0x78: {  	_ =	shalt  }
0x79: {  	_ =	shalt  }
0x7a: {  	_ =	shalt  }
0x7b: {  	_ =	shalt  }
0x7c: {  	_ =	shalt  }
0x7d: {  	_ =	shalt  }
0x7e: {  	_ =	shalt  }
0x7f: {  	_ =	shalt  }
0x80: {  	_ =	shalt  }
0x81: {  	_ =	shalt  }
0x82: {  	_ =	shalt  }
0x83: {  	_ =	shalt  }
0x84: {  	_ =	shalt  }
0x85: {  	_ =	shalt  }
0x86: {  	_ =	shalt  }
0x87: {  	_ =	shalt  }
.Lfunc_end0:
.L_simem_size_0:
called_computation.1_lowered:
.L_overlay_start_0:
0x88: {  	s2 =	sld [smem:$0x3FD9]  }
0x89: {  	s3 =	sld [smem:$0x3FFE];
	_ =	sdelay $0x1  }
0x8a: {  	s1 =	srdreg.scid  }
0x8b: {  	s0 =	sand.u32 $0x1, s1  }
0x8c: {  	s14 =	sshll.u32 s0, $0xA;
	s2 =	sadd.s32 s3, s2  }
0x8d: {  	s2 =	sadd.s32 s2, s14  }
0x8e: {  	[smem:$0x3FA5] =	sst s2  }
0x8f: {  	_ = 	snop  }
0x90: {  	s2 =	sld [smem:$0x3FD0];
	_ =	sdelay $0x2  }
0x91: {  	s15 =	simm.s32 $0xA;
	s4 =	simm.s32 $0x10  }
0x92: {  	[smem:s4], [sflag:s15] =	dma.local [hbm:s2], $0x1  }
0x93: {  	_ =	swait.eq [sflag:s15], $0x1  }
0x94: {  	[sflag:s15] =	ssyncset.done $0x0  }
0x95: {  	[sflag:s15] =	ssyncadd.s32 $0xFFFFFFFF  }
0x96: {  	s16 =	sld [smem:$0x11];
	(tm) =	ssettm $0x1  }
0x97: {  	s17 =	sld [smem:$0x3FFB];
	_ =	sdelay $0x3  }
0x98: {  	_ =	strace s17  }
0x99: {  	s3 =	sld [smem:$0x3FFC];
	_ =	sdelay $0x3  }
0x9a: {  	_ =	strace s3  }
0x9b: {  	s3 =	sld [smem:$0x3FFD];
	_ =	sdelay $0x3  }
0x9c: {  	_ =	strace s3  }
0x9d: {  	_ =	strace $0x8FFFFFFF  }
0x9e: {  	s18 =	sld [smem:$0x3FDB];
	_ =	sdelay $0x1  }
0x9f: {  	s19 =	simm.s32 $_scs_section_size  }
0xa0: {  	s5 =	simm.s32 $_size__tile_overlayer_lowered;
	s6 =	simm.s32 $_tile_overlayer_lowered  }
0xa1: {  	s22 =	simm.s32 $0x1BFF;
	s21 =	sshll.u32 s6, $0x1;
	s3 =	sadd.s32 s19, s18  }
0xa2: {  	s7 =	simm.s32 $0x0;
	s20 =	sshll.u32 s5, $0x1;
	s5 =	sadd.s32 s21, s3  }
0xa3: {  	[timem:s7], [sflag:s22] =	dma.local [hbm:s5], s20  }
0xa4: {  	_ =	swait.ge [sflag:s22], s20  }
0xa5: {  	s4 =	ssub.s32 $0x0, s20;
	[sflag:s22] =	ssyncset.done $0x0  }
0xa6: {  	[sflag:s22] =	ssyncadd.s32 s4;
	_ =	sdelay $0x1  }
0xa7: {  	s23 =	simm.s32 $0x1B8B  }
0xa8: {  	_ =	swait.ge [sflag:s23], $0x1  }
0xa9: {  	[sflag:s23] =	ssyncset.done $0x0  }
0xaa: {  	s25 =	simm.s32 $0x1B8E;
	s24 =	sld [smem:$0x3FFE];
	[sflag:s23] =	ssyncadd.s32 $0xFFFFFFFF  }
0xab: {  	s26 =	simm.s32 $execute0_lowered;
	[smem:$0x3FD2] =	sst s25  }
0xac: {  	s5 =	sshll.u32 s26, $0x1;
	_ =	strace $0x80000049;
	[dreg:$0x1] =	wrdreg $0xFFFFFFFF  }
0xad: {  	s28 =	simm.s32 $_size_execute0_lowered;
	s3 =	sadd.s32 s3, s5;
	[dreg:$0x0] =	wrdreg $0x0  }
0xae: {  	s5 =	sshll.u32 s28, $0x1;
	[dreg:$0x2] =	wrdreg s3  }
0xaf: {  	[dreg:$0x3] =	wrdreg s5  }
0xb0: {  	[dreg:$0x4] =	wrdreg $0xC0  }
0xb1: {  	_ =	task [dreg:s7], $0x5FFFF  }
0xb2: {  	[dreg:$0x1] =	wrdreg $0xFFFFFFFF  }
0xb3: {  	[dreg:$0x0] =	wrdreg $0x60  }
0xb4: {  	[dreg:$0x2] =	wrdreg s24  }
0xb5: {  	[dreg:$0x3] =	wrdreg s16  }
0xb6: {  	[dreg:$0x4] =	wrdreg $0x51000  }
0xb7: {  	[dreg:$0x5] =	wrdreg $0x9  }
0xb8: {  	_ =	task.clear_ibuf [dreg:s7], $0x6FFFF;
	_ =	strace $0x90000049  }
0xb9: {  	s29 =	simm.s32 $0x9;
	_ =	strace $0x8000004B  }
0xba: {  	_ =	swait.ge [sflag:s29], $0x1  }
0xbb: {  	[sflag:s29] =	ssyncadd.s32 $0xFFFFFFFF  }
0xbc: {  	_ =	strace $0x9000004B  }
0xbd: {  	_ =	sfence  }
0xbe: {  	s30 =	sld [smem:$0x0];
	_ =	sdelay $0x2  }
0xbf: {  	s31 =	sshll.u32 s1, $0xD;
	s1 =	sshrl.u32 s1, $0x2  }
0xc0: {  	s3 =	sand.u32 $0x4000, s31;
	s1 =	sadd.s32 s1, s30  }
0xc1: {  	s0 =	sor.u32 s3, s0;
	s1 =	sshll.u32 s1, $0x11  }
0xc2: {  	s0 =	sor.u32 s1, s0  }
0xc3: {  	s0 =	sadd.s32 $0x8F2B, s0  }
0xc4: {  	[sflag:s0] =	ssyncadd.remote.s32 $0x1  }
0xc5: {  	_ =	sfence.sel $0xFFFF  }
0xc6: {  	[dreg:$0x0] =	wrdreg $0xFFFFFFFF;
	(pc) =	sbr.abs _section_cstart, $3  }
0xc7: {  	[dreg:$0x1] =	wrdreg $0xFFFFFFFF  }
0xc8: {  	_ =	task.clear_ibuf [dreg:s7], $0x2FFFF;
	_ =	strace $0x9FFFFFFF  }
0xc9: {  	(tm) =	ssettm $0x7FFFFFFF  }
tec
execute0_lowered:
.L_overlay_start_1:
0x0: {  	(tag) =	ssettag $0x1  }
0x1: {  	s5 =	rddreg [dreg:$0x0]  }
0x2: {  	s12 =	rddreg [dreg:$0x1]  }
0x3: {  	s1 =	rddreg [dreg:$0x2];
	s2 =	simm.s32 $0x0;
	s3 =	stileid.u32  }
0x4: {  	s6 =	srdreg.scid;
	s22 =	simm.s32 $0x2;
	s7 =	smul.u32 $0x4F000, s3  }
0x5: {  	s23 =	simm.s32 $0x50;
	s28 =	simm.s32 $0x0;
	s18 =	smul.u32 $0x13C00, s3  }
0x6: {  	[smem:$0x7FF] =	sst s2;
	s13 =	sadd.s32 $0x1BA00, s5;
	s19 =	smul.u32 $0x4E20, s3  }
0x7: {  	s4 =	sadd.s32 $0x11C00, s5;
	s14 =	sand.u32 $0x1, s6;
	s29 =	smul.u32 $0x4E200, s3  }
0x8: {  	s24 =	sshll.u32 s3, $0x1;
	s5 =	sadd.s32 $0x4FDA00, s5;
	s16 =	smul.u32 $0x13C000, s14  }
0x9: {  	_ =	strace $0x8000004A;
	s8 =	ssub.s32 $0x2, s14;
	s21 =	smul.u32 $0x2710, s14  }
0xa: {  	s6 =	sor.u32 s14, s24;
	s14 =	smul.u32 $0x27100, s14;
	s24 =	simm.s32 $0x5  }
0xb: {  	s9 =	sshrl.u32 s8, $0x1;
	s10 =	smul.u32 $0x2710, s6;
	s7 =	sshrl.u32 s7, $0x2  }
0xc: {  	s25 =	smul.u32 $0x27100, s6;
	s6 =	sshll.u32 s3, $0x6;
	s15 =	ssub.s32 s8, s9  }
0xd: {  	s17 =	sadd.s32 s7, s1;
	s7 =	sor.u32 $0x1C01, s6;
	s16 =	sadd.s32 s18, s16  }
0xe: {  	s30 =	sadd.s32 s21, s19;
	s18 =	simm.s32 $0x1;
	s21 =	simm.s32 $0x2900  }
0xf: {  	s26 =	sshrl.u32 s10, $0x3;
	s9 =	sadd.s32 s13, s25;
	s10 =	sadd.s32 $0x50, s10  }
0x10: {  	s16 =	sshrl.u32 s16, $0x3;
	s19 =	sadd.s32 $0xF0, s30;
	s17 =	sshrl.u32 s17, $0x3  }
0x11: {  	s25 =	simm.s32 $0x3;
	s8 =	sadd.s32 s4, s26;
	s11 =	sshrl.u32 s10, $0x3  }
.Ltmp0:
0x12: {  	s20 =	sshll.u32 s10, $0x4;
	s12 =	sadd.s32 s12, s16;
	(pc) =	sbr.rel .LBB2_1-.Ltmp0, $4  }
0x13: {  	s31 =	sshrl.u32 s19, $0x3;
	s16 =	sadd.s32 $0xA0, s30;
	s19 =	simm.s32 $0x100  }
0x14: {  	s10 =	sadd.s32 s4, s11;
	s11 =	sadd.s32 s13, s20;
	s13 =	sadd.s32 s29, s13  }
0x15: {  	s26 =	simm.s32 $0x4;
	s20 =	simm.s32 $0x80;
	s14 =	sadd.s32 s14, s13  }
0x16: {  	s13 =	smax.u32 s15, $0x1;
	s15 =	sadd.s32 s31, s4;
	s14 =	sadd.s32 $0xF00, s14  }
.LBB2_4:
0x17: {  	_ =	swait.ge [sflag:s18], $0x50  }
0x18: {  	[sflag:s18] =	ssyncset.done $0x0  }
0x19: {  	[sflag:s18] =	ssyncadd.s32 $0xFFFFFFB0  }
0x1a: {  	_ =	swait.ge [sflag:s22], $0x2800  }
0x1b: {  	[sflag:s22] =	ssyncset.done $0x0  }
0x1c: {  	[sflag:s22] =	ssyncadd.s32 $0xFFFFD800  }
0x1d: {  	[spmem:s1] =	stream.indirect.scatter.add.f32 [tilespmem:s19], [sflag:$0x5], $0x80, s2, s23, $0xb8;
	[tilespmem:$0x18D00] =	vst v63  }
0x1e: {  	_ =	swait.ge [sflag:s24], $0x2800  }
0x1f: {  	s28 =	sadd.s32 $0x1, s28;
	[sflag:s24] =	ssyncset.done $0x0  }
0x20: {  	p0 =	sne.s32 s28, s13;
	[sflag:s24] =	ssyncadd.s32 $0xFFFFD800  }
.Ltmp1:
0x21: {  	s0 =	sor.u32 $0x1C05, s6;
	[bflag:$0x0] =	sbarrier.arrive $0xFFFF;
	(pc) =	sbr.rel @!p0 .LBB2_5-.Ltmp1, $4  }
0x22: {  	[hbm:s12], [sflag:s0] =	dma.local [spmem:s17], $0x2780  }
0x23: {  	_ =	swait.ge [sflag:s24], $0x2780  }
0x24: {  	[sflag:s24] =	ssyncset.done $0x0  }
0x25: {  	[sflag:s24] =	ssyncadd.s32 $0xFFFFD880  }
.LBB2_1:
0x26: {  	[spmem:s17], [sflag:s7] =	dma.local [hbm:s5], $0x2780  }
0x27: {  	_ =	swait.ge [sflag:s18], $0x2780  }
0x28: {  	[sflag:s18] =	ssyncset.done $0x0  }
0x29: {  	[sflag:s18] =	ssyncadd.s32 $0xFFFFD880  }
0x2a: {  	[bflag:$0x0] =	sbarrier.arrive $0xFFFF  }
0x2b: {  	[tilespmem:s2], [sflag:$0x1] =	stream.linear.gather [hbm4b:s8+s2], $0x50, $0x38;
	[tilespmem:$0x18D00] =	vst v63  }
0x2c: {  	_ = 	snop  }
0x2d: {  	[tilespmem:s19], [sflag:$0x2] =	stream.linear.gather [hbm4b:s9+s2], $0x2800, $0x38;
	[tilespmem:$0x18D00] =	vst v63  }
0x2e: {  	_ = 	snop  }
0x2f: {  	[tilespmem:s20], [sflag:$0x3] =	stream.linear.gather [hbm4b:s10+s2], $0x50, $0x38;
	[tilespmem:$0x18D00] =	vst v63  }
0x30: {  	s29 =	smov.u32 s16;
	s30 =	smov.u32 s14;
	s31 =	simm.s32 $0x0  }
0x31: {  	[tilespmem:s21], [sflag:$0x4] =	stream.linear.gather [hbm4b:s11+s2], $0x2800, $0x38;
	[tilespmem:$0x18D00] =	vst v63  }
.LBB2_2:
0x32: {  	_ =	swait.ge [sflag:s18], $0x50  }
0x33: {  	[sflag:s18] =	ssyncset.done $0x0  }
0x34: {  	[sflag:s18] =	ssyncadd.s32 $0xFFFFFFB0  }
0x35: {  	_ =	swait.ge [sflag:s22], $0x2800  }
0x36: {  	[sflag:s22] =	ssyncset.done $0x0  }
0x37: {  	[sflag:s22] =	ssyncadd.s32 $0xFFFFD800  }
0x38: {  	[spmem:s1] =	stream.indirect.scatter.add.f32 [tilespmem:s19], [sflag:$0x5], $0x80, s2, s23, $0xb8;
	[tilespmem:$0x18D00] =	vst v63  }
0x39: {  	_ =	swait.ge [sflag:s24], $0x2800  }
0x3a: {  	s0 =	sshrl.u32 s29, $0x3;
	[sflag:s24] =	ssyncset.done $0x0  }
0x3b: {  	s0 =	sadd.s32 s4, s0;
	[sflag:s24] =	ssyncadd.s32 $0xFFFFD800  }
0x3c: {  	[tilespmem:s2], [sflag:$0x1] =	stream.linear.gather [hbm4b:s0+s2], $0x50, $0x38;
	[tilespmem:$0x18D00] =	vst v63  }
0x3d: {  	s0 =	sadd.s32 $0xFFFFFB00, s30  }
0x3e: {  	[tilespmem:s19], [sflag:$0x2] =	stream.linear.gather [hbm4b:s0+s2], $0x2800, $0x38;
	[tilespmem:$0x18D00] =	vst v63  }
0x3f: {  	_ =	swait.ge [sflag:s25], $0x50  }
0x40: {  	[sflag:s25] =	ssyncset.done $0x0  }
0x41: {  	[sflag:s25] =	ssyncadd.s32 $0xFFFFFFB0  }
0x42: {  	_ =	swait.ge [sflag:s26], $0x2800  }
0x43: {  	p0 =	seq.s32 s31, $0x4C4;
	[sflag:s26] =	ssyncset.done $0x0  }
.Ltmp2:
0x44: {  	[sflag:s26] =	ssyncadd.s32 $0xFFFFD800;
	(pc) =	sbr.rel @p0 .LBB2_4-.Ltmp2, $4  }
0x45: {  	[spmem:s1] =	stream.indirect.scatter.add.f32 [tilespmem:s21], [sflag:$0x5], $0x80, s20, s23, $0xb8;
	[tilespmem:$0x18D00] =	vst v63  }
0x46: {  	_ =	swait.ge [sflag:s24], $0x2800  }
0x47: {  	[sflag:s24] =	ssyncset.done $0x0  }
0x48: {  	[sflag:s24] =	ssyncadd.s32 $0xFFFFD800  }
.Ltmp3:
0x49: {  	s0 =	sadd.s32 s31, s15;
	(pc) =	sbr.rel .LBB2_2-.Ltmp3, $4  }
0x4a: {  	[tilespmem:s20], [sflag:$0x3] =	stream.linear.gather [hbm4b:s0+s2], $0x50, $0x38;
	[tilespmem:$0x18D00] =	vst v63  }
0x4b: {  	_ = 	snop  }
0x4c: {  	[tilespmem:s21], [sflag:$0x4] =	stream.linear.gather [hbm4b:s30+s2], $0x2800, $0x38;
	[tilespmem:$0x18D00] =	vst v63  }
0x4d: {  	s31 =	sadd.s32 $0x14, s31;
	s29 =	sadd.s32 $0xA0, s29;
	s30 =	sadd.s32 $0xA00, s30  }
.LBB2_5:
0x4e: {  	_ =	sfence.sel $0x180000  }
0x4f: {  	[bflag:$0x0] =	sbarrier.arrive $0xFFFF  }
0x50: {  	_ =	strace $0x9000004A  }
0x51: {  	[bflag:$0x2] =	sbarrier.arrive $0xFFFF  }
0x52: {  	p0 =	sne.s32 s3, $0x0;
	s0 =	rddreg [dreg:$0x3]  }
0x53: {  	s0 =	sadd.s32 @!p0 $0x100000, s0  }
0x54: {  	[sflag:s0] =	ssyncadd.tile.s32 @!p0 $0x1;
	_ =	shalt  }
.Lfunc_end2:
_tile_overlayer_lowered:
.L_overlay_start_2:
0x55: {  	(tag) =	ssettag $0x2  }
0x56: {  	s0 =	rddreg [dreg:$0x0];
	s2 =	stileid.u32  }
0x57: {  	s1 =	rddreg [dreg:$0x1];
	p0 =	sne.s32 s2, $0x0  }
0x58: {  	s3 =	rddreg [dreg:$0x2];
	[bflag:$0x3] =	sbarrier.arrive $0xFFFF;
	s2 =	simm.s32 @!p0 $0x1C05  }
0x59: {  	[timem:s3], [sflag:s2] =	dma.local @!p0 [hbm:s0], s1  }
0x5a: {  	s0 =	simm.s32 @!p0 $0x5  }
0x5b: {  	_ =	swait.ge @!p0 [sflag:s0], s1  }
0x5c: {  	s1 =	ssub.s32 @!p0 $0x0, s1;
	[sflag:s0] =	ssyncset.done @!p0 $0x0  }
0x5d: {  	[sflag:s0] =	ssyncadd.s32 @!p0 s1  }
0x5e: {  	[bflag:$0x3] =	sbarrier.arrive $0xFFFF  }
0x5f: {  	_ =	shalt  }

// kernel: kernel.17.cloned.1.call-start
scs
__scs_entry_jumppad:
0x0: {  	(pc) =	sbr.rel $0x88, $3  }
0x1: {  	(tag) =	ssettag $0x0;
	lr =	simm.s32 $0x1  }
0x2: {  	[smem:$0x3F7E] =	sst lr;
	_ =	strace $0xD0000000  }
0x3: {  	_ = 	snop  }
0x4: {  	_ = 	snop  }
0x5: {  	_ = 	snop  }
0x6: {  	_ = 	snop  }
0x7: {  	_ = 	snop  }
__scs_overlays_trampoline_lowered:
0x8: {  	[smem:$0x3F8D] =	sst s0  }
0x9: {  	[smem:$0x3F8E] =	sst s1  }
0xa: {  	[smem:$0x3F8F] =	sst s2  }
0xb: {  	[smem:$0x3F90] =	sst s3  }
0xc: {  	[smem:$0x3F91] =	sst s4  }
0xd: {  	[smem:$0x3F92] =	sst s5  }
0xe: {  	[smem:$0x3F93] =	sst s6  }
0xf: {  	[smem:$0x3F94] =	sst s7  }
0x10: {  	[smem:$0x3F95] =	sst s8  }
0x11: {  	[smem:$0x3F96] =	sst s9;
	s0 =	simm.s32 @!p0 $0x0  }
0x12: {  	s1 =	sld [smem:$0x3F7C];
	s0 =	simm.s32 @p0 $0x1  }
0x13: {  	[smem:$0x3F97] =	sst s0;
	s0 =	simm.s32 @!p1 $0x0  }
0x14: {  	s2 =	sld [smem:$0x3F7B];
	s0 =	simm.s32 @p1 $0x1  }
0x15: {  	[smem:$0x3F98] =	sst s0;
	s0 =	simm.s32 @!p2 $0x0  }
0x16: {  	s3 =	sld [smem:$0x3FDB];
	s0 =	simm.s32 @p2 $0x1  }
0x17: {  	s4 =	simm.s32 $0x1BF5;
	[smem:$0x3F9A] =	sst s0  }
0x18: {  	s0 =	sld [smem:$0x3F7D];
	_ =	swait.ge [sflag:s4], $0x0  }
0x19: {  	s7 =	sld [smem:$0x3F7E]  }
0x1a: {  	s8 =	sadd.s32 $0xFFFFE003, lr  }
0x1b: {  	s9 =	sadd.s32 $0xFFFFFEF7, lr;
	s5 =	simm.s32 $0xFFFFFFFF;
	p2 =	slt.u32 s8, $0xFFFFF086  }
0x1c: {  	p1 =	slt.u32 s9, $0xF7A;
	s5 =	simm.s32 @!p2 $0x0  }
0x1d: {  	s5 =	simm.s32 @p1 $0x1;
	p0 =	seq.s32 s7, s2  }
0x1e: {  	s7 =	smul.u32 @!p0 $0xF7A, s2;
	p2 =	seq.s32 @!p0 s5, $0x0  }
0x1f: {  	s9 =	smul.u32 $0xF7A, s1;
	s8 =	simm.s32 @!p0 $0x1BF5;
	p2 =	por !p2, p0  }
0x20: {  	[sflag:s8] =	ssyncset.s32 @!p0 $0xFFFFF086;
	s6 =	sadd.s32 @!p0 s3, s7;
	s7 =	simm.s32 @!p0 $0x108  }
0x21: {  	s3 =	sadd.s32 s3, s9;
	s6 =	sadd.s32 @!p0 $0x88, s6;
	s7 =	simm.s32 @p2 $0x1082  }
0x22: {  	[simem:s7], [sflag:s8] =	dma.local @!p0 [hbm:s6], $0xF7A  }
0x23: {  	s9 =	sor.u32 $0xD0000000, s2;
	s6 =	simm.s32 $0x108;
	_ =	swait.ge @!p0 [sflag:s8], $0x0  }
0x24: {  	s3 =	sadd.s32 $0x88, s3;
	s6 =	simm.s32 @!p1 $0x1082;
	[sflag:s4] =	ssyncset.s32 $0xFFFFF086  }
0x25: {  	[simem:s6], [sflag:s4] =	dma.local [hbm:s3], $0xF7A  }
0x26: {  	[smem:$0x3F7E] =	sst s1;
	(tag) =	ssettag s2;
	_ =	strace s9  }
0x27: {  	s1 =	sld [smem:$0x3F8E]  }
0x28: {  	s2 =	sld [smem:$0x3F8F]  }
0x29: {  	s4 =	sld [smem:$0x3F91]  }
0x2a: {  	p0 =	seq.s32 s5, $0x0;
	s5 =	sld [smem:$0x3F92]  }
0x2b: {  	s6 =	sld [smem:$0x3F93]  }
0x2c: {  	s7 =	sld [smem:$0x3F94]  }
0x2d: {  	s3 =	simm.s32 $0x108;
	s8 =	sld [smem:$0x3F95]  }
0x2e: {  	s3 =	simm.s32 @!p0 $0x1082;
	s9 =	sld [smem:$0x3F96]  }
0x2f: {  	lr =	sadd.s32 s0, s3;
	s0 =	sld [smem:$0x3F8D]  }
0x30: {  	s3 =	sld [smem:$0x3F90]  }
0x31: {  	[smem:$0x3F99] =	sst s10  }
0x32: {  	s10 =	sld [smem:$0x3F97];
	_ =	sdelay $0x3  }
0x33: {  	p0 =	seq.s32 s10, $0x1;
	s10 =	sld [smem:$0x3F99];
	_ =	sdelay $0x3  }
0x34: {  	[smem:$0x3F99] =	sst s10  }
0x35: {  	s10 =	sld [smem:$0x3F98];
	_ =	sdelay $0x3  }
0x36: {  	p1 =	seq.s32 s10, $0x1;
	s10 =	sld [smem:$0x3F99];
	_ =	sdelay $0x3  }
0x37: {  	[smem:$0x3F99] =	sst s10  }
0x38: {  	s10 =	sld [smem:$0x3F9A]  }
0x39: {  	_ = 	snop;
	(pc) =	sbr.ind lr, $3  }
0x3a: {  	_ = 	snop  }
0x3b: {  	_ = 	snop  }
0x3c: {  	p2 =	seq.s32 s10, $0x1;
	s10 =	sld [smem:$0x3F99]  }
0x3d: {  	_ =	shalt  }
0x3e: {  	_ =	shalt  }
0x3f: {  	_ =	shalt  }
0x40: {  	_ =	shalt  }
0x41: {  	_ =	shalt  }
0x42: {  	_ =	shalt  }
0x43: {  	_ =	shalt  }
0x44: {  	_ =	shalt  }
0x45: {  	_ =	shalt  }
0x46: {  	_ =	shalt  }
0x47: {  	_ =	shalt  }
0x48: {  	_ =	shalt  }
0x49: {  	_ =	shalt  }
0x4a: {  	_ =	shalt  }
0x4b: {  	_ =	shalt  }
0x4c: {  	_ =	shalt  }
0x4d: {  	_ =	shalt  }
0x4e: {  	_ =	shalt  }
0x4f: {  	_ =	shalt  }
0x50: {  	_ =	shalt  }
0x51: {  	_ =	shalt  }
0x52: {  	_ =	shalt  }
0x53: {  	_ =	shalt  }
0x54: {  	_ =	shalt  }
0x55: {  	_ =	shalt  }
0x56: {  	_ =	shalt  }
0x57: {  	_ =	shalt  }
0x58: {  	_ =	shalt  }
0x59: {  	_ =	shalt  }
0x5a: {  	_ =	shalt  }
0x5b: {  	_ =	shalt  }
0x5c: {  	_ =	shalt  }
0x5d: {  	_ =	shalt  }
0x5e: {  	_ =	shalt  }
0x5f: {  	_ =	shalt  }
0x60: {  	_ =	shalt  }
0x61: {  	_ =	shalt  }
0x62: {  	_ =	shalt  }
0x63: {  	_ =	shalt  }
0x64: {  	_ =	shalt  }
0x65: {  	_ =	shalt  }
0x66: {  	_ =	shalt  }
0x67: {  	_ =	shalt  }
0x68: {  	_ =	shalt  }
0x69: {  	_ =	shalt  }
0x6a: {  	_ =	shalt  }
0x6b: {  	_ =	shalt  }
0x6c: {  	_ =	shalt  }
0x6d: {  	_ =	shalt  }
0x6e: {  	_ =	shalt  }
0x6f: {  	_ =	shalt  }
0x70: {  	_ =	shalt  }
0x71: {  	_ =	shalt  }
0x72: {  	_ =	shalt  }
0x73: {  	_ =	shalt  }
0x74: {  	_ =	shalt  }
0x75: {  	_ =	shalt  }
0x76: {  	_ =	shalt  }
0x77: {  	_ =	shalt  }
0x78: {  	_ =	shalt  }
0x79: {  	_ =	shalt  }
0x7a: {  	_ =	shalt  }
0x7b: {  	_ =	shalt  }
0x7c: {  	_ =	shalt  }
0x7d: {  	_ =	shalt  }
0x7e: {  	_ =	shalt  }
0x7f: {  	_ =	shalt  }
0x80: {  	_ =	shalt  }
0x81: {  	_ =	shalt  }
0x82: {  	_ =	shalt  }
0x83: {  	_ =	shalt  }
0x84: {  	_ =	shalt  }
0x85: {  	_ =	shalt  }
0x86: {  	_ =	shalt  }
0x87: {  	_ =	shalt  }
.Lfunc_end0:
.L_simem_size_0:
called_computation.2_lowered:
.L_overlay_start_0:
0x88: {  	s2 =	sld [smem:$0x3FD9]  }
0x89: {  	s3 =	sld [smem:$0x3FFE];
	_ =	sdelay $0x1  }
0x8a: {  	s1 =	srdreg.scid  }
0x8b: {  	s0 =	sand.u32 $0x1, s1  }
0x8c: {  	s14 =	sshll.u32 s0, $0xA;
	s2 =	sadd.s32 s3, s2  }
0x8d: {  	s2 =	sadd.s32 s2, s14  }
0x8e: {  	[smem:$0x3FA5] =	sst s2  }
0x8f: {  	_ = 	snop  }
0x90: {  	s2 =	sld [smem:$0x3FD0];
	_ =	sdelay $0x2  }
0x91: {  	s15 =	simm.s32 $0xA;
	s4 =	simm.s32 $0x10  }
0x92: {  	[smem:s4], [sflag:s15] =	dma.local [hbm:s2], $0x1  }
0x93: {  	_ =	swait.eq [sflag:s15], $0x1  }
0x94: {  	[sflag:s15] =	ssyncset.done $0x0  }
0x95: {  	[sflag:s15] =	ssyncadd.s32 $0xFFFFFFFF  }
0x96: {  	s16 =	sld [smem:$0x11];
	(tm) =	ssettm $0x1  }
0x97: {  	s17 =	sld [smem:$0x3FFB];
	_ =	sdelay $0x3  }
0x98: {  	_ =	strace s17  }
0x99: {  	s3 =	sld [smem:$0x3FFC];
	_ =	sdelay $0x3  }
0x9a: {  	_ =	strace s3  }
0x9b: {  	s3 =	sld [smem:$0x3FFD];
	_ =	sdelay $0x3  }
0x9c: {  	_ =	strace s3  }
0x9d: {  	_ =	strace $0x8FFFFFFF  }
0x9e: {  	s18 =	sld [smem:$0x3FDB];
	_ =	sdelay $0x1  }
0x9f: {  	s19 =	simm.s32 $_scs_section_size  }
0xa0: {  	s5 =	simm.s32 $_size__tile_overlayer_lowered;
	s6 =	simm.s32 $_tile_overlayer_lowered  }
0xa1: {  	s22 =	simm.s32 $0x1BFF;
	s21 =	sshll.u32 s6, $0x1;
	s3 =	sadd.s32 s19, s18  }
0xa2: {  	s7 =	simm.s32 $0x0;
	s20 =	sshll.u32 s5, $0x1;
	s5 =	sadd.s32 s21, s3  }
0xa3: {  	[timem:s7], [sflag:s22] =	dma.local [hbm:s5], s20  }
0xa4: {  	_ =	swait.ge [sflag:s22], s20  }
0xa5: {  	s4 =	ssub.s32 $0x0, s20;
	[sflag:s22] =	ssyncset.done $0x0  }
0xa6: {  	[sflag:s22] =	ssyncadd.s32 s4;
	_ =	sdelay $0x1  }
0xa7: {  	s23 =	simm.s32 $0x1B8B  }
0xa8: {  	_ =	swait.ge [sflag:s23], $0x1  }
0xa9: {  	[sflag:s23] =	ssyncset.done $0x0  }
0xaa: {  	s25 =	simm.s32 $0x1B8E;
	s24 =	sld [smem:$0x3FFE];
	[sflag:s23] =	ssyncadd.s32 $0xFFFFFFFF  }
0xab: {  	s26 =	simm.s32 $execute0_lowered;
	[smem:$0x3FD2] =	sst s25  }
0xac: {  	s5 =	sshll.u32 s26, $0x1;
	_ =	strace $0x8000004C;
	[dreg:$0x1] =	wrdreg $0xFFFFFFFF  }
0xad: {  	s28 =	simm.s32 $_size_execute0_lowered;
	s3 =	sadd.s32 s3, s5;
	[dreg:$0x0] =	wrdreg $0x0  }
0xae: {  	s5 =	sshll.u32 s28, $0x1;
	[dreg:$0x2] =	wrdreg s3  }
0xaf: {  	[dreg:$0x3] =	wrdreg s5  }
0xb0: {  	[dreg:$0x4] =	wrdreg $0xC0  }
0xb1: {  	_ =	task [dreg:s7], $0x5FFFF  }
0xb2: {  	[dreg:$0x1] =	wrdreg $0xFFFFFFFF  }
0xb3: {  	[dreg:$0x0] =	wrdreg $0x60  }
0xb4: {  	[dreg:$0x2] =	wrdreg s16  }
0xb5: {  	[dreg:$0x3] =	wrdreg s24  }
0xb6: {  	[dreg:$0x4] =	wrdreg $0x9  }
0xb7: {  	_ =	task.clear_ibuf [dreg:s7], $0x5FFFF;
	_ =	strace $0x9000004C  }
0xb8: {  	s29 =	simm.s32 $0x9;
	_ =	strace $0x8000004E  }
0xb9: {  	_ =	swait.ge [sflag:s29], $0x1  }
0xba: {  	[sflag:s29] =	ssyncadd.s32 $0xFFFFFFFF  }
0xbb: {  	_ =	strace $0x9000004E  }
0xbc: {  	_ =	sfence  }
0xbd: {  	s30 =	sld [smem:$0x0];
	_ =	sdelay $0x2  }
0xbe: {  	s31 =	sshll.u32 s1, $0xD;
	s1 =	sshrl.u32 s1, $0x2  }
0xbf: {  	s3 =	sand.u32 $0x4000, s31;
	s1 =	sadd.s32 s1, s30  }
0xc0: {  	s0 =	sor.u32 s3, s0;
	s1 =	sshll.u32 s1, $0x11  }
0xc1: {  	s0 =	sor.u32 s1, s0  }
0xc2: {  	s0 =	sadd.s32 $0x8F2B, s0  }
0xc3: {  	[sflag:s0] =	ssyncadd.remote.s32 $0x1  }
0xc4: {  	_ =	sfence.sel $0xFFFF  }
0xc5: {  	[dreg:$0x0] =	wrdreg $0xFFFFFFFF;
	(pc) =	sbr.abs _section_cstart, $3  }
0xc6: {  	[dreg:$0x1] =	wrdreg $0xFFFFFFFF  }
0xc7: {  	_ =	task.clear_ibuf [dreg:s7], $0x2FFFF;
	_ =	strace $0x9FFFFFFF  }
0xc8: {  	(tm) =	ssettm $0x7FFFFFFF  }
0xc9: {  	_ =	shalt  }
tec
execute0_lowered:
.L_overlay_start_1:
0x0: {  	(tag) =	ssettag $0x1  }
0x1: {  	s1 =	rddreg [dreg:$0x0]  }
0x2: {  	s0 =	rddreg [dreg:$0x1]  }
0x3: {  	s3 =	simm.s32 $0x0;
	s2 =	srdreg.scid;
	s4 =	stileid.u32  }
0x4: {  	s16 =	simm.s32 $0x7;
	s17 =	simm.s32 $0x80;
	s18 =	simm.s32 $0x50  }
0x5: {  	s19 =	simm.s32 $0x200;
	s20 =	simm.s32 $0x2A00;
	s21 =	simm.s32 $0x100  }
0x6: {  	s28 =	simm.s32 $0x5;
	s29 =	simm.s32 $0x3;
	s30 =	simm.s32 $0x4  }
0x7: {  	s31 =	simm.s32 $0x6;
	[smem:$0x7FF] =	sst s3;
	s2 =	sand.u32 $0x1, s2  }
0x8: {  	s4 =	sshll.u32 s4, $0x1;
	s6 =	sadd.s32 $0x7E00, s0;
	s7 =	sadd.s32 $0x11C00, s0  }
0x9: {  	s8 =	sadd.s32 $0x527400, s0;
	s5 =	sor.u32 s2, s4;
	s2 =	ssub.s32 $0x2, s2  }
0xa: {  	_ =	strace $0x8000004D;
	s5 =	smul.u32 $0x2710, s5;
	s9 =	sshrl.u32 s2, $0x1  }
0xb: {  	s4 =	sadd.s32 $0x500200, s0;
	s0 =	simm.s32 $0x0;
	s22 =	ssub.s32 s2, s9  }
0xc: {  	s23 =	sshrl.u32 s5, $0x3;
	s13 =	sadd.s32 $0xA0, s5;
	s14 =	sadd.s32 $0xF0, s5  }
.Ltmp0:
0xd: {  	s15 =	smax.u32 s22, $0x1;
	s24 =	sadd.s32 s7, s23;
	(pc) =	sbr.rel .LBB2_1-.Ltmp0, $4  }
0xe: {  	s25 =	sadd.s32 s6, s23;
	s2 =	sadd.s32 $0xA, s23;
	[dreg:$0x3] =	wrdreg s24  }
0xf: {  	s22 =	simm.s32 $0x180;
	[dreg:$0x4] =	wrdreg s25;
	s26 =	sadd.s32 s7, s2  }
0x10: {  	s23 =	simm.s32 $0x5200;
	s2 =	sadd.s32 s6, s2;
	[dreg:$0x5] =	wrdreg s26  }
0x11: {  	s25 =	simm.s32 $0x1;
	[dreg:$0x6] =	wrdreg s2;
	s26 =	simm.s32 $0x2  }
.LBB2_5:
0x12: {  	_ =	swait.ge [sflag:s28], $0x2800  }
0x13: {  	[sflag:s28] =	ssyncset.done $0x0  }
0x14: {  	[sflag:s28] =	ssyncadd.s32 $0xFFFFD800  }
.LBB2_11:
0x15: {  	s0 =	sadd.s32 $0x1, s0  }
0x16: {  	p0 =	sne.s32 s0, s15  }
.Ltmp1:
0x17: {  	_ = 	snop;
	(pc) =	sbr.rel @!p0 .LBB2_12-.Ltmp1, $1  }
0x18: {  	_ =	sdelay $0x3  }
.LBB2_1:
0x19: {  	s2 =	rddreg [dreg:$0x3]  }
0x1a: {  	[tilespmem:s3], [sflag:$0x7] =	stream.linear.gather [hbm4b:s2+s3], $0x50, $0x38;
	[tilespmem:$0xA200] =	vst v63  }
0x1b: {  	_ =	swait.ge [sflag:s16], $0x50  }
0x1c: {  	[sflag:s16] =	ssyncset.done $0x0  }
0x1d: {  	s10 =	rddreg [dreg:$0x4];
	[sflag:s16] =	ssyncadd.s32 $0xFFFFFFB0  }
0x1e: {  	[tilespmem:s17], [sflag:$0x7] =	stream.linear.gather [hbm4b:s10+s3], $0x50, $0x38;
	[tilespmem:$0xA200] =	vst v63  }
0x1f: {  	_ =	swait.ge [sflag:s16], $0x50  }
0x20: {  	[sflag:s16] =	ssyncset.done $0x0  }
0x21: {  	[sflag:s16] =	ssyncadd.s32 $0xFFFFFFB0  }
0x22: {  	[tilespmem:s19], [sflag:$0x1] =	stream.indirect.gather [hbm4b:s1+s18], $0x80, s3, s18, $0xb8;
	[tilespmem:$0xA200] =	vst v63  }
0x23: {  	_ = 	snop  }
0x24: {  	[tilespmem:s20], [sflag:$0x2] =	stream.indirect.gather [hbm4b:s4+s18], $0x80, s17, s18, $0xb8;
	[tilespmem:$0xA200] =	vst v63  }
0x25: {  	s11 =	rddreg [dreg:$0x5]  }
0x26: {  	[tilespmem:s21], [sflag:$0x7] =	stream.linear.gather [hbm4b:s11+s3], $0x50, $0x38;
	[tilespmem:$0xA200] =	vst v63  }
0x27: {  	_ =	swait.ge [sflag:s16], $0x50  }
0x28: {  	[sflag:s16] =	ssyncset.done $0x0  }
0x29: {  	s12 =	rddreg [dreg:$0x6];
	[sflag:s16] =	ssyncadd.s32 $0xFFFFFFB0  }
0x2a: {  	[tilespmem:s22], [sflag:$0x7] =	stream.linear.gather [hbm4b:s12+s3], $0x50, $0x38;
	[tilespmem:$0xA200] =	vst v63  }
0x2b: {  	_ =	swait.ge [sflag:s16], $0x50  }
.Ltmp2:
0x2c: {  	[sflag:s16] =	ssyncset.done $0x0;
	(pc) =	sbr.rel .LBB2_2-.Ltmp2, $4  }
0x2d: {  	[sflag:s16] =	ssyncadd.s32 $0xFFFFFFB0  }
0x2e: {  	[tilespmem:s23], [sflag:$0x3] =	stream.indirect.gather [hbm4b:s1+s18], $0x80, s21, s18, $0xb8;
	[tilespmem:$0xA200] =	vst v63  }
0x2f: {  	s24 =	simm.s32 $0x7A00;
	s2 =	simm.s32 $0x0  }
0x30: {  	[tilespmem:s24], [sflag:$0x4] =	stream.indirect.gather [hbm4b:s4+s18], $0x80, s22, s18, $0xb8;
	[tilespmem:$0xA200] =	vst v63  }
.LBB2_10:
0x31: {  	s2 =	sadd.s32 $0x1, s2  }
0x32: {  	p0 =	sne.s32 s2, $0x3F  }
.Ltmp3:
0x33: {  	_ = 	snop;
	(pc) =	sbr.rel @!p0 .LBB2_11-.Ltmp3, $1  }
0x34: {  	_ =	sdelay $0x3  }
.LBB2_2:
0x35: {  	_ =	swait.ge [sflag:s25], $0x2800  }
0x36: {  	[sflag:s25] =	ssyncset.done $0x0  }
0x37: {  	[sflag:s25] =	ssyncadd.s32 $0xFFFFD800  }
0x38: {  	_ =	swait.ge [sflag:s26], $0x2800  }
0x39: {  	[sflag:s26] =	ssyncset.done $0x0  }
0x3a: {  	s9 =	simm.s32 $0x0;
	[sflag:s26] =	ssyncadd.s32 $0xFFFFD800  }
0x3b: {  	v6 =	vld [tilespmem:s9+$0x2A00]  }
0x3c: {  	v11 =	vld [tilespmem:s9+$0x2A10]  }
0x3d: {  	v5 =	vld [tilespmem:s9+$0x2A20]  }
0x3e: {  	v4 =	vld [tilespmem:s9+$0x2A30]  }
0x3f: {  	v3 =	vld [tilespmem:s9+$0x2A40]  }
0x40: {  	v2 =	vld [tilespmem:s9+$0x2A50]  }
0x41: {  	v1 =	vld [tilespmem:s9+$0x2A60]  }
0x42: {  	v0 =	vld [tilespmem:s9+$0x2A70]  }
0x43: {  	v12 =	vld [tilespmem:s9+$0x200]  }
0x44: {  	v13 =	vld [tilespmem:s9+$0x210]  }
0x45: {  	v10 =	vld [tilespmem:s9+$0x220]  }
0x46: {  	v9 =	vld [tilespmem:s9+$0x230]  }
0x47: {  	v8 =	vld [tilespmem:s9+$0x240]  }
0x48: {  	v7 =	vld [tilespmem:s9+$0x250];
	v12 =	vadd.f32 v6, v12  }
0x49: {  	s10 =	simm.s32 $0x200;
	v11 =	vadd.f32 v11, v13;
	v6 =	vld [tilespmem:s9+$0x260]  }
.LBB2_3:
0x4a: {  	s11 =	sshra.s32 s10, $0x2;
	p0 =	sne.s32 s10, $0x9E00;
	[tilespmem:s9+$0x200] =	vst v12;
	v5 =	vadd.f32 v5, v10;
	v10 =	vld [tilespmem:s9+$0x270]  }
0x4b: {  	v12 =	vld [tilespmem:s11+$0x2A00];
	[tilespmem:s9+$0x210] =	vst v11;
	v4 =	vadd.f32 v4, v9  }
0x4c: {  	v11 =	vld [tilespmem:s11+$0x2A10];
	[tilespmem:s9+$0x220] =	vst v5;
	v3 =	vadd.f32 v3, v8  }
0x4d: {  	v5 =	vld [tilespmem:s11+$0x2A20];
	[tilespmem:s9+$0x230] =	vst v4;
	v2 =	vadd.f32 v2, v7  }
0x4e: {  	v4 =	vld [tilespmem:s11+$0x2A30];
	[tilespmem:s9+$0x240] =	vst v3;
	v1 =	vadd.f32 v1, v6  }
0x4f: {  	v3 =	vld [tilespmem:s11+$0x2A40];
	[tilespmem:s9+$0x250] =	vst v2;
	v0 =	vadd.f32 v0, v10  }
0x50: {  	v2 =	vld [tilespmem:s11+$0x2A50];
	[tilespmem:s9+$0x260] =	vst v1  }
0x51: {  	v1 =	vld [tilespmem:s11+$0x2A60];
	[tilespmem:s9+$0x270] =	vst v0;
	s9 =	smov.u32 s11  }
0x52: {  	v0 =	vld [tilespmem:s9+$0x2A70]  }
0x53: {  	v6 =	vld [tilespmem:s9+$0x200]  }
0x54: {  	v13 =	vld [tilespmem:s9+$0x210]  }
.Ltmp4:
0x55: {  	v10 =	vld [tilespmem:s9+$0x220];
	(pc) =	sbr.rel @p0 .LBB2_3-.Ltmp4, $4  }
0x56: {  	v9 =	vld [tilespmem:s9+$0x230]  }
0x57: {  	v8 =	vld [tilespmem:s9+$0x240]  }
0x58: {  	v12 =	vadd.f32 v12, v6;
	v7 =	vld [tilespmem:s9+$0x250]  }
0x59: {  	s10 =	sadd.s32 $0x200, s10;
	v11 =	vadd.f32 v11, v13;
	v6 =	vld [tilespmem:s9+$0x260]  }
0x5a: {  	[tilespmem:s9+$0x200] =	vst v12;
	v5 =	vadd.f32 v5, v10;
	v63 =	vld [tilespmem:s9+$0x270]  }
0x5b: {  	[tilespmem:s9+$0x210] =	vst v11;
	v4 =	vadd.f32 v4, v9  }
0x5c: {  	[tilespmem:s9+$0x220] =	vst v5;
	v3 =	vadd.f32 v3, v8  }
0x5d: {  	s24 =	smul.u32 $0xA0, s2;
	p0 =	sne.s32 s2, $0x3E;
	[tilespmem:s9+$0x230] =	vst v4;
	v2 =	vadd.f32 v2, v7  }
.Ltmp5:
0x5e: {  	[tilespmem:s9+$0x240] =	vst v3;
	v1 =	vadd.f32 v1, v6;
	(pc) =	sbr.rel @!p0 .LBB2_5-.Ltmp5, $4  }
0x5f: {  	s10 =	sadd.s32 s5, s24;
	[tilespmem:s9+$0x250] =	vst v2;
	v0 =	vadd.f32 v0, v63  }
0x60: {  	s10 =	sshll.u32 s10, $0x4;
	[tilespmem:s9+$0x260] =	vst v1  }
0x61: {  	s12 =	sadd.s32 s8, s10;
	[tilespmem:s9+$0x270] =	vst v0  }
0x62: {  	[hbm4b:s12+s3] =	stream.linear.scatter [tilespmem:s19], [sflag:$0x5], $0x2800, $0x38;
	[tilespmem:$0xA200] =	vst v63  }
0x63: {  	_ =	swait.ge [sflag:s28], $0x2800;
	s9 =	sadd.s32 s24, s13  }
0x64: {  	[sflag:s28] =	ssyncset.done $0x0;
	s9 =	sshrl.u32 s9, $0x3  }
0x65: {  	[sflag:s28] =	ssyncadd.s32 $0xFFFFD800;
	s10 =	sadd.s32 s7, s9  }
0x66: {  	[tilespmem:s3], [sflag:$0x7] =	stream.linear.gather [hbm4b:s10+s3], $0x50, $0x38;
	[tilespmem:$0xA200] =	vst v63  }
0x67: {  	_ =	swait.ge [sflag:s16], $0x50  }
0x68: {  	[sflag:s16] =	ssyncset.done $0x0  }
0x69: {  	s9 =	sadd.s32 s6, s9;
	[sflag:s16] =	ssyncadd.s32 $0xFFFFFFB0  }
0x6a: {  	[tilespmem:s17], [sflag:$0x7] =	stream.linear.gather [hbm4b:s9+s3], $0x50, $0x38;
	[tilespmem:$0xA200] =	vst v63  }
0x6b: {  	s9 =	sshllo.u32 s2, $0x1  }
0x6c: {  	_ =	swait.ge [sflag:s16], $0x50;
	p0 =	sgt.u32 s9, $0x7C  }
.Ltmp6:
0x6d: {  	[sflag:s16] =	ssyncset.done $0x0;
	(pc) =	sbr.rel @p0 .LBB2_10-.Ltmp6, $4  }
0x6e: {  	[sflag:s16] =	ssyncadd.s32 $0xFFFFFFB0  }
0x6f: {  	[tilespmem:s19], [sflag:$0x1] =	stream.indirect.gather [hbm4b:s1+s18], $0x80, s3, s18, $0xb8;
	[tilespmem:$0xA200] =	vst v63  }
0x70: {  	_ = 	snop  }
0x71: {  	[tilespmem:s20], [sflag:$0x2] =	stream.indirect.gather [hbm4b:s4+s18], $0x80, s17, s18, $0xb8;
	[tilespmem:$0xA200] =	vst v63  }
0x72: {  	_ =	swait.ge [sflag:s29], $0x2800  }
0x73: {  	[sflag:s29] =	ssyncset.done $0x0  }
0x74: {  	[sflag:s29] =	ssyncadd.s32 $0xFFFFD800  }
0x75: {  	_ =	swait.ge [sflag:s30], $0x2800  }
0x76: {  	[sflag:s30] =	ssyncset.done $0x0  }
0x77: {  	s10 =	simm.s32 $0x0;
	[sflag:s30] =	ssyncadd.s32 $0xFFFFD800  }
0x78: {  	v6 =	vld [tilespmem:s10+$0x7A00]  }
0x79: {  	v11 =	vld [tilespmem:s10+$0x7A10]  }
0x7a: {  	v5 =	vld [tilespmem:s10+$0x7A20]  }
0x7b: {  	v4 =	vld [tilespmem:s10+$0x7A30]  }
0x7c: {  	v3 =	vld [tilespmem:s10+$0x7A40]  }
0x7d: {  	v2 =	vld [tilespmem:s10+$0x7A50]  }
0x7e: {  	v1 =	vld [tilespmem:s10+$0x7A60]  }
0x7f: {  	v0 =	vld [tilespmem:s10+$0x7A70]  }
0x80: {  	v12 =	vld [tilespmem:s10+$0x5200]  }
0x81: {  	v13 =	vld [tilespmem:s10+$0x5210]  }
0x82: {  	v10 =	vld [tilespmem:s10+$0x5220]  }
0x83: {  	v9 =	vld [tilespmem:s10+$0x5230]  }
0x84: {  	v8 =	vld [tilespmem:s10+$0x5240]  }
0x85: {  	v7 =	vld [tilespmem:s10+$0x5250];
	v12 =	vadd.f32 v6, v12  }
0x86: {  	s11 =	simm.s32 $0x200;
	v11 =	vadd.f32 v11, v13;
	v6 =	vld [tilespmem:s10+$0x5260]  }
.LBB2_8:
0x87: {  	s12 =	sshra.s32 s11, $0x2;
	p0 =	sne.s32 s11, $0x9E00;
	[tilespmem:s10+$0x5200] =	vst v12;
	v5 =	vadd.f32 v5, v10;
	v10 =	vld [tilespmem:s10+$0x5270]  }
0x88: {  	v12 =	vld [tilespmem:s12+$0x7A00];
	[tilespmem:s10+$0x5210] =	vst v11;
	v4 =	vadd.f32 v4, v9  }
0x89: {  	v11 =	vld [tilespmem:s12+$0x7A10];
	[tilespmem:s10+$0x5220] =	vst v5;
	v3 =	vadd.f32 v3, v8  }
0x8a: {  	v5 =	vld [tilespmem:s12+$0x7A20];
	[tilespmem:s10+$0x5230] =	vst v4;
	v2 =	vadd.f32 v2, v7  }
0x8b: {  	v4 =	vld [tilespmem:s12+$0x7A30];
	[tilespmem:s10+$0x5240] =	vst v3;
	v1 =	vadd.f32 v1, v6  }
0x8c: {  	v3 =	vld [tilespmem:s12+$0x7A40];
	[tilespmem:s10+$0x5250] =	vst v2;
	v0 =	vadd.f32 v0, v10  }
0x8d: {  	v2 =	vld [tilespmem:s12+$0x7A50];
	[tilespmem:s10+$0x5260] =	vst v1  }
0x8e: {  	v1 =	vld [tilespmem:s12+$0x7A60];
	[tilespmem:s10+$0x5270] =	vst v0;
	s10 =	smov.u32 s12  }
0x8f: {  	v0 =	vld [tilespmem:s10+$0x7A70]  }
0x90: {  	v6 =	vld [tilespmem:s10+$0x5200]  }
0x91: {  	v13 =	vld [tilespmem:s10+$0x5210]  }
.Ltmp7:
0x92: {  	v10 =	vld [tilespmem:s10+$0x5220];
	(pc) =	sbr.rel @p0 .LBB2_8-.Ltmp7, $4  }
0x93: {  	v9 =	vld [tilespmem:s10+$0x5230]  }
0x94: {  	v8 =	vld [tilespmem:s10+$0x5240]  }
0x95: {  	v12 =	vadd.f32 v12, v6;
	v7 =	vld [tilespmem:s10+$0x5250]  }
0x96: {  	s11 =	sadd.s32 $0x200, s11;
	v11 =	vadd.f32 v11, v13;
	v6 =	vld [tilespmem:s10+$0x5260]  }
0x97: {  	[tilespmem:s10+$0x5200] =	vst v12;
	v5 =	vadd.f32 v5, v10;
	v63 =	vld [tilespmem:s10+$0x5270]  }
0x98: {  	[tilespmem:s10+$0x5210] =	vst v11;
	v4 =	vadd.f32 v4, v9  }
0x99: {  	[tilespmem:s10+$0x5220] =	vst v5;
	v3 =	vadd.f32 v3, v8  }
0x9a: {  	s9 =	smul.u32 $0x50, s9;
	[tilespmem:s10+$0x5230] =	vst v4;
	v2 =	vadd.f32 v2, v7  }
0x9b: {  	[tilespmem:s10+$0x5240] =	vst v3;
	v1 =	vadd.f32 v1, v6  }
0x9c: {  	s9 =	sadd.s32 s5, s9;
	[tilespmem:s10+$0x5250] =	vst v2;
	v0 =	vadd.f32 v0, v63  }
0x9d: {  	s9 =	sshll.u32 s9, $0x4;
	[tilespmem:s10+$0x5260] =	vst v1  }
0x9e: {  	p0 =	sgt.u32 s2, $0x3C;
	s9 =	sadd.s32 s8, s9;
	[tilespmem:s10+$0x5270] =	vst v0  }
0x9f: {  	[hbm4b:s9+s3] =	stream.linear.scatter [tilespmem:s23], [sflag:$0x6], $0x2800, $0x38;
	[tilespmem:$0xA200] =	vst v63  }
0xa0: {  	s9 =	sadd.s32 @!p0 s24, s14;
	_ =	swait.ge [sflag:s31], $0x2800  }
0xa1: {  	s11 =	simm.s32 @!p0 $0x0;
	s9 =	sshrl.u32 @!p0 s9, $0x3;
	[sflag:s31] =	ssyncset.done $0x0  }
0xa2: {  	s12 =	simm.s32 @!p0 $0x100;
	s10 =	sadd.s32 @!p0 s7, s9;
	[sflag:s31] =	ssyncadd.s32 $0xFFFFD800  }
0xa3: {  	[tilespmem:s12], [sflag:$0x7] =	stream.linear.gather @!p0 [hbm4b:s10+s11], $0x50, $0x38;
	[tilespmem:$0xA200] =	vst v63  }
0xa4: {  	s10 =	simm.s32 @!p0 $0x7  }
0xa5: {  	_ =	swait.ge @!p0 [sflag:s10], $0x50  }
0xa6: {  	[sflag:s10] =	ssyncset.done @!p0 $0x0  }
0xa7: {  	s24 =	simm.s32 @!p0 $0x180;
	s9 =	sadd.s32 @!p0 s6, s9;
	[sflag:s10] =	ssyncadd.s32 @!p0 $0xFFFFFFB0  }
0xa8: {  	[tilespmem:s24], [sflag:$0x7] =	stream.linear.gather @!p0 [hbm4b:s9+s11], $0x50, $0x38;
	[tilespmem:$0xA200] =	vst v63  }
0xa9: {  	_ =	swait.ge @!p0 [sflag:s10], $0x50  }
.Ltmp8:
0xaa: {  	[sflag:s10] =	ssyncset.done @!p0 $0x0;
	(pc) =	sbr.rel .LBB2_10-.Ltmp8, $4  }
0xab: {  	s9 =	simm.s32 @!p0 $0x50;
	[sflag:s10] =	ssyncadd.s32 @!p0 $0xFFFFFFB0;
	s10 =	simm.s32 @!p0 $0x5200  }
0xac: {  	[tilespmem:s10], [sflag:$0x3] =	stream.indirect.gather @!p0 [hbm4b:s1+s9], $0x80, s12, s9, $0xb8;
	[tilespmem:$0xA200] =	vst v63  }
0xad: {  	s10 =	simm.s32 @!p0 $0x7A00  }
0xae: {  	[tilespmem:s10], [sflag:$0x4] =	stream.indirect.gather @!p0 [hbm4b:s4+s9], $0x80, s24, s9, $0xb8;
	[tilespmem:$0xA200] =	vst v63  }
.LBB2_12:
0xaf: {  	_ =	sfence.sel $0x180000  }
0xb0: {  	[bflag:$0x0] =	sbarrier.arrive $0xFFFF  }
0xb1: {  	_ =	strace $0x9000004D  }
0xb2: {  	s0 =	stileid.u32;
	[bflag:$0x2] =	sbarrier.arrive $0xFFFF  }
0xb3: {  	p0 =	sne.s32 s0, $0x0;
	s0 =	rddreg [dreg:$0x2]  }
0xb4: {  	s0 =	sadd.s32 @!p0 $0x100000, s0  }
0xb5: {  	[sflag:s0] =	ssyncadd.tile.s32 @!p0 $0x1;
	_ =	shalt  }
.Lfunc_end2:
_tile_overlayer_lowered:
.L_overlay_start_2:
0xb6: {  	(tag) =	ssettag $0x2  }
0xb7: {  	s0 =	rddreg [dreg:$0x0];
	s2 =	stileid.u32  }
0xb8: {  	s1 =	rddreg [dreg:$0x1];
	p0 =	sne.s32 s2, $0x0  }
0xb9: {  	s3 =	rddreg [dreg:$0x2];
	[bflag:$0x3] =	sbarrier.arrive $0xFFFF;
	s2 =	simm.s32 @!p0 $0x1C07  }
0xba: {  	[timem:s3], [sflag:s2] =	dma.local @!p0 [hbm:s0], s1  }
0xbb: {  	s0 =	simm.s32 @!p0 $0x7  }
0xbc: {  	_ =	swait.ge @!p0 [sflag:s0], s1  }
0xbd: {  	s1 =	ssub.s32 @!p0 $0x0, s1;
	[sflag:s0] =	ssyncset.done @!p0 $0x0  }
0xbe: {  	[sflag:s0] =	ssyncadd.s32 @!p0 s1  }
0xbf: {  	[bflag:$0x3] =	sbarrier.arrive $0xFFFF  }
0xc0: {  	_ =	shalt  }

// kernel: kernel.20.cloned.1.call-start
scs
__scs_entry_jumppad:
0x0: {  	(pc) =	sbr.rel $0x88, $3  }
0x1: {  	(tag) =	ssettag $0x0;
	lr =	simm.s32 $0x1  }
0x2: {  	[smem:$0x3F7E] =	sst lr;
	_ =	strace $0xD0000000  }
0x3: {  	_ = 	snop  }
0x4: {  	_ = 	snop  }
0x5: {  	_ = 	snop  }
0x6: {  	_ = 	snop  }
0x7: {  	_ = 	snop  }
__scs_overlays_trampoline_lowered:
0x8: {  	[smem:$0x3F8D] =	sst s0  }
0x9: {  	[smem:$0x3F8E] =	sst s1  }
0xa: {  	[smem:$0x3F8F] =	sst s2  }
0xb: {  	[smem:$0x3F90] =	sst s3  }
0xc: {  	[smem:$0x3F91] =	sst s4  }
0xd: {  	[smem:$0x3F92] =	sst s5  }
0xe: {  	[smem:$0x3F93] =	sst s6  }
0xf: {  	[smem:$0x3F94] =	sst s7  }
0x10: {  	[smem:$0x3F95] =	sst s8  }
0x11: {  	[smem:$0x3F96] =	sst s9;
	s0 =	simm.s32 @!p0 $0x0  }
0x12: {  	s1 =	sld [smem:$0x3F7C];
	s0 =	simm.s32 @p0 $0x1  }
0x13: {  	[smem:$0x3F97] =	sst s0;
	s0 =	simm.s32 @!p1 $0x0  }
0x14: {  	s2 =	sld [smem:$0x3F7B];
	s0 =	simm.s32 @p1 $0x1  }
0x15: {  	[smem:$0x3F98] =	sst s0;
	s0 =	simm.s32 @!p2 $0x0  }
0x16: {  	s3 =	sld [smem:$0x3FDB];
	s0 =	simm.s32 @p2 $0x1  }
0x17: {  	s4 =	simm.s32 $0x1BF5;
	[smem:$0x3F9A] =	sst s0  }
0x18: {  	s0 =	sld [smem:$0x3F7D];
	_ =	swait.ge [sflag:s4], $0x0  }
0x19: {  	s7 =	sld [smem:$0x3F7E]  }
0x1a: {  	s8 =	sadd.s32 $0xFFFFE003, lr  }
0x1b: {  	s9 =	sadd.s32 $0xFFFFFEF7, lr;
	s5 =	simm.s32 $0xFFFFFFFF;
	p2 =	slt.u32 s8, $0xFFFFF086  }
0x1c: {  	p1 =	slt.u32 s9, $0xF7A;
	s5 =	simm.s32 @!p2 $0x0  }
0x1d: {  	s5 =	simm.s32 @p1 $0x1;
	p0 =	seq.s32 s7, s2  }
0x1e: {  	s7 =	smul.u32 @!p0 $0xF7A, s2;
	p2 =	seq.s32 @!p0 s5, $0x0  }
0x1f: {  	s9 =	smul.u32 $0xF7A, s1;
	s8 =	simm.s32 @!p0 $0x1BF5;
	p2 =	por !p2, p0  }
0x20: {  	[sflag:s8] =	ssyncset.s32 @!p0 $0xFFFFF086;
	s6 =	sadd.s32 @!p0 s3, s7;
	s7 =	simm.s32 @!p0 $0x108  }
0x21: {  	s3 =	sadd.s32 s3, s9;
	s6 =	sadd.s32 @!p0 $0x88, s6;
	s7 =	simm.s32 @p2 $0x1082  }
0x22: {  	[simem:s7], [sflag:s8] =	dma.local @!p0 [hbm:s6], $0xF7A  }
0x23: {  	s9 =	sor.u32 $0xD0000000, s2;
	s6 =	simm.s32 $0x108;
	_ =	swait.ge @!p0 [sflag:s8], $0x0  }
0x24: {  	s3 =	sadd.s32 $0x88, s3;
	s6 =	simm.s32 @!p1 $0x1082;
	[sflag:s4] =	ssyncset.s32 $0xFFFFF086  }
0x25: {  	[simem:s6], [sflag:s4] =	dma.local [hbm:s3], $0xF7A  }
0x26: {  	[smem:$0x3F7E] =	sst s1;
	(tag) =	ssettag s2;
	_ =	strace s9  }
0x27: {  	s1 =	sld [smem:$0x3F8E]  }
0x28: {  	s2 =	sld [smem:$0x3F8F]  }
0x29: {  	s4 =	sld [smem:$0x3F91]  }
0x2a: {  	p0 =	seq.s32 s5, $0x0;
	s5 =	sld [smem:$0x3F92]  }
0x2b: {  	s6 =	sld [smem:$0x3F93]  }
0x2c: {  	s7 =	sld [smem:$0x3F94]  }
0x2d: {  	s3 =	simm.s32 $0x108;
	s8 =	sld [smem:$0x3F95]  }
0x2e: {  	s3 =	simm.s32 @!p0 $0x1082;
	s9 =	sld [smem:$0x3F96]  }
0x2f: {  	lr =	sadd.s32 s0, s3;
	s0 =	sld [smem:$0x3F8D]  }
0x30: {  	s3 =	sld [smem:$0x3F90]  }
0x31: {  	[smem:$0x3F99] =	sst s10  }
0x32: {  	s10 =	sld [smem:$0x3F97];
	_ =	sdelay $0x3  }
0x33: {  	p0 =	seq.s32 s10, $0x1;
	s10 =	sld [smem:$0x3F99];
	_ =	sdelay $0x3  }
0x34: {  	[smem:$0x3F99] =	sst s10  }
0x35: {  	s10 =	sld [smem:$0x3F98];
	_ =	sdelay $0x3  }
0x36: {  	p1 =	seq.s32 s10, $0x1;
	s10 =	sld [smem:$0x3F99];
	_ =	sdelay $0x3  }
0x37: {  	[smem:$0x3F99] =	sst s10  }
0x38: {  	s10 =	sld [smem:$0x3F9A]  }
0x39: {  	_ = 	snop;
	(pc) =	sbr.ind lr, $3  }
0x3a: {  	_ = 	snop  }
0x3b: {  	_ = 	snop  }
0x3c: {  	p2 =	seq.s32 s10, $0x1;
	s10 =	sld [smem:$0x3F99]  }
0x3d: {  	_ =	shalt  }
0x3e: {  	_ =	shalt  }
0x3f: {  	_ =	shalt  }
0x40: {  	_ =	shalt  }
0x41: {  	_ =	shalt  }
0x42: {  	_ =	shalt  }
0x43: {  	_ =	shalt  }
0x44: {  	_ =	shalt  }
0x45: {  	_ =	shalt  }
0x46: {  	_ =	shalt  }
0x47: {  	_ =	shalt  }
0x48: {  	_ =	shalt  }
0x49: {  	_ =	shalt  }
0x4a: {  	_ =	shalt  }
0x4b: {  	_ =	shalt  }
0x4c: {  	_ =	shalt  }
0x4d: {  	_ =	shalt  }
0x4e: {  	_ =	shalt  }
0x4f: {  	_ =	shalt  }
0x50: {  	_ =	shalt  }
0x51: {  	_ =	shalt  }
0x52: {  	_ =	shalt  }
0x53: {  	_ =	shalt  }
0x54: {  	_ =	shalt  }
0x55: {  	_ =	shalt  }
0x56: {  	_ =	shalt  }
0x57: {  	_ =	shalt  }
0x58: {  	_ =	shalt  }
0x59: {  	_ =	shalt  }
0x5a: {  	_ =	shalt  }
0x5b: {  	_ =	shalt  }
0x5c: {  	_ =	shalt  }
0x5d: {  	_ =	shalt  }
0x5e: {  	_ =	shalt  }
0x5f: {  	_ =	shalt  }
0x60: {  	_ =	shalt  }
0x61: {  	_ =	shalt  }
0x62: {  	_ =	shalt  }
0x63: {  	_ =	shalt  }
0x64: {  	_ =	shalt  }
0x65: {  	_ =	shalt  }
0x66: {  	_ =	shalt  }
0x67: {  	_ =	shalt  }
0x68: {  	_ =	shalt  }
0x69: {  	_ =	shalt  }
0x6a: {  	_ =	shalt  }
0x6b: {  	_ =	shalt  }
0x6c: {  	_ =	shalt  }
0x6d: {  	_ =	shalt  }
0x6e: {  	_ =	shalt  }
0x6f: {  	_ =	shalt  }
0x70: {  	_ =	shalt  }
0x71: {  	_ =	shalt  }
0x72: {  	_ =	shalt  }
0x73: {  	_ =	shalt  }
0x74: {  	_ =	shalt  }
0x75: {  	_ =	shalt  }
0x76: {  	_ =	shalt  }
0x77: {  	_ =	shalt  }
0x78: {  	_ =	shalt  }
0x79: {  	_ =	shalt  }
0x7a: {  	_ =	shalt  }
0x7b: {  	_ =	shalt  }
0x7c: {  	_ =	shalt  }
0x7d: {  	_ =	shalt  }
0x7e: {  	_ =	shalt  }
0x7f: {  	_ =	shalt  }
0x80: {  	_ =	shalt  }
0x81: {  	_ =	shalt  }
0x82: {  	_ =	shalt  }
0x83: {  	_ =	shalt  }
0x84: {  	_ =	shalt  }
0x85: {  	_ =	shalt  }
0x86: {  	_ =	shalt  }
0x87: {  	_ =	shalt  }
.Lfunc_end0:
.L_simem_size_0:
called_computation.3_lowered:
.L_overlay_start_0:
0x88: {  	s2 =	sld [smem:$0x3FD9]  }
0x89: {  	s3 =	sld [smem:$0x3FFE];
	_ =	sdelay $0x1  }
0x8a: {  	s1 =	srdreg.scid  }
0x8b: {  	s0 =	sand.u32 $0x1, s1  }
0x8c: {  	s14 =	sshll.u32 s0, $0xA;
	s2 =	sadd.s32 s3, s2  }
0x8d: {  	s2 =	sadd.s32 s2, s14  }
0x8e: {  	[smem:$0x3FA5] =	sst s2  }
0x8f: {  	_ = 	snop  }
0x90: {  	s2 =	sld [smem:$0x3FD0];
	_ =	sdelay $0x2  }
0x91: {  	s15 =	simm.s32 $0xA;
	s4 =	simm.s32 $0x10  }
0x92: {  	[smem:s4], [sflag:s15] =	dma.local [hbm:s2], $0x1  }
0x93: {  	_ =	swait.eq [sflag:s15], $0x1  }
0x94: {  	[sflag:s15] =	ssyncset.done $0x0  }
0x95: {  	[sflag:s15] =	ssyncadd.s32 $0xFFFFFFFF  }
0x96: {  	s16 =	sld [smem:$0x11];
	(tm) =	ssettm $0x1  }
0x97: {  	s17 =	sld [smem:$0x3FFB];
	_ =	sdelay $0x3  }
0x98: {  	_ =	strace s17  }
0x99: {  	s3 =	sld [smem:$0x3FFC];
	_ =	sdelay $0x3  }
0x9a: {  	_ =	strace s3  }
0x9b: {  	s3 =	sld [smem:$0x3FFD];
	_ =	sdelay $0x3  }
0x9c: {  	_ =	strace s3  }
0x9d: {  	_ =	strace $0x8FFFFFFF  }
0x9e: {  	s18 =	sld [smem:$0x3FDB];
	_ =	sdelay $0x1  }
0x9f: {  	s19 =	simm.s32 $_scs_section_size  }
0xa0: {  	s5 =	simm.s32 $_size__tile_overlayer_lowered;
	s6 =	simm.s32 $_tile_overlayer_lowered  }
0xa1: {  	s22 =	simm.s32 $0x1BFF;
	s21 =	sshll.u32 s6, $0x1;
	s3 =	sadd.s32 s19, s18  }
0xa2: {  	s7 =	simm.s32 $0x0;
	s20 =	sshll.u32 s5, $0x1;
	s5 =	sadd.s32 s21, s3  }
0xa3: {  	[timem:s7], [sflag:s22] =	dma.local [hbm:s5], s20  }
0xa4: {  	_ =	swait.ge [sflag:s22], s20  }
0xa5: {  	s4 =	ssub.s32 $0x0, s20;
	[sflag:s22] =	ssyncset.done $0x0  }
0xa6: {  	[sflag:s22] =	ssyncadd.s32 s4;
	_ =	sdelay $0x1  }
0xa7: {  	s23 =	simm.s32 $0x1B8B  }
0xa8: {  	_ =	swait.ge [sflag:s23], $0x1  }
0xa9: {  	[sflag:s23] =	ssyncset.done $0x0  }
0xaa: {  	s25 =	simm.s32 $0x1B8E;
	s24 =	sld [smem:$0x3FFE];
	[sflag:s23] =	ssyncadd.s32 $0xFFFFFFFF  }
0xab: {  	s26 =	simm.s32 $execute0_lowered;
	[smem:$0x3FD2] =	sst s25  }
0xac: {  	s5 =	sshll.u32 s26, $0x1;
	_ =	strace $0x8000004F;
	[dreg:$0x1] =	wrdreg $0xFFFFFFFF  }
0xad: {  	s28 =	simm.s32 $_size_execute0_lowered;
	s3 =	sadd.s32 s3, s5;
	[dreg:$0x0] =	wrdreg $0x0  }
0xae: {  	s5 =	sshll.u32 s28, $0x1;
	[dreg:$0x2] =	wrdreg s3  }
0xaf: {  	[dreg:$0x3] =	wrdreg s5  }
0xb0: {  	[dreg:$0x4] =	wrdreg $0xC0  }
0xb1: {  	_ =	task [dreg:s7], $0x5FFFF  }
0xb2: {  	[dreg:$0x1] =	wrdreg $0xFFFFFFFF  }
0xb3: {  	[dreg:$0x0] =	wrdreg $0x60  }
0xb4: {  	[dreg:$0x2] =	wrdreg s16  }
0xb5: {  	[dreg:$0x3] =	wrdreg s24  }
0xb6: {  	[dreg:$0x4] =	wrdreg $0x51000  }
0xb7: {  	[dreg:$0x5] =	wrdreg $0x9  }
0xb8: {  	_ =	task.clear_ibuf [dreg:s7], $0x6FFFF;
	_ =	strace $0x9000004F  }
0xb9: {  	s29 =	simm.s32 $0x9;
	_ =	strace $0x80000051  }
0xba: {  	_ =	swait.ge [sflag:s29], $0x1  }
0xbb: {  	[sflag:s29] =	ssyncadd.s32 $0xFFFFFFFF  }
0xbc: {  	_ =	strace $0x90000051  }
0xbd: {  	_ =	sfence  }
0xbe: {  	s30 =	sld [smem:$0x0];
	_ =	sdelay $0x2  }
0xbf: {  	s31 =	sshll.u32 s1, $0xD;
	s1 =	sshrl.u32 s1, $0x2  }
0xc0: {  	s3 =	sand.u32 $0x4000, s31;
	s1 =	sadd.s32 s1, s30  }
0xc1: {  	s0 =	sor.u32 s3, s0;
	s1 =	sshll.u32 s1, $0x11  }
0xc2: {  	s0 =	sor.u32 s1, s0  }
0xc3: {  	s0 =	sadd.s32 $0x8F2B, s0  }
0xc4: {  	[sflag:s0] =	ssyncadd.remote.s32 $0x1  }
0xc5: {  	_ =	sfence.sel $0xFFFF  }
0xc6: {  	[dreg:$0x0] =	wrdreg $0xFFFFFFFF;
	(pc) =	sbr.abs _section_cstart, $3  }
0xc7: {  	[dreg:$0x1] =	wrdreg $0xFFFFFFFF  }
0xc8: {  	_ =	task.clear_ibuf [dreg:s7], $0x2FFFF;
	_ =	strace $0x9FFFFFFF  }
0xc9: {  	(tm) =	ssettm $0x7FFFFFFF  }
tec
execute0_lowered:
.L_overlay_start_1:
0x0: {  	(tag) =	ssettag $0x1  }
0x1: {  	s12 =	rddreg [dreg:$0x0];
	s1 =	stileid.u32  }
0x2: {  	s6 =	rddreg [dreg:$0x1];
	s7 =	smul.u32 $0x13C00, s1  }
0x3: {  	s0 =	srdreg.scid;
	s13 =	smul.u32 $0x4F000, s1  }
0x4: {  	s2 =	rddreg [dreg:$0x2];
	s16 =	smul.u32 $0x4E20, s1  }
0x5: {  	s3 =	simm.s32 $0x0;
	s11 =	sand.u32 $0x1, s0;
	s26 =	smul.u32 $0x4E200, s1  }
0x6: {  	s28 =	simm.s32 $0x0;
	[smem:$0x7FF] =	sst s3;
	s5 =	smul.u32 $0x13C000, s11  }
0x7: {  	s4 =	sadd.s32 $0x11C00, s6;
	s10 =	sshll.u32 s1, $0x1;
	s19 =	smul.u32 $0x2710, s11  }
0x8: {  	s8 =	ssub.s32 $0x2, s11;
	s21 =	sor.u32 s11, s10;
	s20 =	smul.u32 $0x27100, s11  }
0x9: {  	_ =	strace $0x80000050;
	s9 =	sshrl.u32 s8, $0x1;
	s22 =	smul.u32 $0x2710, s21  }
0xa: {  	s23 =	sshrl.u32 s13, $0x2;
	s10 =	smul.u32 $0x27100, s21;
	s29 =	sadd.s32 s26, s12  }
0xb: {  	s21 =	simm.s32 $0x2900;
	s26 =	simm.s32 $0x4;
	s7 =	sadd.s32 s7, s5  }
0xc: {  	s5 =	sadd.s32 $0x4FDA00, s6;
	s15 =	ssub.s32 s8, s9;
	s17 =	sadd.s32 s23, s2  }
0xd: {  	s16 =	sadd.s32 s19, s16;
	s31 =	sadd.s32 s20, s29;
	s19 =	simm.s32 $0x100  }
0xe: {  	s20 =	simm.s32 $0x80;
	s23 =	simm.s32 $0x50;
	s7 =	sshrl.u32 s7, $0x3  }
0xf: {  	s24 =	sshrl.u32 s22, $0x3;
	s25 =	sadd.s32 $0x50, s22;
	s9 =	sadd.s32 s12, s10  }
0x10: {  	s30 =	sadd.s32 $0xF0, s16;
	s16 =	sadd.s32 $0xA0, s16;
	s17 =	sshrl.u32 s17, $0x3  }
0x11: {  	s22 =	simm.s32 $0x2;
	s14 =	sadd.s32 s7, s6;
	s6 =	sshll.u32 s1, $0x6  }
.Ltmp0:
0x12: {  	s8 =	sadd.s32 s4, s24;
	s18 =	sshrl.u32 s25, $0x3;
	(pc) =	sbr.rel .LBB2_1-.Ltmp0, $4  }
0x13: {  	s13 =	sshll.u32 s25, $0x4;
	s24 =	simm.s32 $0x5;
	s25 =	simm.s32 $0x3  }
0x14: {  	s7 =	sor.u32 $0x1C01, s6;
	s10 =	sadd.s32 s4, s18;
	s11 =	sadd.s32 s12, s13  }
0x15: {  	s12 =	sadd.s32 $0x1BA00, s14;
	s18 =	sshrl.u32 s30, $0x3;
	s13 =	smax.u32 s15, $0x1  }
0x16: {  	s14 =	sadd.s32 $0xF00, s31;
	s15 =	sadd.s32 s18, s4;
	s18 =	simm.s32 $0x1  }
.LBB2_4:
0x17: {  	_ =	swait.ge [sflag:s18], $0x50  }
0x18: {  	[sflag:s18] =	ssyncset.done $0x0  }
0x19: {  	[sflag:s18] =	ssyncadd.s32 $0xFFFFFFB0  }
0x1a: {  	_ =	swait.ge [sflag:s22], $0x2800  }
0x1b: {  	[sflag:s22] =	ssyncset.done $0x0  }
0x1c: {  	[sflag:s22] =	ssyncadd.s32 $0xFFFFD800  }
0x1d: {  	[spmem:s2] =	stream.indirect.scatter.add.f32 [tilespmem:s19], [sflag:$0x5], $0x80, s3, s23, $0xb8;
	[tilespmem:$0x18D00] =	vst v63  }
0x1e: {  	_ =	swait.ge [sflag:s24], $0x2800  }
0x1f: {  	s28 =	sadd.s32 $0x1, s28;
	[sflag:s24] =	ssyncset.done $0x0  }
0x20: {  	p0 =	sne.s32 s28, s13;
	[sflag:s24] =	ssyncadd.s32 $0xFFFFD800  }
.Ltmp1:
0x21: {  	s0 =	sor.u32 $0x1C05, s6;
	[bflag:$0x0] =	sbarrier.arrive $0xFFFF;
	(pc) =	sbr.rel @!p0 .LBB2_5-.Ltmp1, $4  }
0x22: {  	[hbm:s12], [sflag:s0] =	dma.local [spmem:s17], $0x2780  }
0x23: {  	_ =	swait.ge [sflag:s24], $0x2780  }
0x24: {  	[sflag:s24] =	ssyncset.done $0x0  }
0x25: {  	[sflag:s24] =	ssyncadd.s32 $0xFFFFD880  }
.LBB2_1:
0x26: {  	[spmem:s17], [sflag:s7] =	dma.local [hbm:s5], $0x2780  }
0x27: {  	_ =	swait.ge [sflag:s18], $0x2780  }
0x28: {  	[sflag:s18] =	ssyncset.done $0x0  }
0x29: {  	[sflag:s18] =	ssyncadd.s32 $0xFFFFD880  }
0x2a: {  	[bflag:$0x0] =	sbarrier.arrive $0xFFFF  }
0x2b: {  	[tilespmem:s3], [sflag:$0x1] =	stream.linear.gather [hbm4b:s8+s3], $0x50, $0x38;
	[tilespmem:$0x18D00] =	vst v63  }
0x2c: {  	_ = 	snop  }
0x2d: {  	[tilespmem:s19], [sflag:$0x2] =	stream.linear.gather [hbm4b:s9+s3], $0x2800, $0x38;
	[tilespmem:$0x18D00] =	vst v63  }
0x2e: {  	_ = 	snop  }
0x2f: {  	[tilespmem:s20], [sflag:$0x3] =	stream.linear.gather [hbm4b:s10+s3], $0x50, $0x38;
	[tilespmem:$0x18D00] =	vst v63  }
0x30: {  	s29 =	smov.u32 s16;
	s30 =	smov.u32 s14;
	s31 =	simm.s32 $0x0  }
0x31: {  	[tilespmem:s21], [sflag:$0x4] =	stream.linear.gather [hbm4b:s11+s3], $0x2800, $0x38;
	[tilespmem:$0x18D00] =	vst v63  }
.LBB2_2:
0x32: {  	_ =	swait.ge [sflag:s18], $0x50  }
0x33: {  	[sflag:s18] =	ssyncset.done $0x0  }
0x34: {  	[sflag:s18] =	ssyncadd.s32 $0xFFFFFFB0  }
0x35: {  	_ =	swait.ge [sflag:s22], $0x2800  }
0x36: {  	[sflag:s22] =	ssyncset.done $0x0  }
0x37: {  	[sflag:s22] =	ssyncadd.s32 $0xFFFFD800  }
0x38: {  	[spmem:s2] =	stream.indirect.scatter.add.f32 [tilespmem:s19], [sflag:$0x5], $0x80, s3, s23, $0xb8;
	[tilespmem:$0x18D00] =	vst v63  }
0x39: {  	_ =	swait.ge [sflag:s24], $0x2800  }
0x3a: {  	s0 =	sshrl.u32 s29, $0x3;
	[sflag:s24] =	ssyncset.done $0x0  }
0x3b: {  	s0 =	sadd.s32 s4, s0;
	[sflag:s24] =	ssyncadd.s32 $0xFFFFD800  }
0x3c: {  	[tilespmem:s3], [sflag:$0x1] =	stream.linear.gather [hbm4b:s0+s3], $0x50, $0x38;
	[tilespmem:$0x18D00] =	vst v63  }
0x3d: {  	s0 =	sadd.s32 $0xFFFFFB00, s30  }
0x3e: {  	[tilespmem:s19], [sflag:$0x2] =	stream.linear.gather [hbm4b:s0+s3], $0x2800, $0x38;
	[tilespmem:$0x18D00] =	vst v63  }
0x3f: {  	_ =	swait.ge [sflag:s25], $0x50  }
0x40: {  	[sflag:s25] =	ssyncset.done $0x0  }
0x41: {  	[sflag:s25] =	ssyncadd.s32 $0xFFFFFFB0  }
0x42: {  	_ =	swait.ge [sflag:s26], $0x2800  }
0x43: {  	p0 =	seq.s32 s31, $0x4C4;
	[sflag:s26] =	ssyncset.done $0x0  }
.Ltmp2:
0x44: {  	[sflag:s26] =	ssyncadd.s32 $0xFFFFD800;
	(pc) =	sbr.rel @p0 .LBB2_4-.Ltmp2, $4  }
0x45: {  	[spmem:s2] =	stream.indirect.scatter.add.f32 [tilespmem:s21], [sflag:$0x5], $0x80, s20, s23, $0xb8;
	[tilespmem:$0x18D00] =	vst v63  }
0x46: {  	_ =	swait.ge [sflag:s24], $0x2800  }
0x47: {  	[sflag:s24] =	ssyncset.done $0x0  }
0x48: {  	[sflag:s24] =	ssyncadd.s32 $0xFFFFD800  }
.Ltmp3:
0x49: {  	s0 =	sadd.s32 s31, s15;
	(pc) =	sbr.rel .LBB2_2-.Ltmp3, $4  }
0x4a: {  	[tilespmem:s20], [sflag:$0x3] =	stream.linear.gather [hbm4b:s0+s3], $0x50, $0x38;
	[tilespmem:$0x18D00] =	vst v63  }
0x4b: {  	_ = 	snop  }
0x4c: {  	[tilespmem:s21], [sflag:$0x4] =	stream.linear.gather [hbm4b:s30+s3], $0x2800, $0x38;
	[tilespmem:$0x18D00] =	vst v63  }
0x4d: {  	s31 =	sadd.s32 $0x14, s31;
	s29 =	sadd.s32 $0xA0, s29;
	s30 =	sadd.s32 $0xA00, s30  }
.LBB2_5:
0x4e: {  	_ =	sfence.sel $0x180000  }
0x4f: {  	[bflag:$0x0] =	sbarrier.arrive $0xFFFF  }
0x50: {  	_ =	strace $0x90000050  }
0x51: {  	[bflag:$0x2] =	sbarrier.arrive $0xFFFF  }
0x52: {  	p0 =	sne.s32 s1, $0x0;
	s0 =	rddreg [dreg:$0x3]  }
0x53: {  	s0 =	sadd.s32 @!p0 $0x100000, s0  }
0x54: {  	[sflag:s0] =	ssyncadd.tile.s32 @!p0 $0x1;
	_ =	shalt  }
.Lfunc_end2:
_tile_overlayer_lowered:
.L_overlay_start_2:
0x55: {  	(tag) =	ssettag $0x2  }
0x56: {  	s0 =	rddreg [dreg:$0x0];
	s2 =	stileid.u32  }
0x57: {  	s1 =	rddreg [dreg:$0x1];
	p0 =	sne.s32 s2, $0x0  }
0x58: {  	s3 =	rddreg [dreg:$0x2];
	[bflag:$0x3] =	sbarrier.arrive $0xFFFF;
	s2 =	simm.s32 @!p0 $0x1C05  }
0x59: {  	[timem:s3], [sflag:s2] =	dma.local @!p0 [hbm:s0], s1  }
0x5a: {  	s0 =	simm.s32 @!p0 $0x5  }
0x5b: {  	_ =	swait.ge @!p0 [sflag:s0], s1  }
0x5c: {  	s1 =	ssub.s32 @!p0 $0x0, s1;
	[sflag:s0] =	ssyncset.done @!p0 $0x0  }
0x5d: {  	[sflag:s0] =	ssyncadd.s32 @!p0 s1  }
0x5e: {  	[bflag:$0x3] =	sbarrier.arrive $0xFFFF  }
0x5f: {  	_ =	shalt  }

</sc_bundles>
